<compile_context>
chip_gen: v7x
topology: tpu7x:2x2x1
jax: 0.10.2.dev20260603
libtpu: 0.0.44.dev20260713+nightly
codegen_flags: <defaults>
</compile_context>

<pallas_src>
import jax
import jax.numpy as jnp
from jax import lax
from jax.experimental import pallas as pl
from jax.experimental.pallas import tpu as pltpu
from jax.experimental.pallas import tpu_sc as plsc

NUM_ENTS = 1000000
NUM_RELS = 1000
DIM = 64
BB = 4096
NEG = 256
GAMMA = 12.0

L = 16
NC, NS = 2, 16
NW = NC * NS
BPW = BB // NW
NCH = DIM // L
HALF = NEG // 2


def _hsum16(tb):
    rows = lax.iota(jnp.int32, L)
    s = None
    for c in range(L):
        col = plsc.load_gather(tb, [rows, jnp.full((L,), c, jnp.int32)])
        s = col if s is None else s + col
    return s


def _sc_body(ent, rel, wrh, wrt, hidx, ridx, tidx, neg,
             pos_out, negl1_out,
             idx0, nidx, bufc, bufh, bufw, bufwt, rows2, tb, out_v, pos_v,
             sem, gsem, nsem):
    wid = lax.axis_index("s") * NC + lax.axis_index("c")
    base = wid * BPW

    ncopy = pltpu.async_copy(neg.at[pl.ds(2 * base, 2 * BPW), :], nidx, nsem)

    pltpu.sync_copy(ridx.at[pl.ds(base, BPW)], idx0)
    c0 = pltpu.async_copy(rel.at[idx0], bufc, sem)
    c1 = pltpu.async_copy(wrh.at[idx0], bufw, sem)
    c2 = pltpu.async_copy(wrt.at[idx0], bufwt, sem)
    c0.wait()
    c1.wait()
    c2.wait()

    pltpu.sync_copy(hidx.at[pl.ds(base, BPW)], idx0)
    pltpu.async_copy(ent.at[idx0], bufh, sem).wait()

    def cbody(b, carry):
        for k in range(NCH):
            sl = pl.ds(k * L, L)
            bufc[b, sl] = bufw[b, sl] * bufh[b, sl] + bufc[b, sl]
        return carry
    lax.fori_loop(0, BPW, cbody, 0)

    pltpu.sync_copy(tidx.at[pl.ds(base, BPW)], idx0)
    pltpu.async_copy(ent.at[idx0], bufh, sem).wait()

    def pbody(g, carry):
        for j in range(L):
            b = g * L + j
            acc = None
            for k in range(NCH):
                sl = pl.ds(k * L, L)
                d = jnp.abs(bufc[b, sl] - bufwt[b, sl] * bufh[b, sl])
                acc = d if acc is None else acc + d
            tb[j, :] = acc
        pos_v[pl.ds(g * L, L)] = _hsum16(tb)
        return carry
    lax.fori_loop(0, BPW // L, pbody, 0)
    pltpu.sync_copy(pos_v, pos_out.at[pl.ds(base, BPW)])

    ncopy.wait()

    NCHK = 4
    CH = NEG // NCHK
    PERH = HALF // CH

    def _start(b, slot):
        for c in range(NCHK):
            idx = nidx.at[2 * b + c // PERH, pl.ds((c % PERH) * CH, CH)]
            pltpu.async_copy(ent.at[idx],
                             rows2.at[slot, pl.ds(c * CH, CH)],
                             gsem.at[slot])

    def _wait(b, slot):
        for c in range(NCHK):
            idx = nidx.at[2 * b + c // PERH, pl.ds((c % PERH) * CH, CH)]
            pltpu.make_async_copy(ent.at[idx],
                                  rows2.at[slot, pl.ds(c * CH, CH)],
                                  gsem.at[slot]).wait()

    _start(0, 0)

    def nbody(b, carry):
        bg = base + b
        slot = lax.rem(b, 2)

        @pl.when(b + 1 < BPW)
        def _():
            _start(b + 1, lax.rem(b + 1, 2))

        _wait(b, slot)
        cs = [bufc[b, pl.ds(k * L, L)] for k in range(NCH)]
        ws = [bufwt[b, pl.ds(k * L, L)] for k in range(NCH)]

        def jbody(jg, carry2):
            for j2 in range(L):
                r0 = jg * L + j2
                acc = None
                for k in range(NCH):
                    d = jnp.abs(cs[k] - ws[k] * rows2[slot, r0,
                                                     pl.ds(k * L, L)])
                    acc = d if acc is None else acc + d
                tb[j2, :] = acc
            out_v[pl.ds(jg * L, L)] = _hsum16(tb)
            return carry2
        lax.fori_loop(0, NEG // L, jbody, 0)
        pltpu.sync_copy(out_v, negl1_out.at[bg])
        return carry
    lax.fori_loop(0, BPW, nbody, 0)


_sc_call = pl.kernel(
    _sc_body,
    out_type=[jax.ShapeDtypeStruct((BB,), jnp.float32),
              jax.ShapeDtypeStruct((BB, NEG), jnp.float32)],
    mesh=plsc.VectorSubcoreMesh(core_axis_name="c", subcore_axis_name="s"),
    scratch_types=[
        pltpu.VMEM((BPW,), jnp.int32),
        pltpu.VMEM((2 * BPW, HALF), jnp.int32),
        pltpu.VMEM((BPW, DIM), jnp.float32),
        pltpu.VMEM((BPW, DIM), jnp.float32),
        pltpu.VMEM((BPW, DIM), jnp.float32),
        pltpu.VMEM((BPW, DIM), jnp.float32),
        pltpu.VMEM((2, NEG, DIM), jnp.float32),
        pltpu.VMEM((L, L), jnp.float32),
        pltpu.VMEM((NEG,), jnp.float32),
        pltpu.VMEM((BPW,), jnp.float32),
        pltpu.SemaphoreType.DMA,
        pltpu.SemaphoreType.DMA((2,)),
        pltpu.SemaphoreType.DMA,
    ],
    compiler_params=pltpu.CompilerParams(needs_layout_passes=False,
                                         use_tc_tiling_on_sc=False),
)


def _score_body(pos_ref, negl1_ref, w_ref, pos_out, neg_out):
    w = w_ref[...]
    ns = GAMMA - negl1_ref[...]
    m = jnp.max(ns, axis=-1, keepdims=True)
    e = jnp.exp(ns - m)
    z = jnp.sum(e, axis=-1, keepdims=True)
    sp = jnp.maximum(ns, 0.0) + jnp.log1p(jnp.exp(-jnp.abs(ns)))
    neg_out[...] = w * (jnp.sum(e * sp, axis=-1, keepdims=True) / z)
    ps = pos_ref[...] - GAMMA
    pos_out[...] = w * (jnp.maximum(ps, 0.0) + jnp.log1p(jnp.exp(-jnp.abs(ps))))


_score_call = pl.pallas_call(
    _score_body,
    out_shape=[jax.ShapeDtypeStruct((BB, 1), jnp.float32),
               jax.ShapeDtypeStruct((BB, 1), jnp.float32)],
)

_ENT_BLK = 8192


def _ent_norm_body(x_ref, n_ref):
    x = x_ref[...]
    n_ref[...] = jnp.sqrt(jnp.sum(x * x, axis=1))


_ent_norm_call = pl.pallas_call(
    _ent_norm_body,
    grid=((NUM_ENTS + _ENT_BLK - 1) // _ENT_BLK,),
    in_specs=[pl.BlockSpec((_ENT_BLK, DIM), lambda i: (i, 0))],
    out_specs=pl.BlockSpec((_ENT_BLK,), lambda i: (i,)),
    out_shape=jax.ShapeDtypeStruct((NUM_ENTS,), jnp.float32),
)


def _rel_norm_body(x_ref, o_ref):
    x = x_ref[...]
    o_ref[...] = jnp.sqrt(jnp.sum(x * x, axis=1))


_rel_norm_call = pl.pallas_call(
    _rel_norm_body,
    out_shape=jax.ShapeDtypeStruct((NUM_RELS,), jnp.float32),
)


def kernel(sample, weight, neg_ents, ent_embd, rel_embd, wrh, wrt):
    hidx = sample[:, 0]
    ridx = sample[:, 1]
    tidx = sample[:, 2]
    ent_reg = _ent_norm_call(ent_embd)
    pos_l1, neg_l1 = _sc_call(ent_embd, rel_embd, wrh, wrt,
                              hidx, ridx, tidx,
                              neg_ents.reshape(2 * BB, HALF))
    pos_loss, neg_loss = _score_call(pos_l1.reshape(BB, 1), neg_l1,
                                     weight.reshape(BB, 1))
    rel_reg = _rel_norm_call(rel_embd)
    return ent_reg, rel_reg, pos_loss[:, 0], neg_loss[:, 0]

# --- scband reference (transcript-rebuilt; emitter-appended) ---
"""Pipeline reference for scband-linea-re-76089640616134 (READ-ONLY COPY).

The authoritative reference and input builder live on the scoring server;
editing this copy changes nothing except your own understanding.
"""

import jax, jax.numpy as jnp
import numpy as np

NUM_ENTS = 1000000
NUM_RELS = 1000
DIM = 64
B = 4096
NEG = 256
GAMMA = 12.0
ALPHA = 1.0


def setup_inputs(seed: int = 0) -> dict:
    key = jax.random.key(seed)
    ks = jax.random.split(key, 6)
    sample = jax.random.randint(ks[0], (B, 3), 0, NUM_RELS, dtype=jnp.int32)
    weight = jax.random.uniform(ks[1], (B,), dtype=jnp.float32)
    neg_ents = jax.random.randint(ks[2], (B, NEG), 0, NUM_ENTS, dtype=jnp.int32)
    # kaiming_normal_ fan_in init for embeddings; wrh/wrt initialized to zeros per module
    ent_embd = jax.random.normal(ks[3], (NUM_ENTS, DIM), dtype=jnp.float32) * np.sqrt(2.0 / DIM)
    rel_embd = jax.random.normal(ks[4], (NUM_RELS, DIM), dtype=jnp.float32) * np.sqrt(2.0 / DIM)
    wrh = jnp.zeros((NUM_RELS, DIM), dtype=jnp.float32)
    wrt = jnp.zeros((NUM_RELS, DIM), dtype=jnp.float32)
    return {"sample": sample, "weight": weight, "neg_ents": neg_ents,
            "ent_embd": ent_embd, "rel_embd": rel_embd, "wrh": wrh, "wrt": wrt}


def _l1_norm(x):
    # config.norm_p = 1
    return jnp.sum(jnp.abs(x), axis=-1)


def reference(sample, weight, neg_ents, ent_embd, rel_embd, wrh, wrt):
    # _train path with ht='tail-batch'; dropout is identity (eval); softplus beta=1
    h = jnp.take(ent_embd, sample[:, 0], axis=0)[:, None, :]
    r = jnp.take(rel_embd, sample[:, 1], axis=0)[:, None, :]
    t = jnp.take(ent_embd, sample[:, 2], axis=0)[:, None, :]
    wh = jnp.take(wrh, sample[:, 1], axis=0)[:, None, :]
    wt = jnp.take(wrt, sample[:, 1], axis=0)[:, None, :]
    neg_embd = jnp.take(ent_embd, neg_ents, axis=0)  # [B, NEG, DIM]

    score = wh * h + r - wt * t  # [B, 1, DIM]
    pos_score = _l1_norm(score) - GAMMA  # [B, 1]
    pos_score = jax.nn.softplus(jnp.squeeze(pos_score, axis=-1))  # [B]

    score = wh * h + r - wt * neg_embd  # tail-batch, [B, NEG, DIM]
    neg_score = GAMMA - _l1_norm(score)  # [B, NEG]
    neg_prob = jax.lax.stop_gradient(jax.nn.softmax(neg_score * ALPHA, axis=-1))
    neg_score = jnp.sum(neg_prob * jax.nn.softplus(neg_score), axis=-1)  # [B]

    pos_loss = weight * pos_score
    neg_loss = weight * neg_score
    ent_reg = jnp.linalg.norm(ent_embd, ord=2, axis=-1)
    rel_reg = jnp.linalg.norm(rel_embd, ord=2, axis=-1)
    return (ent_reg, rel_reg, pos_loss, neg_loss)

if __name__ == "__main__":
    import jax
    _d = setup_inputs()
    print(jax.jit(kernel)(*tuple(_d.values())))

</pallas_src>

<mosaic_0001>
#map = affine_map<(d0, d1) -> (0, 0)>
#map1 = affine_map<(d0, d1) -> (0)>
module attributes {stable_mosaic.version = 14 : i64} {
  func.func @_sc_body(%arg0: i32, %arg1: i32, %arg2: memref<1000000x64xf32, #tpu.memory_space<hbm>>, %arg3: memref<1000x64xf32, #tpu.memory_space<hbm>>, %arg4: memref<1000x64xf32, #tpu.memory_space<hbm>>, %arg5: memref<1000x64xf32, #tpu.memory_space<hbm>>, %arg6: memref<4096xi32, #tpu.memory_space<hbm>>, %arg7: memref<4096xi32, #tpu.memory_space<hbm>>, %arg8: memref<4096xi32, #tpu.memory_space<hbm>>, %arg9: memref<8192x128xi32, #tpu.memory_space<hbm>>, %arg10: memref<4096xf32, #tpu.memory_space<hbm>>, %arg11: memref<4096x256xf32, #tpu.memory_space<hbm>>, %arg12: memref<128xi32, #tpu.memory_space<vmem>>, %arg13: memref<256x128xi32, #tpu.memory_space<vmem>>, %arg14: memref<128x64xf32, #tpu.memory_space<vmem>>, %arg15: memref<128x64xf32, #tpu.memory_space<vmem>>, %arg16: memref<128x64xf32, #tpu.memory_space<vmem>>, %arg17: memref<128x64xf32, #tpu.memory_space<vmem>>, %arg18: memref<2x256x64xf32, #tpu.memory_space<vmem>>, %arg19: memref<16x16xf32, #tpu.memory_space<vmem>>, %arg20: memref<256xf32, #tpu.memory_space<vmem>>, %arg21: memref<128xf32, #tpu.memory_space<vmem>>, %arg22: memref<!tpu.dma_semaphore, #tpu.memory_space<semaphore_mem>>, %arg23: memref<2x!tpu.dma_semaphore, #tpu.memory_space<semaphore_mem>>, %arg24: memref<!tpu.dma_semaphore, #tpu.memory_space<semaphore_mem>>) attributes {dimension_semantics = [#tpu.dimension_semantics<core_parallel>, #tpu.dimension_semantics<subcore_parallel>], iteration_bounds = array<i64: 2, 16>, scalar_prefetch = 0 : i64, scratch_operands = 13 : i64, tpu.core_type = #tpu.core_type<sc_vector_subcore>, window_params = [{transform_indices = #map}, {transform_indices = #map}, {transform_indices = #map}, {transform_indices = #map}, {transform_indices = #map1}, {transform_indices = #map1}, {transform_indices = #map1}, {transform_indices = #map}, {transform_indices = #map1}, {transform_indices = #map}]} {
    %mul3A = arith.constant 2 : i32
    %mul3A_0 = arith.muli %arg1, %mul3A : i32
    %add3A = arith.addi %mul3A_0, %arg0 : i32
    %mul3A_1 = arith.constant 128 : i32
    %mul3A_2 = arith.muli %add3A, %mul3A_1 : i32
    %mul3A_3 = arith.constant 2 : i32
    %mul3A_4 = arith.muli %mul3A_3, %mul3A_2 : i32
    %dma_start3A = arith.constant 0 : i32
    %dma_start3A_5 = tpu.memref_slice %arg9[%mul3A_4, %dma_start3A] : memref<8192x128xi32, #tpu.memory_space<hbm>> -> memref<256x128xi32, #tpu.memory_space<hbm>>
    %dma_start3A_6 = arith.constant 0 : i32
    %dma_start3A_7 = tpu.memref_slice %arg9[%mul3A_4, %dma_start3A_6] : memref<8192x128xi32, #tpu.memory_space<hbm>> -> memref<256x128xi32, #tpu.memory_space<hbm>>
    tpu.enqueue_dma source(%dma_start3A_7 : memref<256x128xi32, #tpu.memory_space<hbm>>) target(%arg13 : memref<256x128xi32, #tpu.memory_space<vmem>>) target_semaphore(%arg24 : memref<!tpu.dma_semaphore, #tpu.memory_space<semaphore_mem>>)
    "tpu.region"() ({
      %run_scoped3A = tpu.sem_alloc : memref<!tpu.dma_semaphore, #tpu.memory_space<semaphore_mem>>
      %dma_start3A_118 = tpu.memref_slice %arg7[%mul3A_2] : memref<4096xi32, #tpu.memory_space<hbm>> -> memref<128xi32, #tpu.memory_space<hbm>>
      %dma_start3A_119 = tpu.memref_slice %arg7[%mul3A_2] : memref<4096xi32, #tpu.memory_space<hbm>> -> memref<128xi32, #tpu.memory_space<hbm>>
      tpu.enqueue_dma source(%dma_start3A_119 : memref<128xi32, #tpu.memory_space<hbm>>) target(%arg12 : memref<128xi32, #tpu.memory_space<vmem>>) target_semaphore(%run_scoped3A : memref<!tpu.dma_semaphore, #tpu.memory_space<semaphore_mem>>)
      %dma_wait3A_120 = tpu.memref_slice %arg7[%mul3A_2] : memref<4096xi32, #tpu.memory_space<hbm>> -> memref<128xi32, #tpu.memory_space<hbm>>
      %dma_wait3A_121 = tpu.memref_slice %arg7[%mul3A_2] : memref<4096xi32, #tpu.memory_space<hbm>> -> memref<128xi32, #tpu.memory_space<hbm>>
      tpu.wait_dma2 semaphore(%run_scoped3A : memref<!tpu.dma_semaphore, #tpu.memory_space<semaphore_mem>>) src(%dma_wait3A_121 : memref<128xi32, #tpu.memory_space<hbm>>) dst(%arg12 : memref<128xi32, #tpu.memory_space<vmem>>)
      tpu.yield
    }) : () -> ()
    %dma_start3A_8 = arith.constant 0 : i32
    %dma_start3A_9 = arith.constant 0 : i32
    %dma_start3A_10 = tpu.memref_slice %arg3[%dma_start3A_8, %dma_start3A_9] : memref<1000x64xf32, #tpu.memory_space<hbm>> -> memref<1000x64xf32, #tpu.memory_space<hbm>>
    tpu.enqueue_indirect_dma source(%dma_start3A_10 : memref<1000x64xf32, #tpu.memory_space<hbm>>) target(%arg14 : memref<128x64xf32, #tpu.memory_space<vmem>>) offsets(%arg12 : memref<128xi32, #tpu.memory_space<vmem>>) semaphore(%arg22 : memref<!tpu.dma_semaphore, #tpu.memory_space<semaphore_mem>>)
    %dma_start3A_11 = arith.constant 0 : i32
    %dma_start3A_12 = arith.constant 0 : i32
    %dma_start3A_13 = tpu.memref_slice %arg4[%dma_start3A_11, %dma_start3A_12] : memref<1000x64xf32, #tpu.memory_space<hbm>> -> memref<1000x64xf32, #tpu.memory_space<hbm>>
    tpu.enqueue_indirect_dma source(%dma_start3A_13 : memref<1000x64xf32, #tpu.memory_space<hbm>>) target(%arg16 : memref<128x64xf32, #tpu.memory_space<vmem>>) offsets(%arg12 : memref<128xi32, #tpu.memory_space<vmem>>) semaphore(%arg22 : memref<!tpu.dma_semaphore, #tpu.memory_space<semaphore_mem>>)
    %dma_start3A_14 = arith.constant 0 : i32
    %dma_start3A_15 = arith.constant 0 : i32
    %dma_start3A_16 = tpu.memref_slice %arg5[%dma_start3A_14, %dma_start3A_15] : memref<1000x64xf32, #tpu.memory_space<hbm>> -> memref<1000x64xf32, #tpu.memory_space<hbm>>
    tpu.enqueue_indirect_dma source(%dma_start3A_16 : memref<1000x64xf32, #tpu.memory_space<hbm>>) target(%arg17 : memref<128x64xf32, #tpu.memory_space<vmem>>) offsets(%arg12 : memref<128xi32, #tpu.memory_space<vmem>>) semaphore(%arg22 : memref<!tpu.dma_semaphore, #tpu.memory_space<semaphore_mem>>)
    %dma_wait3A = arith.constant 0 : i32
    %dma_wait3A_17 = arith.constant 0 : i32
    %dma_wait3A_18 = tpu.memref_slice %arg3[%dma_wait3A, %dma_wait3A_17] : memref<1000x64xf32, #tpu.memory_space<hbm>> -> memref<1000x64xf32, #tpu.memory_space<hbm>>
    tpu.wait_indirect_dma semaphore(%arg22 : memref<!tpu.dma_semaphore, #tpu.memory_space<semaphore_mem>>) src(%dma_wait3A_18 : memref<1000x64xf32, #tpu.memory_space<hbm>>) dst(%arg14 : memref<128x64xf32, #tpu.memory_space<vmem>>)
    %dma_wait3A_19 = arith.constant 0 : i32
    %dma_wait3A_20 = arith.constant 0 : i32
    %dma_wait3A_21 = tpu.memref_slice %arg4[%dma_wait3A_19, %dma_wait3A_20] : memref<1000x64xf32, #tpu.memory_space<hbm>> -> memref<1000x64xf32, #tpu.memory_space<hbm>>
    tpu.wait_indirect_dma semaphore(%arg22 : memref<!tpu.dma_semaphore, #tpu.memory_space<semaphore_mem>>) src(%dma_wait3A_21 : memref<1000x64xf32, #tpu.memory_space<hbm>>) dst(%arg16 : memref<128x64xf32, #tpu.memory_space<vmem>>)
    %dma_wait3A_22 = arith.constant 0 : i32
    %dma_wait3A_23 = arith.constant 0 : i32
    %dma_wait3A_24 = tpu.memref_slice %arg5[%dma_wait3A_22, %dma_wait3A_23] : memref<1000x64xf32, #tpu.memory_space<hbm>> -> memref<1000x64xf32, #tpu.memory_space<hbm>>
    tpu.wait_indirect_dma semaphore(%arg22 : memref<!tpu.dma_semaphore, #tpu.memory_space<semaphore_mem>>) src(%dma_wait3A_24 : memref<1000x64xf32, #tpu.memory_space<hbm>>) dst(%arg17 : memref<128x64xf32, #tpu.memory_space<vmem>>)
    "tpu.region"() ({
      %run_scoped3A = tpu.sem_alloc : memref<!tpu.dma_semaphore, #tpu.memory_space<semaphore_mem>>
      %dma_start3A_118 = tpu.memref_slice %arg6[%mul3A_2] : memref<4096xi32, #tpu.memory_space<hbm>> -> memref<128xi32, #tpu.memory_space<hbm>>
      %dma_start3A_119 = tpu.memref_slice %arg6[%mul3A_2] : memref<4096xi32, #tpu.memory_space<hbm>> -> memref<128xi32, #tpu.memory_space<hbm>>
      tpu.enqueue_dma source(%dma_start3A_119 : memref<128xi32, #tpu.memory_space<hbm>>) target(%arg12 : memref<128xi32, #tpu.memory_space<vmem>>) target_semaphore(%run_scoped3A : memref<!tpu.dma_semaphore, #tpu.memory_space<semaphore_mem>>)
      %dma_wait3A_120 = tpu.memref_slice %arg6[%mul3A_2] : memref<4096xi32, #tpu.memory_space<hbm>> -> memref<128xi32, #tpu.memory_space<hbm>>
      %dma_wait3A_121 = tpu.memref_slice %arg6[%mul3A_2] : memref<4096xi32, #tpu.memory_space<hbm>> -> memref<128xi32, #tpu.memory_space<hbm>>
      tpu.wait_dma2 semaphore(%run_scoped3A : memref<!tpu.dma_semaphore, #tpu.memory_space<semaphore_mem>>) src(%dma_wait3A_121 : memref<128xi32, #tpu.memory_space<hbm>>) dst(%arg12 : memref<128xi32, #tpu.memory_space<vmem>>)
      tpu.yield
    }) : () -> ()
    %dma_start3A_25 = arith.constant 0 : i32
    %dma_start3A_26 = arith.constant 0 : i32
    %dma_start3A_27 = tpu.memref_slice %arg2[%dma_start3A_25, %dma_start3A_26] : memref<1000000x64xf32, #tpu.memory_space<hbm>> -> memref<1000000x64xf32, #tpu.memory_space<hbm>>
    tpu.enqueue_indirect_dma source(%dma_start3A_27 : memref<1000000x64xf32, #tpu.memory_space<hbm>>) target(%arg15 : memref<128x64xf32, #tpu.memory_space<vmem>>) offsets(%arg12 : memref<128xi32, #tpu.memory_space<vmem>>) semaphore(%arg22 : memref<!tpu.dma_semaphore, #tpu.memory_space<semaphore_mem>>)
    %dma_wait3A_28 = arith.constant 0 : i32
    %dma_wait3A_29 = arith.constant 0 : i32
    %dma_wait3A_30 = tpu.memref_slice %arg2[%dma_wait3A_28, %dma_wait3A_29] : memref<1000000x64xf32, #tpu.memory_space<hbm>> -> memref<1000000x64xf32, #tpu.memory_space<hbm>>
    tpu.wait_indirect_dma semaphore(%arg22 : memref<!tpu.dma_semaphore, #tpu.memory_space<semaphore_mem>>) src(%dma_wait3A_30 : memref<1000000x64xf32, #tpu.memory_space<hbm>>) dst(%arg15 : memref<128x64xf32, #tpu.memory_space<vmem>>)
    %scan3A = arith.constant 0 : i32
    %scan3A_31 = arith.constant 0 : i32
    %scan3A_32 = arith.constant 128 : i32
    %scan3A_33 = arith.addi %scan3A_31, %scan3A_32 : i32
    %scan3A_34 = arith.constant 1 : i32
    scf.for %scan3A_118 = %scan3A_31 to %scan3A_33 step %scan3A_34  : i32 {
      %get3A = arith.index_cast %scan3A_118 : i32 to index
      %get3A_119 = arith.constant 0 : index
      %get3A_120 = tpu.vector_load %arg16[%get3A, %get3A_119] {strides = array<i32>} : memref<128x64xf32, #tpu.memory_space<vmem>>, vector<16xf32>,
      %get3A_121 = arith.index_cast %scan3A_118 : i32 to index
      %get3A_122 = arith.constant 0 : index
      %get3A_123 = tpu.vector_load %arg15[%get3A_121, %get3A_122] {strides = array<i32>} : memref<128x64xf32, #tpu.memory_space<vmem>>, vector<16xf32>,
      %mul3A_124 = arith.mulf %get3A_120, %get3A_123 : vector<16xf32>
      %get3A_125 = arith.index_cast %scan3A_118 : i32 to index
      %get3A_126 = arith.constant 0 : index
      %get3A_127 = tpu.vector_load %arg14[%get3A_125, %get3A_126] {strides = array<i32>} : memref<128x64xf32, #tpu.memory_space<vmem>>, vector<16xf32>,
      %add3A_128 = arith.addf %mul3A_124, %get3A_127 : vector<16xf32>
      %swap3A = arith.index_cast %scan3A_118 : i32 to index
      %swap3A_129 = arith.constant 0 : index
      %swap3A_130 = tpu.vector_load %arg14[%swap3A, %swap3A_129] {strides = array<i32>} : memref<128x64xf32, #tpu.memory_space<vmem>>, vector<16xf32>,
      tpu.vector_store %arg14[%swap3A, %swap3A_129], %add3A_128 {strides = array<i32>} : memref<128x64xf32, #tpu.memory_space<vmem>>, vector<16xf32>,
      %get3A_131 = arith.index_cast %scan3A_118 : i32 to index
      %get3A_132 = arith.constant 16 : index
      %get3A_133 = tpu.vector_load %arg16[%get3A_131, %get3A_132] {strides = array<i32>} : memref<128x64xf32, #tpu.memory_space<vmem>>, vector<16xf32>,
      %get3A_134 = arith.index_cast %scan3A_118 : i32 to index
      %get3A_135 = arith.constant 16 : index
      %get3A_136 = tpu.vector_load %arg15[%get3A_134, %get3A_135] {strides = array<i32>} : memref<128x64xf32, #tpu.memory_space<vmem>>, vector<16xf32>,
      %mul3A_137 = arith.mulf %get3A_133, %get3A_136 : vector<16xf32>
      %get3A_138 = arith.index_cast %scan3A_118 : i32 to index
      %get3A_139 = arith.constant 16 : index
      %get3A_140 = tpu.vector_load %arg14[%get3A_138, %get3A_139] {strides = array<i32>} : memref<128x64xf32, #tpu.memory_space<vmem>>, vector<16xf32>,
      %add3A_141 = arith.addf %mul3A_137, %get3A_140 : vector<16xf32>
      %swap3A_142 = arith.index_cast %scan3A_118 : i32 to index
      %swap3A_143 = arith.constant 16 : index
      %swap3A_144 = tpu.vector_load %arg14[%swap3A_142, %swap3A_143] {strides = array<i32>} : memref<128x64xf32, #tpu.memory_space<vmem>>, vector<16xf32>,
      tpu.vector_store %arg14[%swap3A_142, %swap3A_143], %add3A_141 {strides = array<i32>} : memref<128x64xf32, #tpu.memory_space<vmem>>, vector<16xf32>,
      %get3A_145 = arith.index_cast %scan3A_118 : i32 to index
      %get3A_146 = arith.constant 32 : index
      %get3A_147 = tpu.vector_load %arg16[%get3A_145, %get3A_146] {strides = array<i32>} : memref<128x64xf32, #tpu.memory_space<vmem>>, vector<16xf32>,
      %get3A_148 = arith.index_cast %scan3A_118 : i32 to index
      %get3A_149 = arith.constant 32 : index
      %get3A_150 = tpu.vector_load %arg15[%get3A_148, %get3A_149] {strides = array<i32>} : memref<128x64xf32, #tpu.memory_space<vmem>>, vector<16xf32>,
      %mul3A_151 = arith.mulf %get3A_147, %get3A_150 : vector<16xf32>
      %get3A_152 = arith.index_cast %scan3A_118 : i32 to index
      %get3A_153 = arith.constant 32 : index
      %get3A_154 = tpu.vector_load %arg14[%get3A_152, %get3A_153] {strides = array<i32>} : memref<128x64xf32, #tpu.memory_space<vmem>>, vector<16xf32>,
      %add3A_155 = arith.addf %mul3A_151, %get3A_154 : vector<16xf32>
      %swap3A_156 = arith.index_cast %scan3A_118 : i32 to index
      %swap3A_157 = arith.constant 32 : index
      %swap3A_158 = tpu.vector_load %arg14[%swap3A_156, %swap3A_157] {strides = array<i32>} : memref<128x64xf32, #tpu.memory_space<vmem>>, vector<16xf32>,
      tpu.vector_store %arg14[%swap3A_156, %swap3A_157], %add3A_155 {strides = array<i32>} : memref<128x64xf32, #tpu.memory_space<vmem>>, vector<16xf32>,
      %get3A_159 = arith.index_cast %scan3A_118 : i32 to index
      %get3A_160 = arith.constant 48 : index
      %get3A_161 = tpu.vector_load %arg16[%get3A_159, %get3A_160] {strides = array<i32>} : memref<128x64xf32, #tpu.memory_space<vmem>>, vector<16xf32>,
      %get3A_162 = arith.index_cast %scan3A_118 : i32 to index
      %get3A_163 = arith.constant 48 : index
      %get3A_164 = tpu.vector_load %arg15[%get3A_162, %get3A_163] {strides = array<i32>} : memref<128x64xf32, #tpu.memory_space<vmem>>, vector<16xf32>,
      %mul3A_165 = arith.mulf %get3A_161, %get3A_164 : vector<16xf32>
      %get3A_166 = arith.index_cast %scan3A_118 : i32 to index
      %get3A_167 = arith.constant 48 : index
      %get3A_168 = tpu.vector_load %arg14[%get3A_166, %get3A_167] {strides = array<i32>} : memref<128x64xf32, #tpu.memory_space<vmem>>, vector<16xf32>,
      %add3A_169 = arith.addf %mul3A_165, %get3A_168 : vector<16xf32>
      %swap3A_170 = arith.index_cast %scan3A_118 : i32 to index
      %swap3A_171 = arith.constant 48 : index
      %swap3A_172 = tpu.vector_load %arg14[%swap3A_170, %swap3A_171] {strides = array<i32>} : memref<128x64xf32, #tpu.memory_space<vmem>>, vector<16xf32>,
      tpu.vector_store %arg14[%swap3A_170, %swap3A_171], %add3A_169 {strides = array<i32>} : memref<128x64xf32, #tpu.memory_space<vmem>>, vector<16xf32>,
    }
    %scan3A_35 = arith.constant 128 : i32
    "tpu.region"() ({
      %run_scoped3A = tpu.sem_alloc : memref<!tpu.dma_semaphore, #tpu.memory_space<semaphore_mem>>
      %dma_start3A_118 = tpu.memref_slice %arg8[%mul3A_2] : memref<4096xi32, #tpu.memory_space<hbm>> -> memref<128xi32, #tpu.memory_space<hbm>>
      %dma_start3A_119 = tpu.memref_slice %arg8[%mul3A_2] : memref<4096xi32, #tpu.memory_space<hbm>> -> memref<128xi32, #tpu.memory_space<hbm>>
      tpu.enqueue_dma source(%dma_start3A_119 : memref<128xi32, #tpu.memory_space<hbm>>) target(%arg12 : memref<128xi32, #tpu.memory_space<vmem>>) target_semaphore(%run_scoped3A : memref<!tpu.dma_semaphore, #tpu.memory_space<semaphore_mem>>)
      %dma_wait3A_120 = tpu.memref_slice %arg8[%mul3A_2] : memref<4096xi32, #tpu.memory_space<hbm>> -> memref<128xi32, #tpu.memory_space<hbm>>
      %dma_wait3A_121 = tpu.memref_slice %arg8[%mul3A_2] : memref<4096xi32, #tpu.memory_space<hbm>> -> memref<128xi32, #tpu.memory_space<hbm>>
      tpu.wait_dma2 semaphore(%run_scoped3A : memref<!tpu.dma_semaphore, #tpu.memory_space<semaphore_mem>>) src(%dma_wait3A_121 : memref<128xi32, #tpu.memory_space<hbm>>) dst(%arg12 : memref<128xi32, #tpu.memory_space<vmem>>)
      tpu.yield
    }) : () -> ()
    %dma_start3A_36 = arith.constant 0 : i32
    %dma_start3A_37 = arith.constant 0 : i32
    %dma_start3A_38 = tpu.memref_slice %arg2[%dma_start3A_36, %dma_start3A_37] : memref<1000000x64xf32, #tpu.memory_space<hbm>> -> memref<1000000x64xf32, #tpu.memory_space<hbm>>
    tpu.enqueue_indirect_dma source(%dma_start3A_38 : memref<1000000x64xf32, #tpu.memory_space<hbm>>) target(%arg15 : memref<128x64xf32, #tpu.memory_space<vmem>>) offsets(%arg12 : memref<128xi32, #tpu.memory_space<vmem>>) semaphore(%arg22 : memref<!tpu.dma_semaphore, #tpu.memory_space<semaphore_mem>>)
    %dma_wait3A_39 = arith.constant 0 : i32
    %dma_wait3A_40 = arith.constant 0 : i32
    %dma_wait3A_41 = tpu.memref_slice %arg2[%dma_wait3A_39, %dma_wait3A_40] : memref<1000000x64xf32, #tpu.memory_space<hbm>> -> memref<1000000x64xf32, #tpu.memory_space<hbm>>
    tpu.wait_indirect_dma semaphore(%arg22 : memref<!tpu.dma_semaphore, #tpu.memory_space<semaphore_mem>>) src(%dma_wait3A_41 : memref<1000000x64xf32, #tpu.memory_space<hbm>>) dst(%arg15 : memref<128x64xf32, #tpu.memory_space<vmem>>)
    %scan3A_42 = arith.constant 0 : i32
    %scan3A_43 = arith.constant 0 : i32
    %scan3A_44 = arith.constant 8 : i32
    %scan3A_45 = arith.addi %scan3A_43, %scan3A_44 : i32
    %scan3A_46 = arith.constant 1 : i32
    scf.for %scan3A_118 = %scan3A_43 to %scan3A_45 step %scan3A_46  : i32 {
      %mul3A_119 = arith.constant 16 : i32
      %mul3A_120 = arith.muli %scan3A_118, %mul3A_119 : i32
      %add3A_121 = arith.constant 0 : i32
      %add3A_122 = arith.addi %mul3A_120, %add3A_121 : i32
      %get3A = arith.index_cast %add3A_122 : i32 to index
      %get3A_123 = arith.constant 0 : index
      %get3A_124 = tpu.vector_load %arg14[%get3A, %get3A_123] {strides = array<i32>} : memref<128x64xf32, #tpu.memory_space<vmem>>, vector<16xf32>,
      %get3A_125 = arith.index_cast %add3A_122 : i32 to index
      %get3A_126 = arith.constant 0 : index
      %get3A_127 = tpu.vector_load %arg17[%get3A_125, %get3A_126] {strides = array<i32>} : memref<128x64xf32, #tpu.memory_space<vmem>>, vector<16xf32>,
      %get3A_128 = arith.index_cast %add3A_122 : i32 to index
      %get3A_129 = arith.constant 0 : index
      %get3A_130 = tpu.vector_load %arg15[%get3A_128, %get3A_129] {strides = array<i32>} : memref<128x64xf32, #tpu.memory_space<vmem>>, vector<16xf32>,
      %mul3A_131 = arith.mulf %get3A_127, %get3A_130 : vector<16xf32>
      %sub3A = arith.subf %get3A_124, %mul3A_131 : vector<16xf32>
      %abs3A = math.absf %sub3A : vector<16xf32>
      %get3A_132 = arith.index_cast %add3A_122 : i32 to index
      %get3A_133 = arith.constant 16 : index
      %get3A_134 = tpu.vector_load %arg14[%get3A_132, %get3A_133] {strides = array<i32>} : memref<128x64xf32, #tpu.memory_space<vmem>>, vector<16xf32>,
      %get3A_135 = arith.index_cast %add3A_122 : i32 to index
      %get3A_136 = arith.constant 16 : index
      %get3A_137 = tpu.vector_load %arg17[%get3A_135, %get3A_136] {strides = array<i32>} : memref<128x64xf32, #tpu.memory_space<vmem>>, vector<16xf32>,
      %get3A_138 = arith.index_cast %add3A_122 : i32 to index
      %get3A_139 = arith.constant 16 : index
      %get3A_140 = tpu.vector_load %arg15[%get3A_138, %get3A_139] {strides = array<i32>} : memref<128x64xf32, #tpu.memory_space<vmem>>, vector<16xf32>,
      %mul3A_141 = arith.mulf %get3A_137, %get3A_140 : vector<16xf32>
      %sub3A_142 = arith.subf %get3A_134, %mul3A_141 : vector<16xf32>
      %abs3A_143 = math.absf %sub3A_142 : vector<16xf32>
      %add3A_144 = arith.addf %abs3A, %abs3A_143 : vector<16xf32>
      %get3A_145 = arith.index_cast %add3A_122 : i32 to index
      %get3A_146 = arith.constant 32 : index
      %get3A_147 = tpu.vector_load %arg14[%get3A_145, %get3A_146] {strides = array<i32>} : memref<128x64xf32, #tpu.memory_space<vmem>>, vector<16xf32>,
      %get3A_148 = arith.index_cast %add3A_122 : i32 to index
      %get3A_149 = arith.constant 32 : index
      %get3A_150 = tpu.vector_load %arg17[%get3A_148, %get3A_149] {strides = array<i32>} : memref<128x64xf32, #tpu.memory_space<vmem>>, vector<16xf32>,
      %get3A_151 = arith.index_cast %add3A_122 : i32 to index
      %get3A_152 = arith.constant 32 : index
      %get3A_153 = tpu.vector_load %arg15[%get3A_151, %get3A_152] {strides = array<i32>} : memref<128x64xf32, #tpu.memory_space<vmem>>, vector<16xf32>,
      %mul3A_154 = arith.mulf %get3A_150, %get3A_153 : vector<16xf32>
      %sub3A_155 = arith.subf %get3A_147, %mul3A_154 : vector<16xf32>
      %abs3A_156 = math.absf %sub3A_155 : vector<16xf32>
      %add3A_157 = arith.addf %add3A_144, %abs3A_156 : vector<16xf32>
      %get3A_158 = arith.index_cast %add3A_122 : i32 to index
      %get3A_159 = arith.constant 48 : index
      %get3A_160 = tpu.vector_load %arg14[%get3A_158, %get3A_159] {strides = array<i32>} : memref<128x64xf32, #tpu.memory_space<vmem>>, vector<16xf32>,
      %get3A_161 = arith.index_cast %add3A_122 : i32 to index
      %get3A_162 = arith.constant 48 : index
      %get3A_163 = tpu.vector_load %arg17[%get3A_161, %get3A_162] {strides = array<i32>} : memref<128x64xf32, #tpu.memory_space<vmem>>, vector<16xf32>,
      %get3A_164 = arith.index_cast %add3A_122 : i32 to index
      %get3A_165 = arith.constant 48 : index
      %get3A_166 = tpu.vector_load %arg15[%get3A_164, %get3A_165] {strides = array<i32>} : memref<128x64xf32, #tpu.memory_space<vmem>>, vector<16xf32>,
      %mul3A_167 = arith.mulf %get3A_163, %get3A_166 : vector<16xf32>
      %sub3A_168 = arith.subf %get3A_160, %mul3A_167 : vector<16xf32>
      %abs3A_169 = math.absf %sub3A_168 : vector<16xf32>
      %add3A_170 = arith.addf %add3A_157, %abs3A_169 : vector<16xf32>
      %swap3A = arith.constant 0 : i32
      %swap3A_171 = arith.index_cast %swap3A : i32 to index
      %swap3A_172 = arith.constant 0 : index
      %swap3A_173 = tpu.vector_load %arg19[%swap3A_171, %swap3A_172] {strides = array<i32>} : memref<16x16xf32, #tpu.memory_space<vmem>>, vector<16xf32>,
      tpu.vector_store %arg19[%swap3A_171, %swap3A_172], %add3A_170 {strides = array<i32>} : memref<16x16xf32, #tpu.memory_space<vmem>>, vector<16xf32>,
      %mul3A_174 = arith.constant 16 : i32
      %mul3A_175 = arith.muli %scan3A_118, %mul3A_174 : i32
      %add3A_176 = arith.constant 1 : i32
      %add3A_177 = arith.addi %mul3A_175, %add3A_176 : i32
      %get3A_178 = arith.index_cast %add3A_177 : i32 to index
      %get3A_179 = arith.constant 0 : index
      %get3A_180 = tpu.vector_load %arg14[%get3A_178, %get3A_179] {strides = array<i32>} : memref<128x64xf32, #tpu.memory_space<vmem>>, vector<16xf32>,
      %get3A_181 = arith.index_cast %add3A_177 : i32 to index
      %get3A_182 = arith.constant 0 : index
      %get3A_183 = tpu.vector_load %arg17[%get3A_181, %get3A_182] {strides = array<i32>} : memref<128x64xf32, #tpu.memory_space<vmem>>, vector<16xf32>,
      %get3A_184 = arith.index_cast %add3A_177 : i32 to index
      %get3A_185 = arith.constant 0 : index
      %get3A_186 = tpu.vector_load %arg15[%get3A_184, %get3A_185] {strides = array<i32>} : memref<128x64xf32, #tpu.memory_space<vmem>>, vector<16xf32>,
      %mul3A_187 = arith.mulf %get3A_183, %get3A_186 : vector<16xf32>
      %sub3A_188 = arith.subf %get3A_180, %mul3A_187 : vector<16xf32>
      %abs3A_189 = math.absf %sub3A_188 : vector<16xf32>
      %get3A_190 = arith.index_cast %add3A_177 : i32 to index
      %get3A_191 = arith.constant 16 : index
      %get3A_192 = tpu.vector_load %arg14[%get3A_190, %get3A_191] {strides = array<i32>} : memref<128x64xf32, #tpu.memory_space<vmem>>, vector<16xf32>,
      %get3A_193 = arith.index_cast %add3A_177 : i32 to index
      %get3A_194 = arith.constant 16 : index
      %get3A_195 = tpu.vector_load %arg17[%get3A_193, %get3A_194] {strides = array<i32>} : memref<128x64xf32, #tpu.memory_space<vmem>>, vector<16xf32>,
      %get3A_196 = arith.index_cast %add3A_177 : i32 to index
      %get3A_197 = arith.constant 16 : index
      %get3A_198 = tpu.vector_load %arg15[%get3A_196, %get3A_197] {strides = array<i32>} : memref<128x64xf32, #tpu.memory_space<vmem>>, vector<16xf32>,
      %mul3A_199 = arith.mulf %get3A_195, %get3A_198 : vector<16xf32>
      %sub3A_200 = arith.subf %get3A_192, %mul3A_199 : vector<16xf32>
      %abs3A_201 = math.absf %sub3A_200 : vector<16xf32>
      %add3A_202 = arith.addf %abs3A_189, %abs3A_201 : vector<16xf32>
      %get3A_203 = arith.index_cast %add3A_177 : i32 to index
      %get3A_204 = arith.constant 32 : index
      %get3A_205 = tpu.vector_load %arg14[%get3A_203, %get3A_204] {strides = array<i32>} : memref<128x64xf32, #tpu.memory_space<vmem>>, vector<16xf32>,
      %get3A_206 = arith.index_cast %add3A_177 : i32 to index
      %get3A_207 = arith.constant 32 : index
      %get3A_208 = tpu.vector_load %arg17[%get3A_206, %get3A_207] {strides = array<i32>} : memref<128x64xf32, #tpu.memory_space<vmem>>, vector<16xf32>,
      %get3A_209 = arith.index_cast %add3A_177 : i32 to index
      %get3A_210 = arith.constant 32 : index
      %get3A_211 = tpu.vector_load %arg15[%get3A_209, %get3A_210] {strides = array<i32>} : memref<128x64xf32, #tpu.memory_space<vmem>>, vector<16xf32>,
      %mul3A_212 = arith.mulf %get3A_208, %get3A_211 : vector<16xf32>
      %sub3A_213 = arith.subf %get3A_205, %mul3A_212 : vector<16xf32>
      %abs3A_214 = math.absf %sub3A_213 : vector<16xf32>
      %add3A_215 = arith.addf %add3A_202, %abs3A_214 : vector<16xf32>
      %get3A_216 = arith.index_cast %add3A_177 : i32 to index
      %get3A_217 = arith.constant 48 : index
      %get3A_218 = tpu.vector_load %arg14[%get3A_216, %get3A_217] {strides = array<i32>} : memref<128x64xf32, #tpu.memory_space<vmem>>, vector<16xf32>,
      %get3A_219 = arith.index_cast %add3A_177 : i32 to index
      %get3A_220 = arith.constant 48 : index
      %get3A_221 = tpu.vector_load %arg17[%get3A_219, %get3A_220] {strides = array<i32>} : memref<128x64xf32, #tpu.memory_space<vmem>>, vector<16xf32>,
      %get3A_222 = arith.index_cast %add3A_177 : i32 to index
      %get3A_223 = arith.constant 48 : index
      %get3A_224 = tpu.vector_load %arg15[%get3A_222, %get3A_223] {strides = array<i32>} : memref<128x64xf32, #tpu.memory_space<vmem>>, vector<16xf32>,
      %mul3A_225 = arith.mulf %get3A_221, %get3A_224 : vector<16xf32>
      %sub3A_226 = arith.subf %get3A_218, %mul3A_225 : vector<16xf32>
      %abs3A_227 = math.absf %sub3A_226 : vector<16xf32>
      %add3A_228 = arith.addf %add3A_215, %abs3A_227 : vector<16xf32>
      %swap3A_229 = arith.constant 1 : i32
      %swap3A_230 = arith.index_cast %swap3A_229 : i32 to index
      %swap3A_231 = arith.constant 0 : index
      %swap3A_232 = tpu.vector_load %arg19[%swap3A_230, %swap3A_231] {strides = array<i32>} : memref<16x16xf32, #tpu.memory_space<vmem>>, vector<16xf32>,
      tpu.vector_store %arg19[%swap3A_230, %swap3A_231], %add3A_228 {strides = array<i32>} : memref<16x16xf32, #tpu.memory_space<vmem>>, vector<16xf32>,
      %mul3A_233 = arith.constant 16 : i32
      %mul3A_234 = arith.muli %scan3A_118, %mul3A_233 : i32
      %add3A_235 = arith.constant 2 : i32
      %add3A_236 = arith.addi %mul3A_234, %add3A_235 : i32
      %get3A_237 = arith.index_cast %add3A_236 : i32 to index
      %get3A_238 = arith.constant 0 : index
      %get3A_239 = tpu.vector_load %arg14[%get3A_237, %get3A_238] {strides = array<i32>} : memref<128x64xf32, #tpu.memory_space<vmem>>, vector<16xf32>,
      %get3A_240 = arith.index_cast %add3A_236 : i32 to index
      %get3A_241 = arith.constant 0 : index
      %get3A_242 = tpu.vector_load %arg17[%get3A_240, %get3A_241] {strides = array<i32>} : memref<128x64xf32, #tpu.memory_space<vmem>>, vector<16xf32>,
      %get3A_243 = arith.index_cast %add3A_236 : i32 to index
      %get3A_244 = arith.constant 0 : index
      %get3A_245 = tpu.vector_load %arg15[%get3A_243, %get3A_244] {strides = array<i32>} : memref<128x64xf32, #tpu.memory_space<vmem>>, vector<16xf32>,
      %mul3A_246 = arith.mulf %get3A_242, %get3A_245 : vector<16xf32>
      %sub3A_247 = arith.subf %get3A_239, %mul3A_246 : vector<16xf32>
      %abs3A_248 = math.absf %sub3A_247 : vector<16xf32>
      %get3A_249 = arith.index_cast %add3A_236 : i32 to index
      %get3A_250 = arith.constant 16 : index
      %get3A_251 = tpu.vector_load %arg14[%get3A_249, %get3A_250] {strides = array<i32>} : memref<128x64xf32, #tpu.memory_space<vmem>>, vector<16xf32>,
      %get3A_252 = arith.index_cast %add3A_236 : i32 to index
      %get3A_253 = arith.constant 16 : index
      %get3A_254 = tpu.vector_load %arg17[%get3A_252, %get3A_253] {strides = array<i32>} : memref<128x64xf32, #tpu.memory_space<vmem>>, vector<16xf32>,
      %get3A_255 = arith.index_cast %add3A_236 : i32 to index
      %get3A_256 = arith.constant 16 : index
      %get3A_257 = tpu.vector_load %arg15[%get3A_255, %get3A_256] {strides = array<i32>} : memref<128x64xf32, #tpu.memory_space<vmem>>, vector<16xf32>,
      %mul3A_258 = arith.mulf %get3A_254, %get3A_257 : vector<16xf32>
      %sub3A_259 = arith.subf %get3A_251, %mul3A_258 : vector<16xf32>
      %abs3A_260 = math.absf %sub3A_259 : vector<16xf32>
      %add3A_261 = arith.addf %abs3A_248, %abs3A_260 : vector<16xf32>
      %get3A_262 = arith.index_cast %add3A_236 : i32 to index
      %get3A_263 = arith.constant 32 : index
      %get3A_264 = tpu.vector_load %arg14[%get3A_262, %get3A_263] {strides = array<i32>} : memref<128x64xf32, #tpu.memory_space<vmem>>, vector<16xf32>,
      %get3A_265 = arith.index_cast %add3A_236 : i32 to index
      %get3A_266 = arith.constant 32 : index
      %get3A_267 = tpu.vector_load %arg17[%get3A_265, %get3A_266] {strides = array<i32>} : memref<128x64xf32, #tpu.memory_space<vmem>>, vector<16xf32>,
      %get3A_268 = arith.index_cast %add3A_236 : i32 to index
      %get3A_269 = arith.constant 32 : index
      %get3A_270 = tpu.vector_load %arg15[%get3A_268, %get3A_269] {strides = array<i32>} : memref<128x64xf32, #tpu.memory_space<vmem>>, vector<16xf32>,
      %mul3A_271 = arith.mulf %get3A_267, %get3A_270 : vector<16xf32>
      %sub3A_272 = arith.subf %get3A_264, %mul3A_271 : vector<16xf32>
      %abs3A_273 = math.absf %sub3A_272 : vector<16xf32>
      %add3A_274 = arith.addf %add3A_261, %abs3A_273 : vector<16xf32>
      %get3A_275 = arith.index_cast %add3A_236 : i32 to index
      %get3A_276 = arith.constant 48 : index
      %get3A_277 = tpu.vector_load %arg14[%get3A_275, %get3A_276] {strides = array<i32>} : memref<128x64xf32, #tpu.memory_space<vmem>>, vector<16xf32>,
      %get3A_278 = arith.index_cast %add3A_236 : i32 to index
      %get3A_279 = arith.constant 48 : index
      %get3A_280 = tpu.vector_load %arg17[%get3A_278, %get3A_279] {strides = array<i32>} : memref<128x64xf32, #tpu.memory_space<vmem>>, vector<16xf32>,
      %get3A_281 = arith.index_cast %add3A_236 : i32 to index
      %get3A_282 = arith.constant 48 : index
      %get3A_283 = tpu.vector_load %arg15[%get3A_281, %get3A_282] {strides = array<i32>} : memref<128x64xf32, #tpu.memory_space<vmem>>, vector<16xf32>,
      %mul3A_284 = arith.mulf %get3A_280, %get3A_283 : vector<16xf32>
      %sub3A_285 = arith.subf %get3A_277, %mul3A_284 : vector<16xf32>
      %abs3A_286 = math.absf %sub3A_285 : vector<16xf32>
      %add3A_287 = arith.addf %add3A_274, %abs3A_286 : vector<16xf32>
      %swap3A_288 = arith.constant 2 : i32
      %swap3A_289 = arith.index_cast %swap3A_288 : i32 to index
      %swap3A_290 = arith.constant 0 : index
      %swap3A_291 = tpu.vector_load %arg19[%swap3A_289, %swap3A_290] {strides = array<i32>} : memref<16x16xf32, #tpu.memory_space<vmem>>, vector<16xf32>,
      tpu.vector_store %arg19[%swap3A_289, %swap3A_290], %add3A_287 {strides = array<i32>} : memref<16x16xf32, #tpu.memory_space<vmem>>, vector<16xf32>,
      %mul3A_292 = arith.constant 16 : i32
      %mul3A_293 = arith.muli %scan3A_118, %mul3A_292 : i32
      %add3A_294 = arith.constant 3 : i32
      %add3A_295 = arith.addi %mul3A_293, %add3A_294 : i32
      %get3A_296 = arith.index_cast %add3A_295 : i32 to index
      %get3A_297 = arith.constant 0 : index
      %get3A_298 = tpu.vector_load %arg14[%get3A_296, %get3A_297] {strides = array<i32>} : memref<128x64xf32, #tpu.memory_space<vmem>>, vector<16xf32>,
      %get3A_299 = arith.index_cast %add3A_295 : i32 to index
      %get3A_300 = arith.constant 0 : index
      %get3A_301 = tpu.vector_load %arg17[%get3A_299, %get3A_300] {strides = array<i32>} : memref<128x64xf32, #tpu.memory_space<vmem>>, vector<16xf32>,
      %get3A_302 = arith.index_cast %add3A_295 : i32 to index
      %get3A_303 = arith.constant 0 : index
      %get3A_304 = tpu.vector_load %arg15[%get3A_302, %get3A_303] {strides = array<i32>} : memref<128x64xf32, #tpu.memory_space<vmem>>, vector<16xf32>,
      %mul3A_305 = arith.mulf %get3A_301, %get3A_304 : vector<16xf32>
      %sub3A_306 = arith.subf %get3A_298, %mul3A_305 : vector<16xf32>
      %abs3A_307 = math.absf %sub3A_306 : vector<16xf32>
      %get3A_308 = arith.index_cast %add3A_295 : i32 to index
      %get3A_309 = arith.constant 16 : index
      %get3A_310 = tpu.vector_load %arg14[%get3A_308, %get3A_309] {strides = array<i32>} : memref<128x64xf32, #tpu.memory_space<vmem>>, vector<16xf32>,
      %get3A_311 = arith.index_cast %add3A_295 : i32 to index
      %get3A_312 = arith.constant 16 : index
      %get3A_313 = tpu.vector_load %arg17[%get3A_311, %get3A_312] {strides = array<i32>} : memref<128x64xf32, #tpu.memory_space<vmem>>, vector<16xf32>,
      %get3A_314 = arith.index_cast %add3A_295 : i32 to index
      %get3A_315 = arith.constant 16 : index
      %get3A_316 = tpu.vector_load %arg15[%get3A_314, %get3A_315] {strides = array<i32>} : memref<128x64xf32, #tpu.memory_space<vmem>>, vector<16xf32>,
      %mul3A_317 = arith.mulf %get3A_313, %get3A_316 : vector<16xf32>
      %sub3A_318 = arith.subf %get3A_310, %mul3A_317 : vector<16xf32>
      %abs3A_319 = math.absf %sub3A_318 : vector<16xf32>
      %add3A_320 = arith.addf %abs3A_307, %abs3A_319 : vector<16xf32>
      %get3A_321 = arith.index_cast %add3A_295 : i32 to index
      %get3A_322 = arith.constant 32 : index
      %get3A_323 = tpu.vector_load %arg14[%get3A_321, %get3A_322] {strides = array<i32>} : memref<128x64xf32, #tpu.memory_space<vmem>>, vector<16xf32>,
      %get3A_324 = arith.index_cast %add3A_295 : i32 to index
      %get3A_325 = arith.constant 32 : index
      %get3A_326 = tpu.vector_load %arg17[%get3A_324, %get3A_325] {strides = array<i32>} : memref<128x64xf32, #tpu.memory_space<vmem>>, vector<16xf32>,
      %get3A_327 = arith.index_cast %add3A_295 : i32 to index
      %get3A_328 = arith.constant 32 : index
      %get3A_329 = tpu.vector_load %arg15[%get3A_327, %get3A_328] {strides = array<i32>} : memref<128x64xf32, #tpu.memory_space<vmem>>, vector<16xf32>,
      %mul3A_330 = arith.mulf %get3A_326, %get3A_329 : vector<16xf32>
      %sub3A_331 = arith.subf %get3A_323, %mul3A_330 : vector<16xf32>
      %abs3A_332 = math.absf %sub3A_331 : vector<16xf32>
      %add3A_333 = arith.addf %add3A_320, %abs3A_332 : vector<16xf32>
      %get3A_334 = arith.index_cast %add3A_295 : i32 to index
      %get3A_335 = arith.constant 48 : index
      %get3A_336 = tpu.vector_load %arg14[%get3A_334, %get3A_335] {strides = array<i32>} : memref<128x64xf32, #tpu.memory_space<vmem>>, vector<16xf32>,
      %get3A_337 = arith.index_cast %add3A_295 : i32 to index
      %get3A_338 = arith.constant 48 : index
      %get3A_339 = tpu.vector_load %arg17[%get3A_337, %get3A_338] {strides = array<i32>} : memref<128x64xf32, #tpu.memory_space<vmem>>, vector<16xf32>,
      %get3A_340 = arith.index_cast %add3A_295 : i32 to index
      %get3A_341 = arith.constant 48 : index
      %get3A_342 = tpu.vector_load %arg15[%get3A_340, %get3A_341] {strides = array<i32>} : memref<128x64xf32, #tpu.memory_space<vmem>>, vector<16xf32>,
      %mul3A_343 = arith.mulf %get3A_339, %get3A_342 : vector<16xf32>
      %sub3A_344 = arith.subf %get3A_336, %mul3A_343 : vector<16xf32>
      %abs3A_345 = math.absf %sub3A_344 : vector<16xf32>
      %add3A_346 = arith.addf %add3A_333, %abs3A_345 : vector<16xf32>
      %swap3A_347 = arith.constant 3 : i32
      %swap3A_348 = arith.index_cast %swap3A_347 : i32 to index
      %swap3A_349 = arith.constant 0 : index
      %swap3A_350 = tpu.vector_load %arg19[%swap3A_348, %swap3A_349] {strides = array<i32>} : memref<16x16xf32, #tpu.memory_space<vmem>>, vector<16xf32>,
      tpu.vector_store %arg19[%swap3A_348, %swap3A_349], %add3A_346 {strides = array<i32>} : memref<16x16xf32, #tpu.memory_space<vmem>>, vector<16xf32>,
      %mul3A_351 = arith.constant 16 : i32
      %mul3A_352 = arith.muli %scan3A_118, %mul3A_351 : i32
      %add3A_353 = arith.constant 4 : i32
      %add3A_354 = arith.addi %mul3A_352, %add3A_353 : i32
      %get3A_355 = arith.index_cast %add3A_354 : i32 to index
      %get3A_356 = arith.constant 0 : index
      %get3A_357 = tpu.vector_load %arg14[%get3A_355, %get3A_356] {strides = array<i32>} : memref<128x64xf32, #tpu.memory_space<vmem>>, vector<16xf32>,
      %get3A_358 = arith.index_cast %add3A_354 : i32 to index
      %get3A_359 = arith.constant 0 : index
      %get3A_360 = tpu.vector_load %arg17[%get3A_358, %get3A_359] {strides = array<i32>} : memref<128x64xf32, #tpu.memory_space<vmem>>, vector<16xf32>,
      %get3A_361 = arith.index_cast %add3A_354 : i32 to index
      %get3A_362 = arith.constant 0 : index
      %get3A_363 = tpu.vector_load %arg15[%get3A_361, %get3A_362] {strides = array<i32>} : memref<128x64xf32, #tpu.memory_space<vmem>>, vector<16xf32>,
      %mul3A_364 = arith.mulf %get3A_360, %get3A_363 : vector<16xf32>
      %sub3A_365 = arith.subf %get3A_357, %mul3A_364 : vector<16xf32>
      %abs3A_366 = math.absf %sub3A_365 : vector<16xf32>
      %get3A_367 = arith.index_cast %add3A_354 : i32 to index
      %get3A_368 = arith.constant 16 : index
      %get3A_369 = tpu.vector_load %arg14[%get3A_367, %get3A_368] {strides = array<i32>} : memref<128x64xf32, #tpu.memory_space<vmem>>, vector<16xf32>,
      %get3A_370 = arith.index_cast %add3A_354 : i32 to index
      %get3A_371 = arith.constant 16 : index
      %get3A_372 = tpu.vector_load %arg17[%get3A_370, %get3A_371] {strides = array<i32>} : memref<128x64xf32, #tpu.memory_space<vmem>>, vector<16xf32>,
      %get3A_373 = arith.index_cast %add3A_354 : i32 to index
      %get3A_374 = arith.constant 16 : index
      %get3A_375 = tpu.vector_load %arg15[%get3A_373, %get3A_374] {strides = array<i32>} : memref<128x64xf32, #tpu.memory_space<vmem>>, vector<16xf32>,
      %mul3A_376 = arith.mulf %get3A_372, %get3A_375 : vector<16xf32>
      %sub3A_377 = arith.subf %get3A_369, %mul3A_376 : vector<16xf32>
      %abs3A_378 = math.absf %sub3A_377 : vector<16xf32>
      %add3A_379 = arith.addf %abs3A_366, %abs3A_378 : vector<16xf32>
      %get3A_380 = arith.index_cast %add3A_354 : i32 to index
      %get3A_381 = arith.constant 32 : index
      %get3A_382 = tpu.vector_load %arg14[%get3A_380, %get3A_381] {strides = array<i32>} : memref<128x64xf32, #tpu.memory_space<vmem>>, vector<16xf32>,
      %get3A_383 = arith.index_cast %add3A_354 : i32 to index
      %get3A_384 = arith.constant 32 : index
      %get3A_385 = tpu.vector_load %arg17[%get3A_383, %get3A_384] {strides = array<i32>} : memref<128x64xf32, #tpu.memory_space<vmem>>, vector<16xf32>,
      %get3A_386 = arith.index_cast %add3A_354 : i32 to index
      %get3A_387 = arith.constant 32 : index
      %get3A_388 = tpu.vector_load %arg15[%get3A_386, %get3A_387] {strides = array<i32>} : memref<128x64xf32, #tpu.memory_space<vmem>>, vector<16xf32>,
      %mul3A_389 = arith.mulf %get3A_385, %get3A_388 : vector<16xf32>
      %sub3A_390 = arith.subf %get3A_382, %mul3A_389 : vector<16xf32>
      %abs3A_391 = math.absf %sub3A_390 : vector<16xf32>
      %add3A_392 = arith.addf %add3A_379, %abs3A_391 : vector<16xf32>
      %get3A_393 = arith.index_cast %add3A_354 : i32 to index
      %get3A_394 = arith.constant 48 : index
      %get3A_395 = tpu.vector_load %arg14[%get3A_393, %get3A_394] {strides = array<i32>} : memref<128x64xf32, #tpu.memory_space<vmem>>, vector<16xf32>,
      %get3A_396 = arith.index_cast %add3A_354 : i32 to index
      %get3A_397 = arith.constant 48 : index
      %get3A_398 = tpu.vector_load %arg17[%get3A_396, %get3A_397] {strides = array<i32>} : memref<128x64xf32, #tpu.memory_space<vmem>>, vector<16xf32>,
      %get3A_399 = arith.index_cast %add3A_354 : i32 to index
      %get3A_400 = arith.constant 48 : index
      %get3A_401 = tpu.vector_load %arg15[%get3A_399, %get3A_400] {strides = array<i32>} : memref<128x64xf32, #tpu.memory_space<vmem>>, vector<16xf32>,
      %mul3A_402 = arith.mulf %get3A_398, %get3A_401 : vector<16xf32>
      %sub3A_403 = arith.subf %get3A_395, %mul3A_402 : vector<16xf32>
      %abs3A_404 = math.absf %sub3A_403 : vector<16xf32>
      %add3A_405 = arith.addf %add3A_392, %abs3A_404 : vector<16xf32>
      %swap3A_406 = arith.constant 4 : i32
      %swap3A_407 = arith.index_cast %swap3A_406 : i32 to index
      %swap3A_408 = arith.constant 0 : index
      %swap3A_409 = tpu.vector_load %arg19[%swap3A_407, %swap3A_408] {strides = array<i32>} : memref<16x16xf32, #tpu.memory_space<vmem>>, vector<16xf32>,
      tpu.vector_store %arg19[%swap3A_407, %swap3A_408], %add3A_405 {strides = array<i32>} : memref<16x16xf32, #tpu.memory_space<vmem>>, vector<16xf32>,
      %mul3A_410 = arith.constant 16 : i32
      %mul3A_411 = arith.muli %scan3A_118, %mul3A_410 : i32
      %add3A_412 = arith.constant 5 : i32
      %add3A_413 = arith.addi %mul3A_411, %add3A_412 : i32
      %get3A_414 = arith.index_cast %add3A_413 : i32 to index
      %get3A_415 = arith.constant 0 : index
      %get3A_416 = tpu.vector_load %arg14[%get3A_414, %get3A_415] {strides = array<i32>} : memref<128x64xf32, #tpu.memory_space<vmem>>, vector<16xf32>,
      %get3A_417 = arith.index_cast %add3A_413 : i32 to index
      %get3A_418 = arith.constant 0 : index
      %get3A_419 = tpu.vector_load %arg17[%get3A_417, %get3A_418] {strides = array<i32>} : memref<128x64xf32, #tpu.memory_space<vmem>>, vector<16xf32>,
      %get3A_420 = arith.index_cast %add3A_413 : i32 to index
      %get3A_421 = arith.constant 0 : index
      %get3A_422 = tpu.vector_load %arg15[%get3A_420, %get3A_421] {strides = array<i32>} : memref<128x64xf32, #tpu.memory_space<vmem>>, vector<16xf32>,
      %mul3A_423 = arith.mulf %get3A_419, %get3A_422 : vector<16xf32>
      %sub3A_424 = arith.subf %get3A_416, %mul3A_423 : vector<16xf32>
      %abs3A_425 = math.absf %sub3A_424 : vector<16xf32>
      %get3A_426 = arith.index_cast %add3A_413 : i32 to index
      %get3A_427 = arith.constant 16 : index
      %get3A_428 = tpu.vector_load %arg14[%get3A_426, %get3A_427] {strides = array<i32>} : memref<128x64xf32, #tpu.memory_space<vmem>>, vector<16xf32>,
      %get3A_429 = arith.index_cast %add3A_413 : i32 to index
      %get3A_430 = arith.constant 16 : index
      %get3A_431 = tpu.vector_load %arg17[%get3A_429, %get3A_430] {strides = array<i32>} : memref<128x64xf32, #tpu.memory_space<vmem>>, vector<16xf32>,
      %get3A_432 = arith.index_cast %add3A_413 : i32 to index
      %get3A_433 = arith.constant 16 : index
      %get3A_434 = tpu.vector_load %arg15[%get3A_432, %get3A_433] {strides = array<i32>} : memref<128x64xf32, #tpu.memory_space<vmem>>, vector<16xf32>,
      %mul3A_435 = arith.mulf %get3A_431, %get3A_434 : vector<16xf32>
      %sub3A_436 = arith.subf %get3A_428, %mul3A_435 : vector<16xf32>
      %abs3A_437 = math.absf %sub3A_436 : vector<16xf32>
      %add3A_438 = arith.addf %abs3A_425, %abs3A_437 : vector<16xf32>
      %get3A_439 = arith.index_cast %add3A_413 : i32 to index
      %get3A_440 = arith.constant 32 : index
      %get3A_441 = tpu.vector_load %arg14[%get3A_439, %get3A_440] {strides = array<i32>} : memref<128x64xf32, #tpu.memory_space<vmem>>, vector<16xf32>,
      %get3A_442 = arith.index_cast %add3A_413 : i32 to index
      %get3A_443 = arith.constant 32 : index
      %get3A_444 = tpu.vector_load %arg17[%get3A_442, %get3A_443] {strides = array<i32>} : memref<128x64xf32, #tpu.memory_space<vmem>>, vector<16xf32>,
      %get3A_445 = arith.index_cast %add3A_413 : i32 to index
      %get3A_446 = arith.constant 32 : index
      %get3A_447 = tpu.vector_load %arg15[%get3A_445, %get3A_446] {strides = array<i32>} : memref<128x64xf32, #tpu.memory_space<vmem>>, vector<16xf32>,
      %mul3A_448 = arith.mulf %get3A_444, %get3A_447 : vector<16xf32>
      %sub3A_449 = arith.subf %get3A_441, %mul3A_448 : vector<16xf32>
      %abs3A_450 = math.absf %sub3A_449 : vector<16xf32>
      %add3A_451 = arith.addf %add3A_438, %abs3A_450 : vector<16xf32>
      %get3A_452 = arith.index_cast %add3A_413 : i32 to index
      %get3A_453 = arith.constant 48 : index
      %get3A_454 = tpu.vector_load %arg14[%get3A_452, %get3A_453] {strides = array<i32>} : memref<128x64xf32, #tpu.memory_space<vmem>>, vector<16xf32>,
      %get3A_455 = arith.index_cast %add3A_413 : i32 to index
      %get3A_456 = arith.constant 48 : index
      %get3A_457 = tpu.vector_load %arg17[%get3A_455, %get3A_456] {strides = array<i32>} : memref<128x64xf32, #tpu.memory_space<vmem>>, vector<16xf32>,
      %get3A_458 = arith.index_cast %add3A_413 : i32 to index
      %get3A_459 = arith.constant 48 : index
      %get3A_460 = tpu.vector_load %arg15[%get3A_458, %get3A_459] {strides = array<i32>} : memref<128x64xf32, #tpu.memory_space<vmem>>, vector<16xf32>,
      %mul3A_461 = arith.mulf %get3A_457, %get3A_460 : vector<16xf32>
      %sub3A_462 = arith.subf %get3A_454, %mul3A_461 : vector<16xf32>
      %abs3A_463 = math.absf %sub3A_462 : vector<16xf32>
      %add3A_464 = arith.addf %add3A_451, %abs3A_463 : vector<16xf32>
      %swap3A_465 = arith.constant 5 : i32
      %swap3A_466 = arith.index_cast %swap3A_465 : i32 to index
      %swap3A_467 = arith.constant 0 : index
      %swap3A_468 = tpu.vector_load %arg19[%swap3A_466, %swap3A_467] {strides = array<i32>} : memref<16x16xf32, #tpu.memory_space<vmem>>, vector<16xf32>,
      tpu.vector_store %arg19[%swap3A_466, %swap3A_467], %add3A_464 {strides = array<i32>} : memref<16x16xf32, #tpu.memory_space<vmem>>, vector<16xf32>,
      %mul3A_469 = arith.constant 16 : i32
      %mul3A_470 = arith.muli %scan3A_118, %mul3A_469 : i32
      %add3A_471 = arith.constant 6 : i32
      %add3A_472 = arith.addi %mul3A_470, %add3A_471 : i32
      %get3A_473 = arith.index_cast %add3A_472 : i32 to index
      %get3A_474 = arith.constant 0 : index
      %get3A_475 = tpu.vector_load %arg14[%get3A_473, %get3A_474] {strides = array<i32>} : memref<128x64xf32, #tpu.memory_space<vmem>>, vector<16xf32>,
      %get3A_476 = arith.index_cast %add3A_472 : i32 to index
      %get3A_477 = arith.constant 0 : index
      %get3A_478 = tpu.vector_load %arg17[%get3A_476, %get3A_477] {strides = array<i32>} : memref<128x64xf32, #tpu.memory_space<vmem>>, vector<16xf32>,
      %get3A_479 = arith.index_cast %add3A_472 : i32 to index
      %get3A_480 = arith.constant 0 : index
      %get3A_481 = tpu.vector_load %arg15[%get3A_479, %get3A_480] {strides = array<i32>} : memref<128x64xf32, #tpu.memory_space<vmem>>, vector<16xf32>,
      %mul3A_482 = arith.mulf %get3A_478, %get3A_481 : vector<16xf32>
      %sub3A_483 = arith.subf %get3A_475, %mul3A_482 : vector<16xf32>
      %abs3A_484 = math.absf %sub3A_483 : vector<16xf32>
      %get3A_485 = arith.index_cast %add3A_472 : i32 to index
      %get3A_486 = arith.constant 16 : index
      %get3A_487 = tpu.vector_load %arg14[%get3A_485, %get3A_486] {strides = array<i32>} : memref<128x64xf32, #tpu.memory_space<vmem>>, vector<16xf32>,
      %get3A_488 = arith.index_cast %add3A_472 : i32 to index
      %get3A_489 = arith.constant 16 : index
      %get3A_490 = tpu.vector_load %arg17[%get3A_488, %get3A_489] {strides = array<i32>} : memref<128x64xf32, #tpu.memory_space<vmem>>, vector<16xf32>,
      %get3A_491 = arith.index_cast %add3A_472 : i32 to index
      %get3A_492 = arith.constant 16 : index
      %get3A_493 = tpu.vector_load %arg15[%get3A_491, %get3A_492] {strides = array<i32>} : memref<128x64xf32, #tpu.memory_space<vmem>>, vector<16xf32>,
      %mul3A_494 = arith.mulf %get3A_490, %get3A_493 : vector<16xf32>
      %sub3A_495 = arith.subf %get3A_487, %mul3A_494 : vector<16xf32>
      %abs3A_496 = math.absf %sub3A_495 : vector<16xf32>
      %add3A_497 = arith.addf %abs3A_484, %abs3A_496 : vector<16xf32>
      %get3A_498 = arith.index_cast %add3A_472 : i32 to index
      %get3A_499 = arith.constant 32 : index
      %get3A_500 = tpu.vector_load %arg14[%get3A_498, %get3A_499] {strides = array<i32>} : memref<128x64xf32, #tpu.memory_space<vmem>>, vector<16xf32>,
      %get3A_501 = arith.index_cast %add3A_472 : i32 to index
      %get3A_502 = arith.constant 32 : index
      %get3A_503 = tpu.vector_load %arg17[%get3A_501, %get3A_502] {strides = array<i32>} : memref<128x64xf32, #tpu.memory_space<vmem>>, vector<16xf32>,
      %get3A_504 = arith.index_cast %add3A_472 : i32 to index
      %get3A_505 = arith.constant 32 : index
      %get3A_506 = tpu.vector_load %arg15[%get3A_504, %get3A_505] {strides = array<i32>} : memref<128x64xf32, #tpu.memory_space<vmem>>, vector<16xf32>,
      %mul3A_507 = arith.mulf %get3A_503, %get3A_506 : vector<16xf32>
      %sub3A_508 = arith.subf %get3A_500, %mul3A_507 : vector<16xf32>
      %abs3A_509 = math.absf %sub3A_508 : vector<16xf32>
      %add3A_510 = arith.addf %add3A_497, %abs3A_509 : vector<16xf32>
      %get3A_511 = arith.index_cast %add3A_472 : i32 to index
      %get3A_512 = arith.constant 48 : index
      %get3A_513 = tpu.vector_load %arg14[%get3A_511, %get3A_512] {strides = array<i32>} : memref<128x64xf32, #tpu.memory_space<vmem>>, vector<16xf32>,
      %get3A_514 = arith.index_cast %add3A_472 : i32 to index
      %get3A_515 = arith.constant 48 : index
      %get3A_516 = tpu.vector_load %arg17[%get3A_514, %get3A_515] {strides = array<i32>} : memref<128x64xf32, #tpu.memory_space<vmem>>, vector<16xf32>,
      %get3A_517 = arith.index_cast %add3A_472 : i32 to index
      %get3A_518 = arith.constant 48 : index
      %get3A_519 = tpu.vector_load %arg15[%get3A_517, %get3A_518] {strides = array<i32>} : memref<128x64xf32, #tpu.memory_space<vmem>>, vector<16xf32>,
      %mul3A_520 = arith.mulf %get3A_516, %get3A_519 : vector<16xf32>
      %sub3A_521 = arith.subf %get3A_513, %mul3A_520 : vector<16xf32>
      %abs3A_522 = math.absf %sub3A_521 : vector<16xf32>
      %add3A_523 = arith.addf %add3A_510, %abs3A_522 : vector<16xf32>
      %swap3A_524 = arith.constant 6 : i32
      %swap3A_525 = arith.index_cast %swap3A_524 : i32 to index
      %swap3A_526 = arith.constant 0 : index
      %swap3A_527 = tpu.vector_load %arg19[%swap3A_525, %swap3A_526] {strides = array<i32>} : memref<16x16xf32, #tpu.memory_space<vmem>>, vector<16xf32>,
      tpu.vector_store %arg19[%swap3A_525, %swap3A_526], %add3A_523 {strides = array<i32>} : memref<16x16xf32, #tpu.memory_space<vmem>>, vector<16xf32>,
      %mul3A_528 = arith.constant 16 : i32
      %mul3A_529 = arith.muli %scan3A_118, %mul3A_528 : i32
      %add3A_530 = arith.constant 7 : i32
      %add3A_531 = arith.addi %mul3A_529, %add3A_530 : i32
      %get3A_532 = arith.index_cast %add3A_531 : i32 to index
      %get3A_533 = arith.constant 0 : index
      %get3A_534 = tpu.vector_load %arg14[%get3A_532, %get3A_533] {strides = array<i32>} : memref<128x64xf32, #tpu.memory_space<vmem>>, vector<16xf32>,
      %get3A_535 = arith.index_cast %add3A_531 : i32 to index
      %get3A_536 = arith.constant 0 : index
      %get3A_537 = tpu.vector_load %arg17[%get3A_535, %get3A_536] {strides = array<i32>} : memref<128x64xf32, #tpu.memory_space<vmem>>, vector<16xf32>,
      %get3A_538 = arith.index_cast %add3A_531 : i32 to index
      %get3A_539 = arith.constant 0 : index
      %get3A_540 = tpu.vector_load %arg15[%get3A_538, %get3A_539] {strides = array<i32>} : memref<128x64xf32, #tpu.memory_space<vmem>>, vector<16xf32>,
      %mul3A_541 = arith.mulf %get3A_537, %get3A_540 : vector<16xf32>
      %sub3A_542 = arith.subf %get3A_534, %mul3A_541 : vector<16xf32>
      %abs3A_543 = math.absf %sub3A_542 : vector<16xf32>
      %get3A_544 = arith.index_cast %add3A_531 : i32 to index
      %get3A_545 = arith.constant 16 : index
      %get3A_546 = tpu.vector_load %arg14[%get3A_544, %get3A_545] {strides = array<i32>} : memref<128x64xf32, #tpu.memory_space<vmem>>, vector<16xf32>,
      %get3A_547 = arith.index_cast %add3A_531 : i32 to index
      %get3A_548 = arith.constant 16 : index
      %get3A_549 = tpu.vector_load %arg17[%get3A_547, %get3A_548] {strides = array<i32>} : memref<128x64xf32, #tpu.memory_space<vmem>>, vector<16xf32>,
      %get3A_550 = arith.index_cast %add3A_531 : i32 to index
      %get3A_551 = arith.constant 16 : index
      %get3A_552 = tpu.vector_load %arg15[%get3A_550, %get3A_551] {strides = array<i32>} : memref<128x64xf32, #tpu.memory_space<vmem>>, vector<16xf32>,
      %mul3A_553 = arith.mulf %get3A_549, %get3A_552 : vector<16xf32>
      %sub3A_554 = arith.subf %get3A_546, %mul3A_553 : vector<16xf32>
      %abs3A_555 = math.absf %sub3A_554 : vector<16xf32>
      %add3A_556 = arith.addf %abs3A_543, %abs3A_555 : vector<16xf32>
      %get3A_557 = arith.index_cast %add3A_531 : i32 to index
      %get3A_558 = arith.constant 32 : index
      %get3A_559 = tpu.vector_load %arg14[%get3A_557, %get3A_558] {strides = array<i32>} : memref<128x64xf32, #tpu.memory_space<vmem>>, vector<16xf32>,
      %get3A_560 = arith.index_cast %add3A_531 : i32 to index
      %get3A_561 = arith.constant 32 : index
      %get3A_562 = tpu.vector_load %arg17[%get3A_560, %get3A_561] {strides = array<i32>} : memref<128x64xf32, #tpu.memory_space<vmem>>, vector<16xf32>,
      %get3A_563 = arith.index_cast %add3A_531 : i32 to index
      %get3A_564 = arith.constant 32 : index
      %get3A_565 = tpu.vector_load %arg15[%get3A_563, %get3A_564] {strides = array<i32>} : memref<128x64xf32, #tpu.memory_space<vmem>>, vector<16xf32>,
      %mul3A_566 = arith.mulf %get3A_562, %get3A_565 : vector<16xf32>
      %sub3A_567 = arith.subf %get3A_559, %mul3A_566 : vector<16xf32>
      %abs3A_568 = math.absf %sub3A_567 : vector<16xf32>
      %add3A_569 = arith.addf %add3A_556, %abs3A_568 : vector<16xf32>
      %get3A_570 = arith.index_cast %add3A_531 : i32 to index
      %get3A_571 = arith.constant 48 : index
      %get3A_572 = tpu.vector_load %arg14[%get3A_570, %get3A_571] {strides = array<i32>} : memref<128x64xf32, #tpu.memory_space<vmem>>, vector<16xf32>,
      %get3A_573 = arith.index_cast %add3A_531 : i32 to index
      %get3A_574 = arith.constant 48 : index
      %get3A_575 = tpu.vector_load %arg17[%get3A_573, %get3A_574] {strides = array<i32>} : memref<128x64xf32, #tpu.memory_space<vmem>>, vector<16xf32>,
      %get3A_576 = arith.index_cast %add3A_531 : i32 to index
      %get3A_577 = arith.constant 48 : index
      %get3A_578 = tpu.vector_load %arg15[%get3A_576, %get3A_577] {strides = array<i32>} : memref<128x64xf32, #tpu.memory_space<vmem>>, vector<16xf32>,
      %mul3A_579 = arith.mulf %get3A_575, %get3A_578 : vector<16xf32>
      %sub3A_580 = arith.subf %get3A_572, %mul3A_579 : vector<16xf32>
      %abs3A_581 = math.absf %sub3A_580 : vector<16xf32>
      %add3A_582 = arith.addf %add3A_569, %abs3A_581 : vector<16xf32>
      %swap3A_583 = arith.constant 7 : i32
      %swap3A_584 = arith.index_cast %swap3A_583 : i32 to index
      %swap3A_585 = arith.constant 0 : index
      %swap3A_586 = tpu.vector_load %arg19[%swap3A_584, %swap3A_585] {strides = array<i32>} : memref<16x16xf32, #tpu.memory_space<vmem>>, vector<16xf32>,
      tpu.vector_store %arg19[%swap3A_584, %swap3A_585], %add3A_582 {strides = array<i32>} : memref<16x16xf32, #tpu.memory_space<vmem>>, vector<16xf32>,
      %mul3A_587 = arith.constant 16 : i32
      %mul3A_588 = arith.muli %scan3A_118, %mul3A_587 : i32
      %add3A_589 = arith.constant 8 : i32
      %add3A_590 = arith.addi %mul3A_588, %add3A_589 : i32
      %get3A_591 = arith.index_cast %add3A_590 : i32 to index
      %get3A_592 = arith.constant 0 : index
      %get3A_593 = tpu.vector_load %arg14[%get3A_591, %get3A_592] {strides = array<i32>} : memref<128x64xf32, #tpu.memory_space<vmem>>, vector<16xf32>,
      %get3A_594 = arith.index_cast %add3A_590 : i32 to index
      %get3A_595 = arith.constant 0 : index
      %get3A_596 = tpu.vector_load %arg17[%get3A_594, %get3A_595] {strides = array<i32>} : memref<128x64xf32, #tpu.memory_space<vmem>>, vector<16xf32>,
      %get3A_597 = arith.index_cast %add3A_590 : i32 to index
      %get3A_598 = arith.constant 0 : index
      %get3A_599 = tpu.vector_load %arg15[%get3A_597, %get3A_598] {strides = array<i32>} : memref<128x64xf32, #tpu.memory_space<vmem>>, vector<16xf32>,
      %mul3A_600 = arith.mulf %get3A_596, %get3A_599 : vector<16xf32>
      %sub3A_601 = arith.subf %get3A_593, %mul3A_600 : vector<16xf32>
      %abs3A_602 = math.absf %sub3A_601 : vector<16xf32>
      %get3A_603 = arith.index_cast %add3A_590 : i32 to index
      %get3A_604 = arith.constant 16 : index
      %get3A_605 = tpu.vector_load %arg14[%get3A_603, %get3A_604] {strides = array<i32>} : memref<128x64xf32, #tpu.memory_space<vmem>>, vector<16xf32>,
      %get3A_606 = arith.index_cast %add3A_590 : i32 to index
      %get3A_607 = arith.constant 16 : index
      %get3A_608 = tpu.vector_load %arg17[%get3A_606, %get3A_607] {strides = array<i32>} : memref<128x64xf32, #tpu.memory_space<vmem>>, vector<16xf32>,
      %get3A_609 = arith.index_cast %add3A_590 : i32 to index
      %get3A_610 = arith.constant 16 : index
      %get3A_611 = tpu.vector_load %arg15[%get3A_609, %get3A_610] {strides = array<i32>} : memref<128x64xf32, #tpu.memory_space<vmem>>, vector<16xf32>,
      %mul3A_612 = arith.mulf %get3A_608, %get3A_611 : vector<16xf32>
      %sub3A_613 = arith.subf %get3A_605, %mul3A_612 : vector<16xf32>
      %abs3A_614 = math.absf %sub3A_613 : vector<16xf32>
      %add3A_615 = arith.addf %abs3A_602, %abs3A_614 : vector<16xf32>
      %get3A_616 = arith.index_cast %add3A_590 : i32 to index
      %get3A_617 = arith.constant 32 : index
      %get3A_618 = tpu.vector_load %arg14[%get3A_616, %get3A_617] {strides = array<i32>} : memref<128x64xf32, #tpu.memory_space<vmem>>, vector<16xf32>,
      %get3A_619 = arith.index_cast %add3A_590 : i32 to index
      %get3A_620 = arith.constant 32 : index
      %get3A_621 = tpu.vector_load %arg17[%get3A_619, %get3A_620] {strides = array<i32>} : memref<128x64xf32, #tpu.memory_space<vmem>>, vector<16xf32>,
      %get3A_622 = arith.index_cast %add3A_590 : i32 to index
      %get3A_623 = arith.constant 32 : index
      %get3A_624 = tpu.vector_load %arg15[%get3A_622, %get3A_623] {strides = array<i32>} : memref<128x64xf32, #tpu.memory_space<vmem>>, vector<16xf32>,
      %mul3A_625 = arith.mulf %get3A_621, %get3A_624 : vector<16xf32>
      %sub3A_626 = arith.subf %get3A_618, %mul3A_625 : vector<16xf32>
      %abs3A_627 = math.absf %sub3A_626 : vector<16xf32>
      %add3A_628 = arith.addf %add3A_615, %abs3A_627 : vector<16xf32>
      %get3A_629 = arith.index_cast %add3A_590 : i32 to index
      %get3A_630 = arith.constant 48 : index
      %get3A_631 = tpu.vector_load %arg14[%get3A_629, %get3A_630] {strides = array<i32>} : memref<128x64xf32, #tpu.memory_space<vmem>>, vector<16xf32>,
      %get3A_632 = arith.index_cast %add3A_590 : i32 to index
      %get3A_633 = arith.constant 48 : index
      %get3A_634 = tpu.vector_load %arg17[%get3A_632, %get3A_633] {strides = array<i32>} : memref<128x64xf32, #tpu.memory_space<vmem>>, vector<16xf32>,
      %get3A_635 = arith.index_cast %add3A_590 : i32 to index
      %get3A_636 = arith.constant 48 : index
      %get3A_637 = tpu.vector_load %arg15[%get3A_635, %get3A_636] {strides = array<i32>} : memref<128x64xf32, #tpu.memory_space<vmem>>, vector<16xf32>,
      %mul3A_638 = arith.mulf %get3A_634, %get3A_637 : vector<16xf32>
      %sub3A_639 = arith.subf %get3A_631, %mul3A_638 : vector<16xf32>
      %abs3A_640 = math.absf %sub3A_639 : vector<16xf32>
      %add3A_641 = arith.addf %add3A_628, %abs3A_640 : vector<16xf32>
      %swap3A_642 = arith.constant 8 : i32
      %swap3A_643 = arith.index_cast %swap3A_642 : i32 to index
      %swap3A_644 = arith.constant 0 : index
      %swap3A_645 = tpu.vector_load %arg19[%swap3A_643, %swap3A_644] {strides = array<i32>} : memref<16x16xf32, #tpu.memory_space<vmem>>, vector<16xf32>,
      tpu.vector_store %arg19[%swap3A_643, %swap3A_644], %add3A_641 {strides = array<i32>} : memref<16x16xf32, #tpu.memory_space<vmem>>, vector<16xf32>,
      %mul3A_646 = arith.constant 16 : i32
      %mul3A_647 = arith.muli %scan3A_118, %mul3A_646 : i32
      %add3A_648 = arith.constant 9 : i32
      %add3A_649 = arith.addi %mul3A_647, %add3A_648 : i32
      %get3A_650 = arith.index_cast %add3A_649 : i32 to index
      %get3A_651 = arith.constant 0 : index
      %get3A_652 = tpu.vector_load %arg14[%get3A_650, %get3A_651] {strides = array<i32>} : memref<128x64xf32, #tpu.memory_space<vmem>>, vector<16xf32>,
      %get3A_653 = arith.index_cast %add3A_649 : i32 to index
      %get3A_654 = arith.constant 0 : index
      %get3A_655 = tpu.vector_load %arg17[%get3A_653, %get3A_654] {strides = array<i32>} : memref<128x64xf32, #tpu.memory_space<vmem>>, vector<16xf32>,
      %get3A_656 = arith.index_cast %add3A_649 : i32 to index
      %get3A_657 = arith.constant 0 : index
      %get3A_658 = tpu.vector_load %arg15[%get3A_656, %get3A_657] {strides = array<i32>} : memref<128x64xf32, #tpu.memory_space<vmem>>, vector<16xf32>,
      %mul3A_659 = arith.mulf %get3A_655, %get3A_658 : vector<16xf32>
      %sub3A_660 = arith.subf %get3A_652, %mul3A_659 : vector<16xf32>
      %abs3A_661 = math.absf %sub3A_660 : vector<16xf32>
      %get3A_662 = arith.index_cast %add3A_649 : i32 to index
      %get3A_663 = arith.constant 16 : index
      %get3A_664 = tpu.vector_load %arg14[%get3A_662, %get3A_663] {strides = array<i32>} : memref<128x64xf32, #tpu.memory_space<vmem>>, vector<16xf32>,
      %get3A_665 = arith.index_cast %add3A_649 : i32 to index
      %get3A_666 = arith.constant 16 : index
      %get3A_667 = tpu.vector_load %arg17[%get3A_665, %get3A_666] {strides = array<i32>} : memref<128x64xf32, #tpu.memory_space<vmem>>, vector<16xf32>,
      %get3A_668 = arith.index_cast %add3A_649 : i32 to index
      %get3A_669 = arith.constant 16 : index
      %get3A_670 = tpu.vector_load %arg15[%get3A_668, %get3A_669] {strides = array<i32>} : memref<128x64xf32, #tpu.memory_space<vmem>>, vector<16xf32>,
      %mul3A_671 = arith.mulf %get3A_667, %get3A_670 : vector<16xf32>
      %sub3A_672 = arith.subf %get3A_664, %mul3A_671 : vector<16xf32>
      %abs3A_673 = math.absf %sub3A_672 : vector<16xf32>
      %add3A_674 = arith.addf %abs3A_661, %abs3A_673 : vector<16xf32>
      %get3A_675 = arith.index_cast %add3A_649 : i32 to index
      %get3A_676 = arith.constant 32 : index
      %get3A_677 = tpu.vector_load %arg14[%get3A_675, %get3A_676] {strides = array<i32>} : memref<128x64xf32, #tpu.memory_space<vmem>>, vector<16xf32>,
      %get3A_678 = arith.index_cast %add3A_649 : i32 to index
      %get3A_679 = arith.constant 32 : index
      %get3A_680 = tpu.vector_load %arg17[%get3A_678, %get3A_679] {strides = array<i32>} : memref<128x64xf32, #tpu.memory_space<vmem>>, vector<16xf32>,
      %get3A_681 = arith.index_cast %add3A_649 : i32 to index
      %get3A_682 = arith.constant 32 : index
      %get3A_683 = tpu.vector_load %arg15[%get3A_681, %get3A_682] {strides = array<i32>} : memref<128x64xf32, #tpu.memory_space<vmem>>, vector<16xf32>,
      %mul3A_684 = arith.mulf %get3A_680, %get3A_683 : vector<16xf32>
      %sub3A_685 = arith.subf %get3A_677, %mul3A_684 : vector<16xf32>
      %abs3A_686 = math.absf %sub3A_685 : vector<16xf32>
      %add3A_687 = arith.addf %add3A_674, %abs3A_686 : vector<16xf32>
      %get3A_688 = arith.index_cast %add3A_649 : i32 to index
      %get3A_689 = arith.constant 48 : index
      %get3A_690 = tpu.vector_load %arg14[%get3A_688, %get3A_689] {strides = array<i32>} : memref<128x64xf32, #tpu.memory_space<vmem>>, vector<16xf32>,
      %get3A_691 = arith.index_cast %add3A_649 : i32 to index
      %get3A_692 = arith.constant 48 : index
      %get3A_693 = tpu.vector_load %arg17[%get3A_691, %get3A_692] {strides = array<i32>} : memref<128x64xf32, #tpu.memory_space<vmem>>, vector<16xf32>,
      %get3A_694 = arith.index_cast %add3A_649 : i32 to index
      %get3A_695 = arith.constant 48 : index
      %get3A_696 = tpu.vector_load %arg15[%get3A_694, %get3A_695] {strides = array<i32>} : memref<128x64xf32, #tpu.memory_space<vmem>>, vector<16xf32>,
      %mul3A_697 = arith.mulf %get3A_693, %get3A_696 : vector<16xf32>
      %sub3A_698 = arith.subf %get3A_690, %mul3A_697 : vector<16xf32>
      %abs3A_699 = math.absf %sub3A_698 : vector<16xf32>
      %add3A_700 = arith.addf %add3A_687, %abs3A_699 : vector<16xf32>
      %swap3A_701 = arith.constant 9 : i32
      %swap3A_702 = arith.index_cast %swap3A_701 : i32 to index
      %swap3A_703 = arith.constant 0 : index
      %swap3A_704 = tpu.vector_load %arg19[%swap3A_702, %swap3A_703] {strides = array<i32>} : memref<16x16xf32, #tpu.memory_space<vmem>>, vector<16xf32>,
      tpu.vector_store %arg19[%swap3A_702, %swap3A_703], %add3A_700 {strides = array<i32>} : memref<16x16xf32, #tpu.memory_space<vmem>>, vector<16xf32>,
      %mul3A_705 = arith.constant 16 : i32
      %mul3A_706 = arith.muli %scan3A_118, %mul3A_705 : i32
      %add3A_707 = arith.constant 10 : i32
      %add3A_708 = arith.addi %mul3A_706, %add3A_707 : i32
      %get3A_709 = arith.index_cast %add3A_708 : i32 to index
      %get3A_710 = arith.constant 0 : index
      %get3A_711 = tpu.vector_load %arg14[%get3A_709, %get3A_710] {strides = array<i32>} : memref<128x64xf32, #tpu.memory_space<vmem>>, vector<16xf32>,
      %get3A_712 = arith.index_cast %add3A_708 : i32 to index
      %get3A_713 = arith.constant 0 : index
      %get3A_714 = tpu.vector_load %arg17[%get3A_712, %get3A_713] {strides = array<i32>} : memref<128x64xf32, #tpu.memory_space<vmem>>, vector<16xf32>,
      %get3A_715 = arith.index_cast %add3A_708 : i32 to index
      %get3A_716 = arith.constant 0 : index
      %get3A_717 = tpu.vector_load %arg15[%get3A_715, %get3A_716] {strides = array<i32>} : memref<128x64xf32, #tpu.memory_space<vmem>>, vector<16xf32>,
      %mul3A_718 = arith.mulf %get3A_714, %get3A_717 : vector<16xf32>
      %sub3A_719 = arith.subf %get3A_711, %mul3A_718 : vector<16xf32>
      %abs3A_720 = math.absf %sub3A_719 : vector<16xf32>
      %get3A_721 = arith.index_cast %add3A_708 : i32 to index
      %get3A_722 = arith.constant 16 : index
      %get3A_723 = tpu.vector_load %arg14[%get3A_721, %get3A_722] {strides = array<i32>} : memref<128x64xf32, #tpu.memory_space<vmem>>, vector<16xf32>,
      %get3A_724 = arith.index_cast %add3A_708 : i32 to index
      %get3A_725 = arith.constant 16 : index
      %get3A_726 = tpu.vector_load %arg17[%get3A_724, %get3A_725] {strides = array<i32>} : memref<128x64xf32, #tpu.memory_space<vmem>>, vector<16xf32>,
      %get3A_727 = arith.index_cast %add3A_708 : i32 to index
      %get3A_728 = arith.constant 16 : index
      %get3A_729 = tpu.vector_load %arg15[%get3A_727, %get3A_728] {strides = array<i32>} : memref<128x64xf32, #tpu.memory_space<vmem>>, vector<16xf32>,
      %mul3A_730 = arith.mulf %get3A_726, %get3A_729 : vector<16xf32>
      %sub3A_731 = arith.subf %get3A_723, %mul3A_730 : vector<16xf32>
      %abs3A_732 = math.absf %sub3A_731 : vector<16xf32>
      %add3A_733 = arith.addf %abs3A_720, %abs3A_732 : vector<16xf32>
      %get3A_734 = arith.index_cast %add3A_708 : i32 to index
      %get3A_735 = arith.constant 32 : index
      %get3A_736 = tpu.vector_load %arg14[%get3A_734, %get3A_735] {strides = array<i32>} : memref<128x64xf32, #tpu.memory_space<vmem>>, vector<16xf32>,
      %get3A_737 = arith.index_cast %add3A_708 : i32 to index
      %get3A_738 = arith.constant 32 : index
      %get3A_739 = tpu.vector_load %arg17[%get3A_737, %get3A_738] {strides = array<i32>} : memref<128x64xf32, #tpu.memory_space<vmem>>, vector<16xf32>,
      %get3A_740 = arith.index_cast %add3A_708 : i32 to index
      %get3A_741 = arith.constant 32 : index
      %get3A_742 = tpu.vector_load %arg15[%get3A_740, %get3A_741] {strides = array<i32>} : memref<128x64xf32, #tpu.memory_space<vmem>>, vector<16xf32>,
      %mul3A_743 = arith.mulf %get3A_739, %get3A_742 : vector<16xf32>
      %sub3A_744 = arith.subf %get3A_736, %mul3A_743 : vector<16xf32>
      %abs3A_745 = math.absf %sub3A_744 : vector<16xf32>
      %add3A_746 = arith.addf %add3A_733, %abs3A_745 : vector<16xf32>
      %get3A_747 = arith.index_cast %add3A_708 : i32 to index
      %get3A_748 = arith.constant 48 : index
      %get3A_749 = tpu.vector_load %arg14[%get3A_747, %get3A_748] {strides = array<i32>} : memref<128x64xf32, #tpu.memory_space<vmem>>, vector<16xf32>,
      %get3A_750 = arith.index_cast %add3A_708 : i32 to index
      %get3A_751 = arith.constant 48 : index
      %get3A_752 = tpu.vector_load %arg17[%get3A_750, %get3A_751] {strides = array<i32>} : memref<128x64xf32, #tpu.memory_space<vmem>>, vector<16xf32>,
      %get3A_753 = arith.index_cast %add3A_708 : i32 to index
      %get3A_754 = arith.constant 48 : index
      %get3A_755 = tpu.vector_load %arg15[%get3A_753, %get3A_754] {strides = array<i32>} : memref<128x64xf32, #tpu.memory_space<vmem>>, vector<16xf32>,
      %mul3A_756 = arith.mulf %get3A_752, %get3A_755 : vector<16xf32>
      %sub3A_757 = arith.subf %get3A_749, %mul3A_756 : vector<16xf32>
      %abs3A_758 = math.absf %sub3A_757 : vector<16xf32>
      %add3A_759 = arith.addf %add3A_746, %abs3A_758 : vector<16xf32>
      %swap3A_760 = arith.constant 10 : i32
      %swap3A_761 = arith.index_cast %swap3A_760 : i32 to index
      %swap3A_762 = arith.constant 0 : index
      %swap3A_763 = tpu.vector_load %arg19[%swap3A_761, %swap3A_762] {strides = array<i32>} : memref<16x16xf32, #tpu.memory_space<vmem>>, vector<16xf32>,
      tpu.vector_store %arg19[%swap3A_761, %swap3A_762], %add3A_759 {strides = array<i32>} : memref<16x16xf32, #tpu.memory_space<vmem>>, vector<16xf32>,
      %mul3A_764 = arith.constant 16 : i32
      %mul3A_765 = arith.muli %scan3A_118, %mul3A_764 : i32
      %add3A_766 = arith.constant 11 : i32
      %add3A_767 = arith.addi %mul3A_765, %add3A_766 : i32
      %get3A_768 = arith.index_cast %add3A_767 : i32 to index
      %get3A_769 = arith.constant 0 : index
      %get3A_770 = tpu.vector_load %arg14[%get3A_768, %get3A_769] {strides = array<i32>} : memref<128x64xf32, #tpu.memory_space<vmem>>, vector<16xf32>,
      %get3A_771 = arith.index_cast %add3A_767 : i32 to index
      %get3A_772 = arith.constant 0 : index
      %get3A_773 = tpu.vector_load %arg17[%get3A_771, %get3A_772] {strides = array<i32>} : memref<128x64xf32, #tpu.memory_space<vmem>>, vector<16xf32>,
      %get3A_774 = arith.index_cast %add3A_767 : i32 to index
      %get3A_775 = arith.constant 0 : index
      %get3A_776 = tpu.vector_load %arg15[%get3A_774, %get3A_775] {strides = array<i32>} : memref<128x64xf32, #tpu.memory_space<vmem>>, vector<16xf32>,
      %mul3A_777 = arith.mulf %get3A_773, %get3A_776 : vector<16xf32>
      %sub3A_778 = arith.subf %get3A_770, %mul3A_777 : vector<16xf32>
      %abs3A_779 = math.absf %sub3A_778 : vector<16xf32>
      %get3A_780 = arith.index_cast %add3A_767 : i32 to index
      %get3A_781 = arith.constant 16 : index
      %get3A_782 = tpu.vector_load %arg14[%get3A_780, %get3A_781] {strides = array<i32>} : memref<128x64xf32, #tpu.memory_space<vmem>>, vector<16xf32>,
      %get3A_783 = arith.index_cast %add3A_767 : i32 to index
      %get3A_784 = arith.constant 16 : index
      %get3A_785 = tpu.vector_load %arg17[%get3A_783, %get3A_784] {strides = array<i32>} : memref<128x64xf32, #tpu.memory_space<vmem>>, vector<16xf32>,
      %get3A_786 = arith.index_cast %add3A_767 : i32 to index
      %get3A_787 = arith.constant 16 : index
      %get3A_788 = tpu.vector_load %arg15[%get3A_786, %get3A_787] {strides = array<i32>} : memref<128x64xf32, #tpu.memory_space<vmem>>, vector<16xf32>,
      %mul3A_789 = arith.mulf %get3A_785, %get3A_788 : vector<16xf32>
      %sub3A_790 = arith.subf %get3A_782, %mul3A_789 : vector<16xf32>
      %abs3A_791 = math.absf %sub3A_790 : vector<16xf32>
      %add3A_792 = arith.addf %abs3A_779, %abs3A_791 : vector<16xf32>
      %get3A_793 = arith.index_cast %add3A_767 : i32 to index
      %get3A_794 = arith.constant 32 : index
      %get3A_795 = tpu.vector_load %arg14[%get3A_793, %get3A_794] {strides = array<i32>} : memref<128x64xf32, #tpu.memory_space<vmem>>, vector<16xf32>,
      %get3A_796 = arith.index_cast %add3A_767 : i32 to index
      %get3A_797 = arith.constant 32 : index
      %get3A_798 = tpu.vector_load %arg17[%get3A_796, %get3A_797] {strides = array<i32>} : memref<128x64xf32, #tpu.memory_space<vmem>>, vector<16xf32>,
      %get3A_799 = arith.index_cast %add3A_767 : i32 to index
      %get3A_800 = arith.constant 32 : index
      %get3A_801 = tpu.vector_load %arg15[%get3A_799, %get3A_800] {strides = array<i32>} : memref<128x64xf32, #tpu.memory_space<vmem>>, vector<16xf32>,
      %mul3A_802 = arith.mulf %get3A_798, %get3A_801 : vector<16xf32>
      %sub3A_803 = arith.subf %get3A_795, %mul3A_802 : vector<16xf32>
      %abs3A_804 = math.absf %sub3A_803 : vector<16xf32>
      %add3A_805 = arith.addf %add3A_792, %abs3A_804 : vector<16xf32>
      %get3A_806 = arith.index_cast %add3A_767 : i32 to index
      %get3A_807 = arith.constant 48 : index
      %get3A_808 = tpu.vector_load %arg14[%get3A_806, %get3A_807] {strides = array<i32>} : memref<128x64xf32, #tpu.memory_space<vmem>>, vector<16xf32>,
      %get3A_809 = arith.index_cast %add3A_767 : i32 to index
      %get3A_810 = arith.constant 48 : index
      %get3A_811 = tpu.vector_load %arg17[%get3A_809, %get3A_810] {strides = array<i32>} : memref<128x64xf32, #tpu.memory_space<vmem>>, vector<16xf32>,
      %get3A_812 = arith.index_cast %add3A_767 : i32 to index
      %get3A_813 = arith.constant 48 : index
      %get3A_814 = tpu.vector_load %arg15[%get3A_812, %get3A_813] {strides = array<i32>} : memref<128x64xf32, #tpu.memory_space<vmem>>, vector<16xf32>,
      %mul3A_815 = arith.mulf %get3A_811, %get3A_814 : vector<16xf32>
      %sub3A_816 = arith.subf %get3A_808, %mul3A_815 : vector<16xf32>
      %abs3A_817 = math.absf %sub3A_816 : vector<16xf32>
      %add3A_818 = arith.addf %add3A_805, %abs3A_817 : vector<16xf32>
      %swap3A_819 = arith.constant 11 : i32
      %swap3A_820 = arith.index_cast %swap3A_819 : i32 to index
      %swap3A_821 = arith.constant 0 : index
      %swap3A_822 = tpu.vector_load %arg19[%swap3A_820, %swap3A_821] {strides = array<i32>} : memref<16x16xf32, #tpu.memory_space<vmem>>, vector<16xf32>,
      tpu.vector_store %arg19[%swap3A_820, %swap3A_821], %add3A_818 {strides = array<i32>} : memref<16x16xf32, #tpu.memory_space<vmem>>, vector<16xf32>,
      %mul3A_823 = arith.constant 16 : i32
      %mul3A_824 = arith.muli %scan3A_118, %mul3A_823 : i32
      %add3A_825 = arith.constant 12 : i32
      %add3A_826 = arith.addi %mul3A_824, %add3A_825 : i32
      %get3A_827 = arith.index_cast %add3A_826 : i32 to index
      %get3A_828 = arith.constant 0 : index
      %get3A_829 = tpu.vector_load %arg14[%get3A_827, %get3A_828] {strides = array<i32>} : memref<128x64xf32, #tpu.memory_space<vmem>>, vector<16xf32>,
      %get3A_830 = arith.index_cast %add3A_826 : i32 to index
      %get3A_831 = arith.constant 0 : index
      %get3A_832 = tpu.vector_load %arg17[%get3A_830, %get3A_831] {strides = array<i32>} : memref<128x64xf32, #tpu.memory_space<vmem>>, vector<16xf32>,
      %get3A_833 = arith.index_cast %add3A_826 : i32 to index
      %get3A_834 = arith.constant 0 : index
      %get3A_835 = tpu.vector_load %arg15[%get3A_833, %get3A_834] {strides = array<i32>} : memref<128x64xf32, #tpu.memory_space<vmem>>, vector<16xf32>,
      %mul3A_836 = arith.mulf %get3A_832, %get3A_835 : vector<16xf32>
      %sub3A_837 = arith.subf %get3A_829, %mul3A_836 : vector<16xf32>
      %abs3A_838 = math.absf %sub3A_837 : vector<16xf32>
      %get3A_839 = arith.index_cast %add3A_826 : i32 to index
      %get3A_840 = arith.constant 16 : index
      %get3A_841 = tpu.vector_load %arg14[%get3A_839, %get3A_840] {strides = array<i32>} : memref<128x64xf32, #tpu.memory_space<vmem>>, vector<16xf32>,
      %get3A_842 = arith.index_cast %add3A_826 : i32 to index
      %get3A_843 = arith.constant 16 : index
      %get3A_844 = tpu.vector_load %arg17[%get3A_842, %get3A_843] {strides = array<i32>} : memref<128x64xf32, #tpu.memory_space<vmem>>, vector<16xf32>,
      %get3A_845 = arith.index_cast %add3A_826 : i32 to index
      %get3A_846 = arith.constant 16 : index
      %get3A_847 = tpu.vector_load %arg15[%get3A_845, %get3A_846] {strides = array<i32>} : memref<128x64xf32, #tpu.memory_space<vmem>>, vector<16xf32>,
      %mul3A_848 = arith.mulf %get3A_844, %get3A_847 : vector<16xf32>
      %sub3A_849 = arith.subf %get3A_841, %mul3A_848 : vector<16xf32>
      %abs3A_850 = math.absf %sub3A_849 : vector<16xf32>
      %add3A_851 = arith.addf %abs3A_838, %abs3A_850 : vector<16xf32>
      %get3A_852 = arith.index_cast %add3A_826 : i32 to index
      %get3A_853 = arith.constant 32 : index
      %get3A_854 = tpu.vector_load %arg14[%get3A_852, %get3A_853] {strides = array<i32>} : memref<128x64xf32, #tpu.memory_space<vmem>>, vector<16xf32>,
      %get3A_855 = arith.index_cast %add3A_826 : i32 to index
      %get3A_856 = arith.constant 32 : index
      %get3A_857 = tpu.vector_load %arg17[%get3A_855, %get3A_856] {strides = array<i32>} : memref<128x64xf32, #tpu.memory_space<vmem>>, vector<16xf32>,
      %get3A_858 = arith.index_cast %add3A_826 : i32 to index
      %get3A_859 = arith.constant 32 : index
      %get3A_860 = tpu.vector_load %arg15[%get3A_858, %get3A_859] {strides = array<i32>} : memref<128x64xf32, #tpu.memory_space<vmem>>, vector<16xf32>,
      %mul3A_861 = arith.mulf %get3A_857, %get3A_860 : vector<16xf32>
      %sub3A_862 = arith.subf %get3A_854, %mul3A_861 : vector<16xf32>
      %abs3A_863 = math.absf %sub3A_862 : vector<16xf32>
      %add3A_864 = arith.addf %add3A_851, %abs3A_863 : vector<16xf32>
      %get3A_865 = arith.index_cast %add3A_826 : i32 to index
      %get3A_866 = arith.constant 48 : index
      %get3A_867 = tpu.vector_load %arg14[%get3A_865, %get3A_866] {strides = array<i32>} : memref<128x64xf32, #tpu.memory_space<vmem>>, vector<16xf32>,
      %get3A_868 = arith.index_cast %add3A_826 : i32 to index
      %get3A_869 = arith.constant 48 : index
      %get3A_870 = tpu.vector_load %arg17[%get3A_868, %get3A_869] {strides = array<i32>} : memref<128x64xf32, #tpu.memory_space<vmem>>, vector<16xf32>,
      %get3A_871 = arith.index_cast %add3A_826 : i32 to index
      %get3A_872 = arith.constant 48 : index
      %get3A_873 = tpu.vector_load %arg15[%get3A_871, %get3A_872] {strides = array<i32>} : memref<128x64xf32, #tpu.memory_space<vmem>>, vector<16xf32>,
      %mul3A_874 = arith.mulf %get3A_870, %get3A_873 : vector<16xf32>
      %sub3A_875 = arith.subf %get3A_867, %mul3A_874 : vector<16xf32>
      %abs3A_876 = math.absf %sub3A_875 : vector<16xf32>
      %add3A_877 = arith.addf %add3A_864, %abs3A_876 : vector<16xf32>
      %swap3A_878 = arith.constant 12 : i32
      %swap3A_879 = arith.index_cast %swap3A_878 : i32 to index
      %swap3A_880 = arith.constant 0 : index
      %swap3A_881 = tpu.vector_load %arg19[%swap3A_879, %swap3A_880] {strides = array<i32>} : memref<16x16xf32, #tpu.memory_space<vmem>>, vector<16xf32>,
      tpu.vector_store %arg19[%swap3A_879, %swap3A_880], %add3A_877 {strides = array<i32>} : memref<16x16xf32, #tpu.memory_space<vmem>>, vector<16xf32>,
      %mul3A_882 = arith.constant 16 : i32
      %mul3A_883 = arith.muli %scan3A_118, %mul3A_882 : i32
      %add3A_884 = arith.constant 13 : i32
      %add3A_885 = arith.addi %mul3A_883, %add3A_884 : i32
      %get3A_886 = arith.index_cast %add3A_885 : i32 to index
      %get3A_887 = arith.constant 0 : index
      %get3A_888 = tpu.vector_load %arg14[%get3A_886, %get3A_887] {strides = array<i32>} : memref<128x64xf32, #tpu.memory_space<vmem>>, vector<16xf32>,
      %get3A_889 = arith.index_cast %add3A_885 : i32 to index
      %get3A_890 = arith.constant 0 : index
      %get3A_891 = tpu.vector_load %arg17[%get3A_889, %get3A_890] {strides = array<i32>} : memref<128x64xf32, #tpu.memory_space<vmem>>, vector<16xf32>,
      %get3A_892 = arith.index_cast %add3A_885 : i32 to index
      %get3A_893 = arith.constant 0 : index
      %get3A_894 = tpu.vector_load %arg15[%get3A_892, %get3A_893] {strides = array<i32>} : memref<128x64xf32, #tpu.memory_space<vmem>>, vector<16xf32>,
      %mul3A_895 = arith.mulf %get3A_891, %get3A_894 : vector<16xf32>
      %sub3A_896 = arith.subf %get3A_888, %mul3A_895 : vector<16xf32>
      %abs3A_897 = math.absf %sub3A_896 : vector<16xf32>
      %get3A_898 = arith.index_cast %add3A_885 : i32 to index
      %get3A_899 = arith.constant 16 : index
      %get3A_900 = tpu.vector_load %arg14[%get3A_898, %get3A_899] {strides = array<i32>} : memref<128x64xf32, #tpu.memory_space<vmem>>, vector<16xf32>,
      %get3A_901 = arith.index_cast %add3A_885 : i32 to index
      %get3A_902 = arith.constant 16 : index
      %get3A_903 = tpu.vector_load %arg17[%get3A_901, %get3A_902] {strides = array<i32>} : memref<128x64xf32, #tpu.memory_space<vmem>>, vector<16xf32>,
      %get3A_904 = arith.index_cast %add3A_885 : i32 to index
      %get3A_905 = arith.constant 16 : index
      %get3A_906 = tpu.vector_load %arg15[%get3A_904, %get3A_905] {strides = array<i32>} : memref<128x64xf32, #tpu.memory_space<vmem>>, vector<16xf32>,
      %mul3A_907 = arith.mulf %get3A_903, %get3A_906 : vector<16xf32>
      %sub3A_908 = arith.subf %get3A_900, %mul3A_907 : vector<16xf32>
      %abs3A_909 = math.absf %sub3A_908 : vector<16xf32>
      %add3A_910 = arith.addf %abs3A_897, %abs3A_909 : vector<16xf32>
      %get3A_911 = arith.index_cast %add3A_885 : i32 to index
      %get3A_912 = arith.constant 32 : index
      %get3A_913 = tpu.vector_load %arg14[%get3A_911, %get3A_912] {strides = array<i32>} : memref<128x64xf32, #tpu.memory_space<vmem>>, vector<16xf32>,
      %get3A_914 = arith.index_cast %add3A_885 : i32 to index
      %get3A_915 = arith.constant 32 : index
      %get3A_916 = tpu.vector_load %arg17[%get3A_914, %get3A_915] {strides = array<i32>} : memref<128x64xf32, #tpu.memory_space<vmem>>, vector<16xf32>,
      %get3A_917 = arith.index_cast %add3A_885 : i32 to index
      %get3A_918 = arith.constant 32 : index
      %get3A_919 = tpu.vector_load %arg15[%get3A_917, %get3A_918] {strides = array<i32>} : memref<128x64xf32, #tpu.memory_space<vmem>>, vector<16xf32>,
      %mul3A_920 = arith.mulf %get3A_916, %get3A_919 : vector<16xf32>
      %sub3A_921 = arith.subf %get3A_913, %mul3A_920 : vector<16xf32>
      %abs3A_922 = math.absf %sub3A_921 : vector<16xf32>
      %add3A_923 = arith.addf %add3A_910, %abs3A_922 : vector<16xf32>
      %get3A_924 = arith.index_cast %add3A_885 : i32 to index
      %get3A_925 = arith.constant 48 : index
      %get3A_926 = tpu.vector_load %arg14[%get3A_924, %get3A_925] {strides = array<i32>} : memref<128x64xf32, #tpu.memory_space<vmem>>, vector<16xf32>,
      %get3A_927 = arith.index_cast %add3A_885 : i32 to index
      %get3A_928 = arith.constant 48 : index
      %get3A_929 = tpu.vector_load %arg17[%get3A_927, %get3A_928] {strides = array<i32>} : memref<128x64xf32, #tpu.memory_space<vmem>>, vector<16xf32>,
      %get3A_930 = arith.index_cast %add3A_885 : i32 to index
      %get3A_931 = arith.constant 48 : index
      %get3A_932 = tpu.vector_load %arg15[%get3A_930, %get3A_931] {strides = array<i32>} : memref<128x64xf32, #tpu.memory_space<vmem>>, vector<16xf32>,
      %mul3A_933 = arith.mulf %get3A_929, %get3A_932 : vector<16xf32>
      %sub3A_934 = arith.subf %get3A_926, %mul3A_933 : vector<16xf32>
      %abs3A_935 = math.absf %sub3A_934 : vector<16xf32>
      %add3A_936 = arith.addf %add3A_923, %abs3A_935 : vector<16xf32>
      %swap3A_937 = arith.constant 13 : i32
      %swap3A_938 = arith.index_cast %swap3A_937 : i32 to index
      %swap3A_939 = arith.constant 0 : index
      %swap3A_940 = tpu.vector_load %arg19[%swap3A_938, %swap3A_939] {strides = array<i32>} : memref<16x16xf32, #tpu.memory_space<vmem>>, vector<16xf32>,
      tpu.vector_store %arg19[%swap3A_938, %swap3A_939], %add3A_936 {strides = array<i32>} : memref<16x16xf32, #tpu.memory_space<vmem>>, vector<16xf32>,
      %mul3A_941 = arith.constant 16 : i32
      %mul3A_942 = arith.muli %scan3A_118, %mul3A_941 : i32
      %add3A_943 = arith.constant 14 : i32
      %add3A_944 = arith.addi %mul3A_942, %add3A_943 : i32
      %get3A_945 = arith.index_cast %add3A_944 : i32 to index
      %get3A_946 = arith.constant 0 : index
      %get3A_947 = tpu.vector_load %arg14[%get3A_945, %get3A_946] {strides = array<i32>} : memref<128x64xf32, #tpu.memory_space<vmem>>, vector<16xf32>,
      %get3A_948 = arith.index_cast %add3A_944 : i32 to index
      %get3A_949 = arith.constant 0 : index
      %get3A_950 = tpu.vector_load %arg17[%get3A_948, %get3A_949] {strides = array<i32>} : memref<128x64xf32, #tpu.memory_space<vmem>>, vector<16xf32>,
      %get3A_951 = arith.index_cast %add3A_944 : i32 to index
      %get3A_952 = arith.constant 0 : index
      %get3A_953 = tpu.vector_load %arg15[%get3A_951, %get3A_952] {strides = array<i32>} : memref<128x64xf32, #tpu.memory_space<vmem>>, vector<16xf32>,
      %mul3A_954 = arith.mulf %get3A_950, %get3A_953 : vector<16xf32>
      %sub3A_955 = arith.subf %get3A_947, %mul3A_954 : vector<16xf32>
      %abs3A_956 = math.absf %sub3A_955 : vector<16xf32>
      %get3A_957 = arith.index_cast %add3A_944 : i32 to index
      %get3A_958 = arith.constant 16 : index
      %get3A_959 = tpu.vector_load %arg14[%get3A_957, %get3A_958] {strides = array<i32>} : memref<128x64xf32, #tpu.memory_space<vmem>>, vector<16xf32>,
      %get3A_960 = arith.index_cast %add3A_944 : i32 to index
      %get3A_961 = arith.constant 16 : index
      %get3A_962 = tpu.vector_load %arg17[%get3A_960, %get3A_961] {strides = array<i32>} : memref<128x64xf32, #tpu.memory_space<vmem>>, vector<16xf32>,
      %get3A_963 = arith.index_cast %add3A_944 : i32 to index
      %get3A_964 = arith.constant 16 : index
      %get3A_965 = tpu.vector_load %arg15[%get3A_963, %get3A_964] {strides = array<i32>} : memref<128x64xf32, #tpu.memory_space<vmem>>, vector<16xf32>,
      %mul3A_966 = arith.mulf %get3A_962, %get3A_965 : vector<16xf32>
      %sub3A_967 = arith.subf %get3A_959, %mul3A_966 : vector<16xf32>
      %abs3A_968 = math.absf %sub3A_967 : vector<16xf32>
      %add3A_969 = arith.addf %abs3A_956, %abs3A_968 : vector<16xf32>
      %get3A_970 = arith.index_cast %add3A_944 : i32 to index
      %get3A_971 = arith.constant 32 : index
      %get3A_972 = tpu.vector_load %arg14[%get3A_970, %get3A_971] {strides = array<i32>} : memref<128x64xf32, #tpu.memory_space<vmem>>, vector<16xf32>,
      %get3A_973 = arith.index_cast %add3A_944 : i32 to index
      %get3A_974 = arith.constant 32 : index
      %get3A_975 = tpu.vector_load %arg17[%get3A_973, %get3A_974] {strides = array<i32>} : memref<128x64xf32, #tpu.memory_space<vmem>>, vector<16xf32>,
      %get3A_976 = arith.index_cast %add3A_944 : i32 to index
      %get3A_977 = arith.constant 32 : index
      %get3A_978 = tpu.vector_load %arg15[%get3A_976, %get3A_977] {strides = array<i32>} : memref<128x64xf32, #tpu.memory_space<vmem>>, vector<16xf32>,
      %mul3A_979 = arith.mulf %get3A_975, %get3A_978 : vector<16xf32>
      %sub3A_980 = arith.subf %get3A_972, %mul3A_979 : vector<16xf32>
      %abs3A_981 = math.absf %sub3A_980 : vector<16xf32>
      %add3A_982 = arith.addf %add3A_969, %abs3A_981 : vector<16xf32>
      %get3A_983 = arith.index_cast %add3A_944 : i32 to index
      %get3A_984 = arith.constant 48 : index
      %get3A_985 = tpu.vector_load %arg14[%get3A_983, %get3A_984] {strides = array<i32>} : memref<128x64xf32, #tpu.memory_space<vmem>>, vector<16xf32>,
      %get3A_986 = arith.index_cast %add3A_944 : i32 to index
      %get3A_987 = arith.constant 48 : index
      %get3A_988 = tpu.vector_load %arg17[%get3A_986, %get3A_987] {strides = array<i32>} : memref<128x64xf32, #tpu.memory_space<vmem>>, vector<16xf32>,
      %get3A_989 = arith.index_cast %add3A_944 : i32 to index
      %get3A_990 = arith.constant 48 : index
      %get3A_991 = tpu.vector_load %arg15[%get3A_989, %get3A_990] {strides = array<i32>} : memref<128x64xf32, #tpu.memory_space<vmem>>, vector<16xf32>,
      %mul3A_992 = arith.mulf %get3A_988, %get3A_991 : vector<16xf32>
      %sub3A_993 = arith.subf %get3A_985, %mul3A_992 : vector<16xf32>
      %abs3A_994 = math.absf %sub3A_993 : vector<16xf32>
      %add3A_995 = arith.addf %add3A_982, %abs3A_994 : vector<16xf32>
      %swap3A_996 = arith.constant 14 : i32
      %swap3A_997 = arith.index_cast %swap3A_996 : i32 to index
      %swap3A_998 = arith.constant 0 : index
      %swap3A_999 = tpu.vector_load %arg19[%swap3A_997, %swap3A_998] {strides = array<i32>} : memref<16x16xf32, #tpu.memory_space<vmem>>, vector<16xf32>,
      tpu.vector_store %arg19[%swap3A_997, %swap3A_998], %add3A_995 {strides = array<i32>} : memref<16x16xf32, #tpu.memory_space<vmem>>, vector<16xf32>,
      %mul3A_1000 = arith.constant 16 : i32
      %mul3A_1001 = arith.muli %scan3A_118, %mul3A_1000 : i32
      %add3A_1002 = arith.constant 15 : i32
      %add3A_1003 = arith.addi %mul3A_1001, %add3A_1002 : i32
      %get3A_1004 = arith.index_cast %add3A_1003 : i32 to index
      %get3A_1005 = arith.constant 0 : index
      %get3A_1006 = tpu.vector_load %arg14[%get3A_1004, %get3A_1005] {strides = array<i32>} : memref<128x64xf32, #tpu.memory_space<vmem>>, vector<16xf32>,
      %get3A_1007 = arith.index_cast %add3A_1003 : i32 to index
      %get3A_1008 = arith.constant 0 : index
      %get3A_1009 = tpu.vector_load %arg17[%get3A_1007, %get3A_1008] {strides = array<i32>} : memref<128x64xf32, #tpu.memory_space<vmem>>, vector<16xf32>,
      %get3A_1010 = arith.index_cast %add3A_1003 : i32 to index
      %get3A_1011 = arith.constant 0 : index
      %get3A_1012 = tpu.vector_load %arg15[%get3A_1010, %get3A_1011] {strides = array<i32>} : memref<128x64xf32, #tpu.memory_space<vmem>>, vector<16xf32>,
      %mul3A_1013 = arith.mulf %get3A_1009, %get3A_1012 : vector<16xf32>
      %sub3A_1014 = arith.subf %get3A_1006, %mul3A_1013 : vector<16xf32>
      %abs3A_1015 = math.absf %sub3A_1014 : vector<16xf32>
      %get3A_1016 = arith.index_cast %add3A_1003 : i32 to index
      %get3A_1017 = arith.constant 16 : index
      %get3A_1018 = tpu.vector_load %arg14[%get3A_1016, %get3A_1017] {strides = array<i32>} : memref<128x64xf32, #tpu.memory_space<vmem>>, vector<16xf32>,
      %get3A_1019 = arith.index_cast %add3A_1003 : i32 to index
      %get3A_1020 = arith.constant 16 : index
      %get3A_1021 = tpu.vector_load %arg17[%get3A_1019, %get3A_1020] {strides = array<i32>} : memref<128x64xf32, #tpu.memory_space<vmem>>, vector<16xf32>,
      %get3A_1022 = arith.index_cast %add3A_1003 : i32 to index
      %get3A_1023 = arith.constant 16 : index
      %get3A_1024 = tpu.vector_load %arg15[%get3A_1022, %get3A_1023] {strides = array<i32>} : memref<128x64xf32, #tpu.memory_space<vmem>>, vector<16xf32>,
      %mul3A_1025 = arith.mulf %get3A_1021, %get3A_1024 : vector<16xf32>
      %sub3A_1026 = arith.subf %get3A_1018, %mul3A_1025 : vector<16xf32>
      %abs3A_1027 = math.absf %sub3A_1026 : vector<16xf32>
      %add3A_1028 = arith.addf %abs3A_1015, %abs3A_1027 : vector<16xf32>
      %get3A_1029 = arith.index_cast %add3A_1003 : i32 to index
      %get3A_1030 = arith.constant 32 : index
      %get3A_1031 = tpu.vector_load %arg14[%get3A_1029, %get3A_1030] {strides = array<i32>} : memref<128x64xf32, #tpu.memory_space<vmem>>, vector<16xf32>,
      %get3A_1032 = arith.index_cast %add3A_1003 : i32 to index
      %get3A_1033 = arith.constant 32 : index
      %get3A_1034 = tpu.vector_load %arg17[%get3A_1032, %get3A_1033] {strides = array<i32>} : memref<128x64xf32, #tpu.memory_space<vmem>>, vector<16xf32>,
      %get3A_1035 = arith.index_cast %add3A_1003 : i32 to index
      %get3A_1036 = arith.constant 32 : index
      %get3A_1037 = tpu.vector_load %arg15[%get3A_1035, %get3A_1036] {strides = array<i32>} : memref<128x64xf32, #tpu.memory_space<vmem>>, vector<16xf32>,
      %mul3A_1038 = arith.mulf %get3A_1034, %get3A_1037 : vector<16xf32>
      %sub3A_1039 = arith.subf %get3A_1031, %mul3A_1038 : vector<16xf32>
      %abs3A_1040 = math.absf %sub3A_1039 : vector<16xf32>
      %add3A_1041 = arith.addf %add3A_1028, %abs3A_1040 : vector<16xf32>
      %get3A_1042 = arith.index_cast %add3A_1003 : i32 to index
      %get3A_1043 = arith.constant 48 : index
      %get3A_1044 = tpu.vector_load %arg14[%get3A_1042, %get3A_1043] {strides = array<i32>} : memref<128x64xf32, #tpu.memory_space<vmem>>, vector<16xf32>,
      %get3A_1045 = arith.index_cast %add3A_1003 : i32 to index
      %get3A_1046 = arith.constant 48 : index
      %get3A_1047 = tpu.vector_load %arg17[%get3A_1045, %get3A_1046] {strides = array<i32>} : memref<128x64xf32, #tpu.memory_space<vmem>>, vector<16xf32>,
      %get3A_1048 = arith.index_cast %add3A_1003 : i32 to index
      %get3A_1049 = arith.constant 48 : index
      %get3A_1050 = tpu.vector_load %arg15[%get3A_1048, %get3A_1049] {strides = array<i32>} : memref<128x64xf32, #tpu.memory_space<vmem>>, vector<16xf32>,
      %mul3A_1051 = arith.mulf %get3A_1047, %get3A_1050 : vector<16xf32>
      %sub3A_1052 = arith.subf %get3A_1044, %mul3A_1051 : vector<16xf32>
      %abs3A_1053 = math.absf %sub3A_1052 : vector<16xf32>
      %add3A_1054 = arith.addf %add3A_1041, %abs3A_1053 : vector<16xf32>
      %swap3A_1055 = arith.constant 15 : i32
      %swap3A_1056 = arith.index_cast %swap3A_1055 : i32 to index
      %swap3A_1057 = arith.constant 0 : index
      %swap3A_1058 = tpu.vector_load %arg19[%swap3A_1056, %swap3A_1057] {strides = array<i32>} : memref<16x16xf32, #tpu.memory_space<vmem>>, vector<16xf32>,
      tpu.vector_store %arg19[%swap3A_1056, %swap3A_1057], %add3A_1054 {strides = array<i32>} : memref<16x16xf32, #tpu.memory_space<vmem>>, vector<16xf32>,
      %iota3A = tpu.iota {dimensions = array<i32: 0>} : vector<16xi32>
      %broadcast_in_dim3A = arith.constant 0 : i32
      %broadcast_in_dim3A_1059 = vector.broadcast %broadcast_in_dim3A : i32 to vector<16xi32>
      %gather3A = tpu.vector_load_idx %arg19[%iota3A, %broadcast_in_dim3A_1059] : memref<16x16xf32, #tpu.memory_space<vmem>>[vector<16xi32>, vector<16xi32>], vector<16xf32>,
      %broadcast_in_dim3A_1060 = arith.constant 1 : i32
      %broadcast_in_dim3A_1061 = vector.broadcast %broadcast_in_dim3A_1060 : i32 to vector<16xi32>
      %gather3A_1062 = tpu.vector_load_idx %arg19[%iota3A, %broadcast_in_dim3A_1061] : memref<16x16xf32, #tpu.memory_space<vmem>>[vector<16xi32>, vector<16xi32>], vector<16xf32>,
      %add3A_1063 = arith.addf %gather3A, %gather3A_1062 : vector<16xf32>
      %broadcast_in_dim3A_1064 = arith.constant 2 : i32
      %broadcast_in_dim3A_1065 = vector.broadcast %broadcast_in_dim3A_1064 : i32 to vector<16xi32>
      %gather3A_1066 = tpu.vector_load_idx %arg19[%iota3A, %broadcast_in_dim3A_1065] : memref<16x16xf32, #tpu.memory_space<vmem>>[vector<16xi32>, vector<16xi32>], vector<16xf32>,
      %add3A_1067 = arith.addf %add3A_1063, %gather3A_1066 : vector<16xf32>
      %broadcast_in_dim3A_1068 = arith.constant 3 : i32
      %broadcast_in_dim3A_1069 = vector.broadcast %broadcast_in_dim3A_1068 : i32 to vector<16xi32>
      %gather3A_1070 = tpu.vector_load_idx %arg19[%iota3A, %broadcast_in_dim3A_1069] : memref<16x16xf32, #tpu.memory_space<vmem>>[vector<16xi32>, vector<16xi32>], vector<16xf32>,
      %add3A_1071 = arith.addf %add3A_1067, %gather3A_1070 : vector<16xf32>
      %broadcast_in_dim3A_1072 = arith.constant 4 : i32
      %broadcast_in_dim3A_1073 = vector.broadcast %broadcast_in_dim3A_1072 : i32 to vector<16xi32>
      %gather3A_1074 = tpu.vector_load_idx %arg19[%iota3A, %broadcast_in_dim3A_1073] : memref<16x16xf32, #tpu.memory_space<vmem>>[vector<16xi32>, vector<16xi32>], vector<16xf32>,
      %add3A_1075 = arith.addf %add3A_1071, %gather3A_1074 : vector<16xf32>
      %broadcast_in_dim3A_1076 = arith.constant 5 : i32
      %broadcast_in_dim3A_1077 = vector.broadcast %broadcast_in_dim3A_1076 : i32 to vector<16xi32>
      %gather3A_1078 = tpu.vector_load_idx %arg19[%iota3A, %broadcast_in_dim3A_1077] : memref<16x16xf32, #tpu.memory_space<vmem>>[vector<16xi32>, vector<16xi32>], vector<16xf32>,
      %add3A_1079 = arith.addf %add3A_1075, %gather3A_1078 : vector<16xf32>
      %broadcast_in_dim3A_1080 = arith.constant 6 : i32
      %broadcast_in_dim3A_1081 = vector.broadcast %broadcast_in_dim3A_1080 : i32 to vector<16xi32>
      %gather3A_1082 = tpu.vector_load_idx %arg19[%iota3A, %broadcast_in_dim3A_1081] : memref<16x16xf32, #tpu.memory_space<vmem>>[vector<16xi32>, vector<16xi32>], vector<16xf32>,
      %add3A_1083 = arith.addf %add3A_1079, %gather3A_1082 : vector<16xf32>
      %broadcast_in_dim3A_1084 = arith.constant 7 : i32
      %broadcast_in_dim3A_1085 = vector.broadcast %broadcast_in_dim3A_1084 : i32 to vector<16xi32>
      %gather3A_1086 = tpu.vector_load_idx %arg19[%iota3A, %broadcast_in_dim3A_1085] : memref<16x16xf32, #tpu.memory_space<vmem>>[vector<16xi32>, vector<16xi32>], vector<16xf32>,
      %add3A_1087 = arith.addf %add3A_1083, %gather3A_1086 : vector<16xf32>
      %broadcast_in_dim3A_1088 = arith.constant 8 : i32
      %broadcast_in_dim3A_1089 = vector.broadcast %broadcast_in_dim3A_1088 : i32 to vector<16xi32>
      %gather3A_1090 = tpu.vector_load_idx %arg19[%iota3A, %broadcast_in_dim3A_1089] : memref<16x16xf32, #tpu.memory_space<vmem>>[vector<16xi32>, vector<16xi32>], vector<16xf32>,
      %add3A_1091 = arith.addf %add3A_1087, %gather3A_1090 : vector<16xf32>
      %broadcast_in_dim3A_1092 = arith.constant 9 : i32
      %broadcast_in_dim3A_1093 = vector.broadcast %broadcast_in_dim3A_1092 : i32 to vector<16xi32>
      %gather3A_1094 = tpu.vector_load_idx %arg19[%iota3A, %broadcast_in_dim3A_1093] : memref<16x16xf32, #tpu.memory_space<vmem>>[vector<16xi32>, vector<16xi32>], vector<16xf32>,
      %add3A_1095 = arith.addf %add3A_1091, %gather3A_1094 : vector<16xf32>
      %broadcast_in_dim3A_1096 = arith.constant 10 : i32
      %broadcast_in_dim3A_1097 = vector.broadcast %broadcast_in_dim3A_1096 : i32 to vector<16xi32>
      %gather3A_1098 = tpu.vector_load_idx %arg19[%iota3A, %broadcast_in_dim3A_1097] : memref<16x16xf32, #tpu.memory_space<vmem>>[vector<16xi32>, vector<16xi32>], vector<16xf32>,
      %add3A_1099 = arith.addf %add3A_1095, %gather3A_1098 : vector<16xf32>
      %broadcast_in_dim3A_1100 = arith.constant 11 : i32
      %broadcast_in_dim3A_1101 = vector.broadcast %broadcast_in_dim3A_1100 : i32 to vector<16xi32>
      %gather3A_1102 = tpu.vector_load_idx %arg19[%iota3A, %broadcast_in_dim3A_1101] : memref<16x16xf32, #tpu.memory_space<vmem>>[vector<16xi32>, vector<16xi32>], vector<16xf32>,
      %add3A_1103 = arith.addf %add3A_1099, %gather3A_1102 : vector<16xf32>
      %broadcast_in_dim3A_1104 = arith.constant 12 : i32
      %broadcast_in_dim3A_1105 = vector.broadcast %broadcast_in_dim3A_1104 : i32 to vector<16xi32>
      %gather3A_1106 = tpu.vector_load_idx %arg19[%iota3A, %broadcast_in_dim3A_1105] : memref<16x16xf32, #tpu.memory_space<vmem>>[vector<16xi32>, vector<16xi32>], vector<16xf32>,
      %add3A_1107 = arith.addf %add3A_1103, %gather3A_1106 : vector<16xf32>
      %broadcast_in_dim3A_1108 = arith.constant 13 : i32
      %broadcast_in_dim3A_1109 = vector.broadcast %broadcast_in_dim3A_1108 : i32 to vector<16xi32>
      %gather3A_1110 = tpu.vector_load_idx %arg19[%iota3A, %broadcast_in_dim3A_1109] : memref<16x16xf32, #tpu.memory_space<vmem>>[vector<16xi32>, vector<16xi32>], vector<16xf32>,
      %add3A_1111 = arith.addf %add3A_1107, %gather3A_1110 : vector<16xf32>
      %broadcast_in_dim3A_1112 = arith.constant 14 : i32
      %broadcast_in_dim3A_1113 = vector.broadcast %broadcast_in_dim3A_1112 : i32 to vector<16xi32>
      %gather3A_1114 = tpu.vector_load_idx %arg19[%iota3A, %broadcast_in_dim3A_1113] : memref<16x16xf32, #tpu.memory_space<vmem>>[vector<16xi32>, vector<16xi32>], vector<16xf32>,
      %add3A_1115 = arith.addf %add3A_1111, %gather3A_1114 : vector<16xf32>
      %broadcast_in_dim3A_1116 = arith.constant 15 : i32
      %broadcast_in_dim3A_1117 = vector.broadcast %broadcast_in_dim3A_1116 : i32 to vector<16xi32>
      %gather3A_1118 = tpu.vector_load_idx %arg19[%iota3A, %broadcast_in_dim3A_1117] : memref<16x16xf32, #tpu.memory_space<vmem>>[vector<16xi32>, vector<16xi32>], vector<16xf32>,
      %add3A_1119 = arith.addf %add3A_1115, %gather3A_1118 : vector<16xf32>
      %mul3A_1120 = arith.constant 16 : i32
      %mul3A_1121 = arith.muli %scan3A_118, %mul3A_1120 : i32
      %swap3A_1122 = arith.index_cast %mul3A_1121 : i32 to index
      %swap3A_1123 = tpu.vector_load %arg21[%swap3A_1122] {strides = array<i32>} : memref<128xf32, #tpu.memory_space<vmem>>, vector<16xf32>,
      tpu.vector_store %arg21[%swap3A_1122], %add3A_1119 {strides = array<i32>} : memref<128xf32, #tpu.memory_space<vmem>>, vector<16xf32>,
    }
    %scan3A_47 = arith.constant 8 : i32
    "tpu.region"() ({
      %run_scoped3A = tpu.sem_alloc : memref<!tpu.dma_semaphore, #tpu.memory_space<semaphore_mem>>
      %dma_start3A_118 = tpu.memref_slice %arg10[%mul3A_2] : memref<4096xf32, #tpu.memory_space<hbm>> -> memref<128xf32, #tpu.memory_space<hbm>>
      %dma_start3A_119 = tpu.memref_slice %arg10[%mul3A_2] : memref<4096xf32, #tpu.memory_space<hbm>> -> memref<128xf32, #tpu.memory_space<hbm>>
      tpu.enqueue_dma source(%arg21 : memref<128xf32, #tpu.memory_space<vmem>>) target(%dma_start3A_119 : memref<128xf32, #tpu.memory_space<hbm>>) target_semaphore(%run_scoped3A : memref<!tpu.dma_semaphore, #tpu.memory_space<semaphore_mem>>)
      %dma_wait3A_120 = tpu.memref_slice %arg10[%mul3A_2] : memref<4096xf32, #tpu.memory_space<hbm>> -> memref<128xf32, #tpu.memory_space<hbm>>
      %dma_wait3A_121 = tpu.memref_slice %arg10[%mul3A_2] : memref<4096xf32, #tpu.memory_space<hbm>> -> memref<128xf32, #tpu.memory_space<hbm>>
      tpu.wait_dma2 semaphore(%run_scoped3A : memref<!tpu.dma_semaphore, #tpu.memory_space<semaphore_mem>>) src(%arg21 : memref<128xf32, #tpu.memory_space<vmem>>) dst(%dma_wait3A_121 : memref<128xf32, #tpu.memory_space<hbm>>)
      tpu.yield
    }) : () -> ()
    %dma_wait3A_48 = arith.constant 0 : i32
    %dma_wait3A_49 = tpu.memref_slice %arg9[%mul3A_4, %dma_wait3A_48] : memref<8192x128xi32, #tpu.memory_space<hbm>> -> memref<256x128xi32, #tpu.memory_space<hbm>>
    %dma_wait3A_50 = arith.constant 0 : i32
    %dma_wait3A_51 = tpu.memref_slice %arg9[%mul3A_4, %dma_wait3A_50] : memref<8192x128xi32, #tpu.memory_space<hbm>> -> memref<256x128xi32, #tpu.memory_space<hbm>>
    tpu.wait_dma2 semaphore(%arg24 : memref<!tpu.dma_semaphore, #tpu.memory_space<semaphore_mem>>) src(%dma_wait3A_51 : memref<256x128xi32, #tpu.memory_space<hbm>>) dst(%arg13 : memref<256x128xi32, #tpu.memory_space<vmem>>)
    %dma_start3A_52 = arith.constant 0 : i32
    %dma_start3A_53 = arith.constant 0 : i32
    %dma_start3A_54 = arith.constant 0 : i32
    %dma_start3A_55 = arith.constant 0 : i32
    %dma_start3A_56 = arith.constant 0 : i32
    %dma_start3A_57 = tpu.memref_slice %arg18[%dma_start3A_53, %dma_start3A_55, %dma_start3A_56] : memref<2x256x64xf32, #tpu.memory_space<vmem>> -> memref<1x64x64xf32, #tpu.memory_space<vmem>>
    %dma_start3A_58 = tpu.memref_squeeze %dma_start3A_57 : memref<1x64x64xf32, #tpu.memory_space<vmem>> -> memref<64x64xf32, #tpu.memory_space<vmem>>
    %dma_start3A_59 = arith.constant 0 : i32
    %dma_start3A_60 = tpu.memref_slice %arg13[%dma_start3A_52, %dma_start3A_59] : memref<256x128xi32, #tpu.memory_space<vmem>> -> memref<1x64xi32, #tpu.memory_space<vmem>>
    %dma_start3A_61 = tpu.memref_squeeze %dma_start3A_60 : memref<1x64xi32, #tpu.memory_space<vmem>> -> memref<64xi32, #tpu.memory_space<vmem>>
    %dma_start3A_62 = arith.constant 0 : i32
    %dma_start3A_63 = arith.constant 0 : i32
    %dma_start3A_64 = tpu.memref_slice %arg2[%dma_start3A_62, %dma_start3A_63] : memref<1000000x64xf32, #tpu.memory_space<hbm>> -> memref<1000000x64xf32, #tpu.memory_space<hbm>>
    %dma_start3A_65 = tpu.memref_slice %arg23[%dma_start3A_54] : memref<2x!tpu.dma_semaphore, #tpu.memory_space<semaphore_mem>> -> memref<1x!tpu.dma_semaphore, #tpu.memory_space<semaphore_mem>>
    %dma_start3A_66 = tpu.memref_squeeze %dma_start3A_65 : memref<1x!tpu.dma_semaphore, #tpu.memory_space<semaphore_mem>> -> memref<!tpu.dma_semaphore, #tpu.memory_space<semaphore_mem>>
    tpu.enqueue_indirect_dma source(%dma_start3A_64 : memref<1000000x64xf32, #tpu.memory_space<hbm>>) target(%dma_start3A_58 : memref<64x64xf32, #tpu.memory_space<vmem>>) offsets(%dma_start3A_61 : memref<64xi32, #tpu.memory_space<vmem>>) semaphore(%dma_start3A_66 : memref<!tpu.dma_semaphore, #tpu.memory_space<semaphore_mem>>)
    %dma_start3A_67 = arith.constant 0 : i32
    %dma_start3A_68 = arith.constant 0 : i32
    %dma_start3A_69 = arith.constant 0 : i32
    %dma_start3A_70 = arith.constant 64 : i32
    %dma_start3A_71 = arith.constant 0 : i32
    %dma_start3A_72 = tpu.memref_slice %arg18[%dma_start3A_68, %dma_start3A_70, %dma_start3A_71] : memref<2x256x64xf32, #tpu.memory_space<vmem>> -> memref<1x64x64xf32, #tpu.memory_space<vmem>>
    %dma_start3A_73 = tpu.memref_squeeze %dma_start3A_72 : memref<1x64x64xf32, #tpu.memory_space<vmem>> -> memref<64x64xf32, #tpu.memory_space<vmem>>
    %dma_start3A_74 = arith.constant 64 : i32
    %dma_start3A_75 = tpu.memref_slice %arg13[%dma_start3A_67, %dma_start3A_74] : memref<256x128xi32, #tpu.memory_space<vmem>> -> memref<1x64xi32, #tpu.memory_space<vmem>>
    %dma_start3A_76 = tpu.memref_squeeze %dma_start3A_75 : memref<1x64xi32, #tpu.memory_space<vmem>> -> memref<64xi32, #tpu.memory_space<vmem>>
    %dma_start3A_77 = arith.constant 0 : i32
    %dma_start3A_78 = arith.constant 0 : i32
    %dma_start3A_79 = tpu.memref_slice %arg2[%dma_start3A_77, %dma_start3A_78] : memref<1000000x64xf32, #tpu.memory_space<hbm>> -> memref<1000000x64xf32, #tpu.memory_space<hbm>>
    %dma_start3A_80 = tpu.memref_slice %arg23[%dma_start3A_69] : memref<2x!tpu.dma_semaphore, #tpu.memory_space<semaphore_mem>> -> memref<1x!tpu.dma_semaphore, #tpu.memory_space<semaphore_mem>>
    %dma_start3A_81 = tpu.memref_squeeze %dma_start3A_80 : memref<1x!tpu.dma_semaphore, #tpu.memory_space<semaphore_mem>> -> memref<!tpu.dma_semaphore, #tpu.memory_space<semaphore_mem>>
    tpu.enqueue_indirect_dma source(%dma_start3A_79 : memref<1000000x64xf32, #tpu.memory_space<hbm>>) target(%dma_start3A_73 : memref<64x64xf32, #tpu.memory_space<vmem>>) offsets(%dma_start3A_76 : memref<64xi32, #tpu.memory_space<vmem>>) semaphore(%dma_start3A_81 : memref<!tpu.dma_semaphore, #tpu.memory_space<semaphore_mem>>)
    %dma_start3A_82 = arith.constant 1 : i32
    %dma_start3A_83 = arith.constant 0 : i32
    %dma_start3A_84 = arith.constant 0 : i32
    %dma_start3A_85 = arith.constant 128 : i32
    %dma_start3A_86 = arith.constant 0 : i32
    %dma_start3A_87 = tpu.memref_slice %arg18[%dma_start3A_83, %dma_start3A_85, %dma_start3A_86] : memref<2x256x64xf32, #tpu.memory_space<vmem>> -> memref<1x64x64xf32, #tpu.memory_space<vmem>>
    %dma_start3A_88 = tpu.memref_squeeze %dma_start3A_87 : memref<1x64x64xf32, #tpu.memory_space<vmem>> -> memref<64x64xf32, #tpu.memory_space<vmem>>
    %dma_start3A_89 = arith.constant 0 : i32
    %dma_start3A_90 = tpu.memref_slice %arg13[%dma_start3A_82, %dma_start3A_89] : memref<256x128xi32, #tpu.memory_space<vmem>> -> memref<1x64xi32, #tpu.memory_space<vmem>>
    %dma_start3A_91 = tpu.memref_squeeze %dma_start3A_90 : memref<1x64xi32, #tpu.memory_space<vmem>> -> memref<64xi32, #tpu.memory_space<vmem>>
    %dma_start3A_92 = arith.constant 0 : i32
    %dma_start3A_93 = arith.constant 0 : i32
    %dma_start3A_94 = tpu.memref_slice %arg2[%dma_start3A_92, %dma_start3A_93] : memref<1000000x64xf32, #tpu.memory_space<hbm>> -> memref<1000000x64xf32, #tpu.memory_space<hbm>>
    %dma_start3A_95 = tpu.memref_slice %arg23[%dma_start3A_84] : memref<2x!tpu.dma_semaphore, #tpu.memory_space<semaphore_mem>> -> memref<1x!tpu.dma_semaphore, #tpu.memory_space<semaphore_mem>>
    %dma_start3A_96 = tpu.memref_squeeze %dma_start3A_95 : memref<1x!tpu.dma_semaphore, #tpu.memory_space<semaphore_mem>> -> memref<!tpu.dma_semaphore, #tpu.memory_space<semaphore_mem>>
    tpu.enqueue_indirect_dma source(%dma_start3A_94 : memref<1000000x64xf32, #tpu.memory_space<hbm>>) target(%dma_start3A_88 : memref<64x64xf32, #tpu.memory_space<vmem>>) offsets(%dma_start3A_91 : memref<64xi32, #tpu.memory_space<vmem>>) semaphore(%dma_start3A_96 : memref<!tpu.dma_semaphore, #tpu.memory_space<semaphore_mem>>)
    %dma_start3A_97 = arith.constant 1 : i32
    %dma_start3A_98 = arith.constant 0 : i32
    %dma_start3A_99 = arith.constant 0 : i32
    %dma_start3A_100 = arith.constant 192 : i32
    %dma_start3A_101 = arith.constant 0 : i32
    %dma_start3A_102 = tpu.memref_slice %arg18[%dma_start3A_98, %dma_start3A_100, %dma_start3A_101] : memref<2x256x64xf32, #tpu.memory_space<vmem>> -> memref<1x64x64xf32, #tpu.memory_space<vmem>>
    %dma_start3A_103 = tpu.memref_squeeze %dma_start3A_102 : memref<1x64x64xf32, #tpu.memory_space<vmem>> -> memref<64x64xf32, #tpu.memory_space<vmem>>
    %dma_start3A_104 = arith.constant 64 : i32
    %dma_start3A_105 = tpu.memref_slice %arg13[%dma_start3A_97, %dma_start3A_104] : memref<256x128xi32, #tpu.memory_space<vmem>> -> memref<1x64xi32, #tpu.memory_space<vmem>>
    %dma_start3A_106 = tpu.memref_squeeze %dma_start3A_105 : memref<1x64xi32, #tpu.memory_space<vmem>> -> memref<64xi32, #tpu.memory_space<vmem>>
    %dma_start3A_107 = arith.constant 0 : i32
    %dma_start3A_108 = arith.constant 0 : i32
    %dma_start3A_109 = tpu.memref_slice %arg2[%dma_start3A_107, %dma_start3A_108] : memref<1000000x64xf32, #tpu.memory_space<hbm>> -> memref<1000000x64xf32, #tpu.memory_space<hbm>>
    %dma_start3A_110 = tpu.memref_slice %arg23[%dma_start3A_99] : memref<2x!tpu.dma_semaphore, #tpu.memory_space<semaphore_mem>> -> memref<1x!tpu.dma_semaphore, #tpu.memory_space<semaphore_mem>>
    %dma_start3A_111 = tpu.memref_squeeze %dma_start3A_110 : memref<1x!tpu.dma_semaphore, #tpu.memory_space<semaphore_mem>> -> memref<!tpu.dma_semaphore, #tpu.memory_space<semaphore_mem>>
    tpu.enqueue_indirect_dma source(%dma_start3A_109 : memref<1000000x64xf32, #tpu.memory_space<hbm>>) target(%dma_start3A_103 : memref<64x64xf32, #tpu.memory_space<vmem>>) offsets(%dma_start3A_106 : memref<64xi32, #tpu.memory_space<vmem>>) semaphore(%dma_start3A_111 : memref<!tpu.dma_semaphore, #tpu.memory_space<semaphore_mem>>)
    %scan3A_112 = arith.constant 0 : i32
    %scan3A_113 = arith.constant 0 : i32
    %scan3A_114 = arith.constant 128 : i32
    %scan3A_115 = arith.addi %scan3A_113, %scan3A_114 : i32
    %scan3A_116 = arith.constant 1 : i32
    scf.for %scan3A_118 = %scan3A_113 to %scan3A_115 step %scan3A_116  : i32 {
      %add3A_119 = arith.addi %mul3A_2, %scan3A_118 : i32
      %rem3A = arith.constant 2 : i32
      %rem3A_120 = arith.remsi %scan3A_118, %rem3A : i32
      %add3A_121 = arith.constant 1 : i32
      %add3A_122 = arith.addi %scan3A_118, %add3A_121 : i32
      %lt3A = arith.constant 128 : i32
      %lt3A_123 = arith.cmpi slt, %add3A_122, %lt3A : i32
      %convert_element_type3A = arith.extui %lt3A_123 : i1 to i32
      %cond3A = arith.constant 0 : i32
      %cond3A_124 = arith.cmpi ne, %convert_element_type3A, %cond3A : i32
      scf.if %cond3A_124 {
        %add3A_218 = arith.constant 1 : i32
        %add3A_219 = arith.addi %scan3A_118, %add3A_218 : i32
        %add3A_220 = arith.constant 1 : i32
        %add3A_221 = arith.addi %scan3A_118, %add3A_220 : i32
        %rem3A_222 = arith.constant 2 : i32
        %rem3A_223 = arith.remsi %add3A_221, %rem3A_222 : i32
        %mul3A_224 = arith.constant 2 : i32
        %mul3A_225 = arith.muli %mul3A_224, %add3A_219 : i32
        %add3A_226 = arith.constant 0 : i32
        %add3A_227 = arith.addi %mul3A_225, %add3A_226 : i32
        %dma_start3A_228 = arith.constant 0 : i32
        %dma_start3A_229 = arith.constant 0 : i32
        %dma_start3A_230 = tpu.memref_slice %arg18[%rem3A_223, %dma_start3A_228, %dma_start3A_229] : memref<2x256x64xf32, #tpu.memory_space<vmem>> -> memref<1x64x64xf32, #tpu.memory_space<vmem>>
        %dma_start3A_231 = tpu.memref_squeeze %dma_start3A_230 : memref<1x64x64xf32, #tpu.memory_space<vmem>> -> memref<64x64xf32, #tpu.memory_space<vmem>>
        %dma_start3A_232 = arith.constant 0 : i32
        %dma_start3A_233 = tpu.memref_slice %arg13[%add3A_227, %dma_start3A_232] : memref<256x128xi32, #tpu.memory_space<vmem>> -> memref<1x64xi32, #tpu.memory_space<vmem>>
        %dma_start3A_234 = tpu.memref_squeeze %dma_start3A_233 : memref<1x64xi32, #tpu.memory_space<vmem>> -> memref<64xi32, #tpu.memory_space<vmem>>
        %dma_start3A_235 = arith.constant 0 : i32
        %dma_start3A_236 = arith.constant 0 : i32
        %dma_start3A_237 = tpu.memref_slice %arg2[%dma_start3A_235, %dma_start3A_236] : memref<1000000x64xf32, #tpu.memory_space<hbm>> -> memref<1000000x64xf32, #tpu.memory_space<hbm>>
        %dma_start3A_238 = tpu.memref_slice %arg23[%rem3A_223] : memref<2x!tpu.dma_semaphore, #tpu.memory_space<semaphore_mem>> -> memref<1x!tpu.dma_semaphore, #tpu.memory_space<semaphore_mem>>
        %dma_start3A_239 = tpu.memref_squeeze %dma_start3A_238 : memref<1x!tpu.dma_semaphore, #tpu.memory_space<semaphore_mem>> -> memref<!tpu.dma_semaphore, #tpu.memory_space<semaphore_mem>>
        tpu.enqueue_indirect_dma source(%dma_start3A_237 : memref<1000000x64xf32, #tpu.memory_space<hbm>>) target(%dma_start3A_231 : memref<64x64xf32, #tpu.memory_space<vmem>>) offsets(%dma_start3A_234 : memref<64xi32, #tpu.memory_space<vmem>>) semaphore(%dma_start3A_239 : memref<!tpu.dma_semaphore, #tpu.memory_space<semaphore_mem>>)
        %mul3A_240 = arith.constant 2 : i32
        %mul3A_241 = arith.muli %mul3A_240, %add3A_219 : i32
        %add3A_242 = arith.constant 0 : i32
        %add3A_243 = arith.addi %mul3A_241, %add3A_242 : i32
        %dma_start3A_244 = arith.constant 64 : i32
        %dma_start3A_245 = arith.constant 0 : i32
        %dma_start3A_246 = tpu.memref_slice %arg18[%rem3A_223, %dma_start3A_244, %dma_start3A_245] : memref<2x256x64xf32, #tpu.memory_space<vmem>> -> memref<1x64x64xf32, #tpu.memory_space<vmem>>
        %dma_start3A_247 = tpu.memref_squeeze %dma_start3A_246 : memref<1x64x64xf32, #tpu.memory_space<vmem>> -> memref<64x64xf32, #tpu.memory_space<vmem>>
        %dma_start3A_248 = arith.constant 64 : i32
        %dma_start3A_249 = tpu.memref_slice %arg13[%add3A_243, %dma_start3A_248] : memref<256x128xi32, #tpu.memory_space<vmem>> -> memref<1x64xi32, #tpu.memory_space<vmem>>
        %dma_start3A_250 = tpu.memref_squeeze %dma_start3A_249 : memref<1x64xi32, #tpu.memory_space<vmem>> -> memref<64xi32, #tpu.memory_space<vmem>>
        %dma_start3A_251 = arith.constant 0 : i32
        %dma_start3A_252 = arith.constant 0 : i32
        %dma_start3A_253 = tpu.memref_slice %arg2[%dma_start3A_251, %dma_start3A_252] : memref<1000000x64xf32, #tpu.memory_space<hbm>> -> memref<1000000x64xf32, #tpu.memory_space<hbm>>
        %dma_start3A_254 = tpu.memref_slice %arg23[%rem3A_223] : memref<2x!tpu.dma_semaphore, #tpu.memory_space<semaphore_mem>> -> memref<1x!tpu.dma_semaphore, #tpu.memory_space<semaphore_mem>>
        %dma_start3A_255 = tpu.memref_squeeze %dma_start3A_254 : memref<1x!tpu.dma_semaphore, #tpu.memory_space<semaphore_mem>> -> memref<!tpu.dma_semaphore, #tpu.memory_space<semaphore_mem>>
        tpu.enqueue_indirect_dma source(%dma_start3A_253 : memref<1000000x64xf32, #tpu.memory_space<hbm>>) target(%dma_start3A_247 : memref<64x64xf32, #tpu.memory_space<vmem>>) offsets(%dma_start3A_250 : memref<64xi32, #tpu.memory_space<vmem>>) semaphore(%dma_start3A_255 : memref<!tpu.dma_semaphore, #tpu.memory_space<semaphore_mem>>)
        %mul3A_256 = arith.constant 2 : i32
        %mul3A_257 = arith.muli %mul3A_256, %add3A_219 : i32
        %add3A_258 = arith.constant 1 : i32
        %add3A_259 = arith.addi %mul3A_257, %add3A_258 : i32
        %dma_start3A_260 = arith.constant 128 : i32
        %dma_start3A_261 = arith.constant 0 : i32
        %dma_start3A_262 = tpu.memref_slice %arg18[%rem3A_223, %dma_start3A_260, %dma_start3A_261] : memref<2x256x64xf32, #tpu.memory_space<vmem>> -> memref<1x64x64xf32, #tpu.memory_space<vmem>>
        %dma_start3A_263 = tpu.memref_squeeze %dma_start3A_262 : memref<1x64x64xf32, #tpu.memory_space<vmem>> -> memref<64x64xf32, #tpu.memory_space<vmem>>
        %dma_start3A_264 = arith.constant 0 : i32
        %dma_start3A_265 = tpu.memref_slice %arg13[%add3A_259, %dma_start3A_264] : memref<256x128xi32, #tpu.memory_space<vmem>> -> memref<1x64xi32, #tpu.memory_space<vmem>>
        %dma_start3A_266 = tpu.memref_squeeze %dma_start3A_265 : memref<1x64xi32, #tpu.memory_space<vmem>> -> memref<64xi32, #tpu.memory_space<vmem>>
        %dma_start3A_267 = arith.constant 0 : i32
        %dma_start3A_268 = arith.constant 0 : i32
        %dma_start3A_269 = tpu.memref_slice %arg2[%dma_start3A_267, %dma_start3A_268] : memref<1000000x64xf32, #tpu.memory_space<hbm>> -> memref<1000000x64xf32, #tpu.memory_space<hbm>>
        %dma_start3A_270 = tpu.memref_slice %arg23[%rem3A_223] : memref<2x!tpu.dma_semaphore, #tpu.memory_space<semaphore_mem>> -> memref<1x!tpu.dma_semaphore, #tpu.memory_space<semaphore_mem>>
        %dma_start3A_271 = tpu.memref_squeeze %dma_start3A_270 : memref<1x!tpu.dma_semaphore, #tpu.memory_space<semaphore_mem>> -> memref<!tpu.dma_semaphore, #tpu.memory_space<semaphore_mem>>
        tpu.enqueue_indirect_dma source(%dma_start3A_269 : memref<1000000x64xf32, #tpu.memory_space<hbm>>) target(%dma_start3A_263 : memref<64x64xf32, #tpu.memory_space<vmem>>) offsets(%dma_start3A_266 : memref<64xi32, #tpu.memory_space<vmem>>) semaphore(%dma_start3A_271 : memref<!tpu.dma_semaphore, #tpu.memory_space<semaphore_mem>>)
        %mul3A_272 = arith.constant 2 : i32
        %mul3A_273 = arith.muli %mul3A_272, %add3A_219 : i32
        %add3A_274 = arith.constant 1 : i32
        %add3A_275 = arith.addi %mul3A_273, %add3A_274 : i32
        %dma_start3A_276 = arith.constant 192 : i32
        %dma_start3A_277 = arith.constant 0 : i32
        %dma_start3A_278 = tpu.memref_slice %arg18[%rem3A_223, %dma_start3A_276, %dma_start3A_277] : memref<2x256x64xf32, #tpu.memory_space<vmem>> -> memref<1x64x64xf32, #tpu.memory_space<vmem>>
        %dma_start3A_279 = tpu.memref_squeeze %dma_start3A_278 : memref<1x64x64xf32, #tpu.memory_space<vmem>> -> memref<64x64xf32, #tpu.memory_space<vmem>>
        %dma_start3A_280 = arith.constant 64 : i32
        %dma_start3A_281 = tpu.memref_slice %arg13[%add3A_275, %dma_start3A_280] : memref<256x128xi32, #tpu.memory_space<vmem>> -> memref<1x64xi32, #tpu.memory_space<vmem>>
        %dma_start3A_282 = tpu.memref_squeeze %dma_start3A_281 : memref<1x64xi32, #tpu.memory_space<vmem>> -> memref<64xi32, #tpu.memory_space<vmem>>
        %dma_start3A_283 = arith.constant 0 : i32
        %dma_start3A_284 = arith.constant 0 : i32
        %dma_start3A_285 = tpu.memref_slice %arg2[%dma_start3A_283, %dma_start3A_284] : memref<1000000x64xf32, #tpu.memory_space<hbm>> -> memref<1000000x64xf32, #tpu.memory_space<hbm>>
        %dma_start3A_286 = tpu.memref_slice %arg23[%rem3A_223] : memref<2x!tpu.dma_semaphore, #tpu.memory_space<semaphore_mem>> -> memref<1x!tpu.dma_semaphore, #tpu.memory_space<semaphore_mem>>
        %dma_start3A_287 = tpu.memref_squeeze %dma_start3A_286 : memref<1x!tpu.dma_semaphore, #tpu.memory_space<semaphore_mem>> -> memref<!tpu.dma_semaphore, #tpu.memory_space<semaphore_mem>>
        tpu.enqueue_indirect_dma source(%dma_start3A_285 : memref<1000000x64xf32, #tpu.memory_space<hbm>>) target(%dma_start3A_279 : memref<64x64xf32, #tpu.memory_space<vmem>>) offsets(%dma_start3A_282 : memref<64xi32, #tpu.memory_space<vmem>>) semaphore(%dma_start3A_287 : memref<!tpu.dma_semaphore, #tpu.memory_space<semaphore_mem>>)
      } else {
      }
      %mul3A_125 = arith.constant 2 : i32
      %mul3A_126 = arith.muli %mul3A_125, %scan3A_118 : i32
      %add3A_127 = arith.constant 0 : i32
      %add3A_128 = arith.addi %mul3A_126, %add3A_127 : i32
      %dma_wait3A_129 = arith.constant 0 : i32
      %dma_wait3A_130 = arith.constant 0 : i32
      %dma_wait3A_131 = tpu.memref_slice %arg18[%rem3A_120, %dma_wait3A_129, %dma_wait3A_130] : memref<2x256x64xf32, #tpu.memory_space<vmem>> -> memref<1x64x64xf32, #tpu.memory_space<vmem>>
      %dma_wait3A_132 = tpu.memref_squeeze %dma_wait3A_131 : memref<1x64x64xf32, #tpu.memory_space<vmem>> -> memref<64x64xf32, #tpu.memory_space<vmem>>
      %dma_wait3A_133 = arith.constant 0 : i32
      %dma_wait3A_134 = tpu.memref_slice %arg13[%add3A_128, %dma_wait3A_133] : memref<256x128xi32, #tpu.memory_space<vmem>> -> memref<1x64xi32, #tpu.memory_space<vmem>>
      %dma_wait3A_135 = tpu.memref_squeeze %dma_wait3A_134 : memref<1x64xi32, #tpu.memory_space<vmem>> -> memref<64xi32, #tpu.memory_space<vmem>>
      %dma_wait3A_136 = arith.constant 0 : i32
      %dma_wait3A_137 = arith.constant 0 : i32
      %dma_wait3A_138 = tpu.memref_slice %arg2[%dma_wait3A_136, %dma_wait3A_137] : memref<1000000x64xf32, #tpu.memory_space<hbm>> -> memref<1000000x64xf32, #tpu.memory_space<hbm>>
      %dma_wait3A_139 = tpu.memref_slice %arg23[%rem3A_120] : memref<2x!tpu.dma_semaphore, #tpu.memory_space<semaphore_mem>> -> memref<1x!tpu.dma_semaphore, #tpu.memory_space<semaphore_mem>>
      %dma_wait3A_140 = tpu.memref_squeeze %dma_wait3A_139 : memref<1x!tpu.dma_semaphore, #tpu.memory_space<semaphore_mem>> -> memref<!tpu.dma_semaphore, #tpu.memory_space<semaphore_mem>>
      tpu.wait_indirect_dma semaphore(%dma_wait3A_140 : memref<!tpu.dma_semaphore, #tpu.memory_space<semaphore_mem>>) src(%dma_wait3A_138 : memref<1000000x64xf32, #tpu.memory_space<hbm>>) dst(%dma_wait3A_132 : memref<64x64xf32, #tpu.memory_space<vmem>>)
      %mul3A_141 = arith.constant 2 : i32
      %mul3A_142 = arith.muli %mul3A_141, %scan3A_118 : i32
      %add3A_143 = arith.constant 0 : i32
      %add3A_144 = arith.addi %mul3A_142, %add3A_143 : i32
      %dma_wait3A_145 = arith.constant 64 : i32
      %dma_wait3A_146 = arith.constant 0 : i32
      %dma_wait3A_147 = tpu.memref_slice %arg18[%rem3A_120, %dma_wait3A_145, %dma_wait3A_146] : memref<2x256x64xf32, #tpu.memory_space<vmem>> -> memref<1x64x64xf32, #tpu.memory_space<vmem>>
      %dma_wait3A_148 = tpu.memref_squeeze %dma_wait3A_147 : memref<1x64x64xf32, #tpu.memory_space<vmem>> -> memref<64x64xf32, #tpu.memory_space<vmem>>
      %dma_wait3A_149 = arith.constant 64 : i32
      %dma_wait3A_150 = tpu.memref_slice %arg13[%add3A_144, %dma_wait3A_149] : memref<256x128xi32, #tpu.memory_space<vmem>> -> memref<1x64xi32, #tpu.memory_space<vmem>>
      %dma_wait3A_151 = tpu.memref_squeeze %dma_wait3A_150 : memref<1x64xi32, #tpu.memory_space<vmem>> -> memref<64xi32, #tpu.memory_space<vmem>>
      %dma_wait3A_152 = arith.constant 0 : i32
      %dma_wait3A_153 = arith.constant 0 : i32
      %dma_wait3A_154 = tpu.memref_slice %arg2[%dma_wait3A_152, %dma_wait3A_153] : memref<1000000x64xf32, #tpu.memory_space<hbm>> -> memref<1000000x64xf32, #tpu.memory_space<hbm>>
      %dma_wait3A_155 = tpu.memref_slice %arg23[%rem3A_120] : memref<2x!tpu.dma_semaphore, #tpu.memory_space<semaphore_mem>> -> memref<1x!tpu.dma_semaphore, #tpu.memory_space<semaphore_mem>>
      %dma_wait3A_156 = tpu.memref_squeeze %dma_wait3A_155 : memref<1x!tpu.dma_semaphore, #tpu.memory_space<semaphore_mem>> -> memref<!tpu.dma_semaphore, #tpu.memory_space<semaphore_mem>>
      tpu.wait_indirect_dma semaphore(%dma_wait3A_156 : memref<!tpu.dma_semaphore, #tpu.memory_space<semaphore_mem>>) src(%dma_wait3A_154 : memref<1000000x64xf32, #tpu.memory_space<hbm>>) dst(%dma_wait3A_148 : memref<64x64xf32, #tpu.memory_space<vmem>>)
      %mul3A_157 = arith.constant 2 : i32
      %mul3A_158 = arith.muli %mul3A_157, %scan3A_118 : i32
      %add3A_159 = arith.constant 1 : i32
      %add3A_160 = arith.addi %mul3A_158, %add3A_159 : i32
      %dma_wait3A_161 = arith.constant 128 : i32
      %dma_wait3A_162 = arith.constant 0 : i32
      %dma_wait3A_163 = tpu.memref_slice %arg18[%rem3A_120, %dma_wait3A_161, %dma_wait3A_162] : memref<2x256x64xf32, #tpu.memory_space<vmem>> -> memref<1x64x64xf32, #tpu.memory_space<vmem>>
      %dma_wait3A_164 = tpu.memref_squeeze %dma_wait3A_163 : memref<1x64x64xf32, #tpu.memory_space<vmem>> -> memref<64x64xf32, #tpu.memory_space<vmem>>
      %dma_wait3A_165 = arith.constant 0 : i32
      %dma_wait3A_166 = tpu.memref_slice %arg13[%add3A_160, %dma_wait3A_165] : memref<256x128xi32, #tpu.memory_space<vmem>> -> memref<1x64xi32, #tpu.memory_space<vmem>>
      %dma_wait3A_167 = tpu.memref_squeeze %dma_wait3A_166 : memref<1x64xi32, #tpu.memory_space<vmem>> -> memref<64xi32, #tpu.memory_space<vmem>>
      %dma_wait3A_168 = arith.constant 0 : i32
      %dma_wait3A_169 = arith.constant 0 : i32
      %dma_wait3A_170 = tpu.memref_slice %arg2[%dma_wait3A_168, %dma_wait3A_169] : memref<1000000x64xf32, #tpu.memory_space<hbm>> -> memref<1000000x64xf32, #tpu.memory_space<hbm>>
      %dma_wait3A_171 = tpu.memref_slice %arg23[%rem3A_120] : memref<2x!tpu.dma_semaphore, #tpu.memory_space<semaphore_mem>> -> memref<1x!tpu.dma_semaphore, #tpu.memory_space<semaphore_mem>>
      %dma_wait3A_172 = tpu.memref_squeeze %dma_wait3A_171 : memref<1x!tpu.dma_semaphore, #tpu.memory_space<semaphore_mem>> -> memref<!tpu.dma_semaphore, #tpu.memory_space<semaphore_mem>>
      tpu.wait_indirect_dma semaphore(%dma_wait3A_172 : memref<!tpu.dma_semaphore, #tpu.memory_space<semaphore_mem>>) src(%dma_wait3A_170 : memref<1000000x64xf32, #tpu.memory_space<hbm>>) dst(%dma_wait3A_164 : memref<64x64xf32, #tpu.memory_space<vmem>>)
      %mul3A_173 = arith.constant 2 : i32
      %mul3A_174 = arith.muli %mul3A_173, %scan3A_118 : i32
      %add3A_175 = arith.constant 1 : i32
      %add3A_176 = arith.addi %mul3A_174, %add3A_175 : i32
      %dma_wait3A_177 = arith.constant 192 : i32
      %dma_wait3A_178 = arith.constant 0 : i32
      %dma_wait3A_179 = tpu.memref_slice %arg18[%rem3A_120, %dma_wait3A_177, %dma_wait3A_178] : memref<2x256x64xf32, #tpu.memory_space<vmem>> -> memref<1x64x64xf32, #tpu.memory_space<vmem>>
      %dma_wait3A_180 = tpu.memref_squeeze %dma_wait3A_179 : memref<1x64x64xf32, #tpu.memory_space<vmem>> -> memref<64x64xf32, #tpu.memory_space<vmem>>
      %dma_wait3A_181 = arith.constant 64 : i32
      %dma_wait3A_182 = tpu.memref_slice %arg13[%add3A_176, %dma_wait3A_181] : memref<256x128xi32, #tpu.memory_space<vmem>> -> memref<1x64xi32, #tpu.memory_space<vmem>>
      %dma_wait3A_183 = tpu.memref_squeeze %dma_wait3A_182 : memref<1x64xi32, #tpu.memory_space<vmem>> -> memref<64xi32, #tpu.memory_space<vmem>>
      %dma_wait3A_184 = arith.constant 0 : i32
      %dma_wait3A_185 = arith.constant 0 : i32
      %dma_wait3A_186 = tpu.memref_slice %arg2[%dma_wait3A_184, %dma_wait3A_185] : memref<1000000x64xf32, #tpu.memory_space<hbm>> -> memref<1000000x64xf32, #tpu.memory_space<hbm>>
      %dma_wait3A_187 = tpu.memref_slice %arg23[%rem3A_120] : memref<2x!tpu.dma_semaphore, #tpu.memory_space<semaphore_mem>> -> memref<1x!tpu.dma_semaphore, #tpu.memory_space<semaphore_mem>>
      %dma_wait3A_188 = tpu.memref_squeeze %dma_wait3A_187 : memref<1x!tpu.dma_semaphore, #tpu.memory_space<semaphore_mem>> -> memref<!tpu.dma_semaphore, #tpu.memory_space<semaphore_mem>>
      tpu.wait_indirect_dma semaphore(%dma_wait3A_188 : memref<!tpu.dma_semaphore, #tpu.memory_space<semaphore_mem>>) src(%dma_wait3A_186 : memref<1000000x64xf32, #tpu.memory_space<hbm>>) dst(%dma_wait3A_180 : memref<64x64xf32, #tpu.memory_space<vmem>>)
      %get3A = arith.index_cast %scan3A_118 : i32 to index
      %get3A_189 = arith.constant 0 : index
      %get3A_190 = tpu.vector_load %arg14[%get3A, %get3A_189] {strides = array<i32>} : memref<128x64xf32, #tpu.memory_space<vmem>>, vector<16xf32>,
      %get3A_191 = arith.index_cast %scan3A_118 : i32 to index
      %get3A_192 = arith.constant 16 : index
      %get3A_193 = tpu.vector_load %arg14[%get3A_191, %get3A_192] {strides = array<i32>} : memref<128x64xf32, #tpu.memory_space<vmem>>, vector<16xf32>,
      %get3A_194 = arith.index_cast %scan3A_118 : i32 to index
      %get3A_195 = arith.constant 32 : index
      %get3A_196 = tpu.vector_load %arg14[%get3A_194, %get3A_195] {strides = array<i32>} : memref<128x64xf32, #tpu.memory_space<vmem>>, vector<16xf32>,
      %get3A_197 = arith.index_cast %scan3A_118 : i32 to index
      %get3A_198 = arith.constant 48 : index
      %get3A_199 = tpu.vector_load %arg14[%get3A_197, %get3A_198] {strides = array<i32>} : memref<128x64xf32, #tpu.memory_space<vmem>>, vector<16xf32>,
      %get3A_200 = arith.index_cast %scan3A_118 : i32 to index
      %get3A_201 = arith.constant 0 : index
      %get3A_202 = tpu.vector_load %arg17[%get3A_200, %get3A_201] {strides = array<i32>} : memref<128x64xf32, #tpu.memory_space<vmem>>, vector<16xf32>,
      %get3A_203 = arith.index_cast %scan3A_118 : i32 to index
      %get3A_204 = arith.constant 16 : index
      %get3A_205 = tpu.vector_load %arg17[%get3A_203, %get3A_204] {strides = array<i32>} : memref<128x64xf32, #tpu.memory_space<vmem>>, vector<16xf32>,
      %get3A_206 = arith.index_cast %scan3A_118 : i32 to index
      %get3A_207 = arith.constant 32 : index
      %get3A_208 = tpu.vector_load %arg17[%get3A_206, %get3A_207] {strides = array<i32>} : memref<128x64xf32, #tpu.memory_space<vmem>>, vector<16xf32>,
      %get3A_209 = arith.index_cast %scan3A_118 : i32 to index
      %get3A_210 = arith.constant 48 : index
      %get3A_211 = tpu.vector_load %arg17[%get3A_209, %get3A_210] {strides = array<i32>} : memref<128x64xf32, #tpu.memory_space<vmem>>, vector<16xf32>,
      %scan3A_212 = arith.constant 0 : i32
      %scan3A_213 = arith.constant 0 : i32
      %scan3A_214 = arith.constant 16 : i32
      %scan3A_215 = arith.addi %scan3A_213, %scan3A_214 : i32
      %scan3A_216 = arith.constant 1 : i32
      scf.for %scan3A_218 = %scan3A_213 to %scan3A_215 step %scan3A_216  : i32 {
        %mul3A_219 = arith.constant 16 : i32
        %mul3A_220 = arith.muli %scan3A_218, %mul3A_219 : i32
        %add3A_221 = arith.constant 0 : i32
        %add3A_222 = arith.addi %mul3A_220, %add3A_221 : i32
        %get3A_223 = arith.index_cast %rem3A_120 : i32 to index
        %get3A_224 = arith.index_cast %add3A_222 : i32 to index
        %get3A_225 = arith.constant 0 : index
        %get3A_226 = tpu.vector_load %arg18[%get3A_223, %get3A_224, %get3A_225] {strides = array<i32>} : memref<2x256x64xf32, #tpu.memory_space<vmem>>, vector<16xf32>,
        %mul3A_227 = arith.mulf %get3A_202, %get3A_226 : vector<16xf32>
        %sub3A = arith.subf %get3A_190, %mul3A_227 : vector<16xf32>
        %abs3A = math.absf %sub3A : vector<16xf32>
        %get3A_228 = arith.index_cast %rem3A_120 : i32 to index
        %get3A_229 = arith.index_cast %add3A_222 : i32 to index
        %get3A_230 = arith.constant 16 : index
        %get3A_231 = tpu.vector_load %arg18[%get3A_228, %get3A_229, %get3A_230] {strides = array<i32>} : memref<2x256x64xf32, #tpu.memory_space<vmem>>, vector<16xf32>,
        %mul3A_232 = arith.mulf %get3A_205, %get3A_231 : vector<16xf32>
        %sub3A_233 = arith.subf %get3A_193, %mul3A_232 : vector<16xf32>
        %abs3A_234 = math.absf %sub3A_233 : vector<16xf32>
        %add3A_235 = arith.addf %abs3A, %abs3A_234 : vector<16xf32>
        %get3A_236 = arith.index_cast %rem3A_120 : i32 to index
        %get3A_237 = arith.index_cast %add3A_222 : i32 to index
        %get3A_238 = arith.constant 32 : index
        %get3A_239 = tpu.vector_load %arg18[%get3A_236, %get3A_237, %get3A_238] {strides = array<i32>} : memref<2x256x64xf32, #tpu.memory_space<vmem>>, vector<16xf32>,
        %mul3A_240 = arith.mulf %get3A_208, %get3A_239 : vector<16xf32>
        %sub3A_241 = arith.subf %get3A_196, %mul3A_240 : vector<16xf32>
        %abs3A_242 = math.absf %sub3A_241 : vector<16xf32>
        %add3A_243 = arith.addf %add3A_235, %abs3A_242 : vector<16xf32>
        %get3A_244 = arith.index_cast %rem3A_120 : i32 to index
        %get3A_245 = arith.index_cast %add3A_222 : i32 to index
        %get3A_246 = arith.constant 48 : index
        %get3A_247 = tpu.vector_load %arg18[%get3A_244, %get3A_245, %get3A_246] {strides = array<i32>} : memref<2x256x64xf32, #tpu.memory_space<vmem>>, vector<16xf32>,
        %mul3A_248 = arith.mulf %get3A_211, %get3A_247 : vector<16xf32>
        %sub3A_249 = arith.subf %get3A_199, %mul3A_248 : vector<16xf32>
        %abs3A_250 = math.absf %sub3A_249 : vector<16xf32>
        %add3A_251 = arith.addf %add3A_243, %abs3A_250 : vector<16xf32>
        %swap3A = arith.constant 0 : i32
        %swap3A_252 = arith.index_cast %swap3A : i32 to index
        %swap3A_253 = arith.constant 0 : index
        %swap3A_254 = tpu.vector_load %arg19[%swap3A_252, %swap3A_253] {strides = array<i32>} : memref<16x16xf32, #tpu.memory_space<vmem>>, vector<16xf32>,
        tpu.vector_store %arg19[%swap3A_252, %swap3A_253], %add3A_251 {strides = array<i32>} : memref<16x16xf32, #tpu.memory_space<vmem>>, vector<16xf32>,
        %mul3A_255 = arith.constant 16 : i32
        %mul3A_256 = arith.muli %scan3A_218, %mul3A_255 : i32
        %add3A_257 = arith.constant 1 : i32
        %add3A_258 = arith.addi %mul3A_256, %add3A_257 : i32
        %get3A_259 = arith.index_cast %rem3A_120 : i32 to index
        %get3A_260 = arith.index_cast %add3A_258 : i32 to index
        %get3A_261 = arith.constant 0 : index
        %get3A_262 = tpu.vector_load %arg18[%get3A_259, %get3A_260, %get3A_261] {strides = array<i32>} : memref<2x256x64xf32, #tpu.memory_space<vmem>>, vector<16xf32>,
        %mul3A_263 = arith.mulf %get3A_202, %get3A_262 : vector<16xf32>
        %sub3A_264 = arith.subf %get3A_190, %mul3A_263 : vector<16xf32>
        %abs3A_265 = math.absf %sub3A_264 : vector<16xf32>
        %get3A_266 = arith.index_cast %rem3A_120 : i32 to index
        %get3A_267 = arith.index_cast %add3A_258 : i32 to index
        %get3A_268 = arith.constant 16 : index
        %get3A_269 = tpu.vector_load %arg18[%get3A_266, %get3A_267, %get3A_268] {strides = array<i32>} : memref<2x256x64xf32, #tpu.memory_space<vmem>>, vector<16xf32>,
        %mul3A_270 = arith.mulf %get3A_205, %get3A_269 : vector<16xf32>
        %sub3A_271 = arith.subf %get3A_193, %mul3A_270 : vector<16xf32>
        %abs3A_272 = math.absf %sub3A_271 : vector<16xf32>
        %add3A_273 = arith.addf %abs3A_265, %abs3A_272 : vector<16xf32>
        %get3A_274 = arith.index_cast %rem3A_120 : i32 to index
        %get3A_275 = arith.index_cast %add3A_258 : i32 to index
        %get3A_276 = arith.constant 32 : index
        %get3A_277 = tpu.vector_load %arg18[%get3A_274, %get3A_275, %get3A_276] {strides = array<i32>} : memref<2x256x64xf32, #tpu.memory_space<vmem>>, vector<16xf32>,
        %mul3A_278 = arith.mulf %get3A_208, %get3A_277 : vector<16xf32>
        %sub3A_279 = arith.subf %get3A_196, %mul3A_278 : vector<16xf32>
        %abs3A_280 = math.absf %sub3A_279 : vector<16xf32>
        %add3A_281 = arith.addf %add3A_273, %abs3A_280 : vector<16xf32>
        %get3A_282 = arith.index_cast %rem3A_120 : i32 to index
        %get3A_283 = arith.index_cast %add3A_258 : i32 to index
        %get3A_284 = arith.constant 48 : index
        %get3A_285 = tpu.vector_load %arg18[%get3A_282, %get3A_283, %get3A_284] {strides = array<i32>} : memref<2x256x64xf32, #tpu.memory_space<vmem>>, vector<16xf32>,
        %mul3A_286 = arith.mulf %get3A_211, %get3A_285 : vector<16xf32>
        %sub3A_287 = arith.subf %get3A_199, %mul3A_286 : vector<16xf32>
        %abs3A_288 = math.absf %sub3A_287 : vector<16xf32>
        %add3A_289 = arith.addf %add3A_281, %abs3A_288 : vector<16xf32>
        %swap3A_290 = arith.constant 1 : i32
        %swap3A_291 = arith.index_cast %swap3A_290 : i32 to index
        %swap3A_292 = arith.constant 0 : index
        %swap3A_293 = tpu.vector_load %arg19[%swap3A_291, %swap3A_292] {strides = array<i32>} : memref<16x16xf32, #tpu.memory_space<vmem>>, vector<16xf32>,
        tpu.vector_store %arg19[%swap3A_291, %swap3A_292], %add3A_289 {strides = array<i32>} : memref<16x16xf32, #tpu.memory_space<vmem>>, vector<16xf32>,
        %mul3A_294 = arith.constant 16 : i32
        %mul3A_295 = arith.muli %scan3A_218, %mul3A_294 : i32
        %add3A_296 = arith.constant 2 : i32
        %add3A_297 = arith.addi %mul3A_295, %add3A_296 : i32
        %get3A_298 = arith.index_cast %rem3A_120 : i32 to index
        %get3A_299 = arith.index_cast %add3A_297 : i32 to index
        %get3A_300 = arith.constant 0 : index
        %get3A_301 = tpu.vector_load %arg18[%get3A_298, %get3A_299, %get3A_300] {strides = array<i32>} : memref<2x256x64xf32, #tpu.memory_space<vmem>>, vector<16xf32>,
        %mul3A_302 = arith.mulf %get3A_202, %get3A_301 : vector<16xf32>
        %sub3A_303 = arith.subf %get3A_190, %mul3A_302 : vector<16xf32>
        %abs3A_304 = math.absf %sub3A_303 : vector<16xf32>
        %get3A_305 = arith.index_cast %rem3A_120 : i32 to index
        %get3A_306 = arith.index_cast %add3A_297 : i32 to index
        %get3A_307 = arith.constant 16 : index
        %get3A_308 = tpu.vector_load %arg18[%get3A_305, %get3A_306, %get3A_307] {strides = array<i32>} : memref<2x256x64xf32, #tpu.memory_space<vmem>>, vector<16xf32>,
        %mul3A_309 = arith.mulf %get3A_205, %get3A_308 : vector<16xf32>
        %sub3A_310 = arith.subf %get3A_193, %mul3A_309 : vector<16xf32>
        %abs3A_311 = math.absf %sub3A_310 : vector<16xf32>
        %add3A_312 = arith.addf %abs3A_304, %abs3A_311 : vector<16xf32>
        %get3A_313 = arith.index_cast %rem3A_120 : i32 to index
        %get3A_314 = arith.index_cast %add3A_297 : i32 to index
        %get3A_315 = arith.constant 32 : index
        %get3A_316 = tpu.vector_load %arg18[%get3A_313, %get3A_314, %get3A_315] {strides = array<i32>} : memref<2x256x64xf32, #tpu.memory_space<vmem>>, vector<16xf32>,
        %mul3A_317 = arith.mulf %get3A_208, %get3A_316 : vector<16xf32>
        %sub3A_318 = arith.subf %get3A_196, %mul3A_317 : vector<16xf32>
        %abs3A_319 = math.absf %sub3A_318 : vector<16xf32>
        %add3A_320 = arith.addf %add3A_312, %abs3A_319 : vector<16xf32>
        %get3A_321 = arith.index_cast %rem3A_120 : i32 to index
        %get3A_322 = arith.index_cast %add3A_297 : i32 to index
        %get3A_323 = arith.constant 48 : index
        %get3A_324 = tpu.vector_load %arg18[%get3A_321, %get3A_322, %get3A_323] {strides = array<i32>} : memref<2x256x64xf32, #tpu.memory_space<vmem>>, vector<16xf32>,
        %mul3A_325 = arith.mulf %get3A_211, %get3A_324 : vector<16xf32>
        %sub3A_326 = arith.subf %get3A_199, %mul3A_325 : vector<16xf32>
        %abs3A_327 = math.absf %sub3A_326 : vector<16xf32>
        %add3A_328 = arith.addf %add3A_320, %abs3A_327 : vector<16xf32>
        %swap3A_329 = arith.constant 2 : i32
        %swap3A_330 = arith.index_cast %swap3A_329 : i32 to index
        %swap3A_331 = arith.constant 0 : index
        %swap3A_332 = tpu.vector_load %arg19[%swap3A_330, %swap3A_331] {strides = array<i32>} : memref<16x16xf32, #tpu.memory_space<vmem>>, vector<16xf32>,
        tpu.vector_store %arg19[%swap3A_330, %swap3A_331], %add3A_328 {strides = array<i32>} : memref<16x16xf32, #tpu.memory_space<vmem>>, vector<16xf32>,
        %mul3A_333 = arith.constant 16 : i32
        %mul3A_334 = arith.muli %scan3A_218, %mul3A_333 : i32
        %add3A_335 = arith.constant 3 : i32
        %add3A_336 = arith.addi %mul3A_334, %add3A_335 : i32
        %get3A_337 = arith.index_cast %rem3A_120 : i32 to index
        %get3A_338 = arith.index_cast %add3A_336 : i32 to index
        %get3A_339 = arith.constant 0 : index
        %get3A_340 = tpu.vector_load %arg18[%get3A_337, %get3A_338, %get3A_339] {strides = array<i32>} : memref<2x256x64xf32, #tpu.memory_space<vmem>>, vector<16xf32>,
        %mul3A_341 = arith.mulf %get3A_202, %get3A_340 : vector<16xf32>
        %sub3A_342 = arith.subf %get3A_190, %mul3A_341 : vector<16xf32>
        %abs3A_343 = math.absf %sub3A_342 : vector<16xf32>
        %get3A_344 = arith.index_cast %rem3A_120 : i32 to index
        %get3A_345 = arith.index_cast %add3A_336 : i32 to index
        %get3A_346 = arith.constant 16 : index
        %get3A_347 = tpu.vector_load %arg18[%get3A_344, %get3A_345, %get3A_346] {strides = array<i32>} : memref<2x256x64xf32, #tpu.memory_space<vmem>>, vector<16xf32>,
        %mul3A_348 = arith.mulf %get3A_205, %get3A_347 : vector<16xf32>
        %sub3A_349 = arith.subf %get3A_193, %mul3A_348 : vector<16xf32>
        %abs3A_350 = math.absf %sub3A_349 : vector<16xf32>
        %add3A_351 = arith.addf %abs3A_343, %abs3A_350 : vector<16xf32>
        %get3A_352 = arith.index_cast %rem3A_120 : i32 to index
        %get3A_353 = arith.index_cast %add3A_336 : i32 to index
        %get3A_354 = arith.constant 32 : index
        %get3A_355 = tpu.vector_load %arg18[%get3A_352, %get3A_353, %get3A_354] {strides = array<i32>} : memref<2x256x64xf32, #tpu.memory_space<vmem>>, vector<16xf32>,
        %mul3A_356 = arith.mulf %get3A_208, %get3A_355 : vector<16xf32>
        %sub3A_357 = arith.subf %get3A_196, %mul3A_356 : vector<16xf32>
        %abs3A_358 = math.absf %sub3A_357 : vector<16xf32>
        %add3A_359 = arith.addf %add3A_351, %abs3A_358 : vector<16xf32>
        %get3A_360 = arith.index_cast %rem3A_120 : i32 to index
        %get3A_361 = arith.index_cast %add3A_336 : i32 to index
        %get3A_362 = arith.constant 48 : index
        %get3A_363 = tpu.vector_load %arg18[%get3A_360, %get3A_361, %get3A_362] {strides = array<i32>} : memref<2x256x64xf32, #tpu.memory_space<vmem>>, vector<16xf32>,
        %mul3A_364 = arith.mulf %get3A_211, %get3A_363 : vector<16xf32>
        %sub3A_365 = arith.subf %get3A_199, %mul3A_364 : vector<16xf32>
        %abs3A_366 = math.absf %sub3A_365 : vector<16xf32>
        %add3A_367 = arith.addf %add3A_359, %abs3A_366 : vector<16xf32>
        %swap3A_368 = arith.constant 3 : i32
        %swap3A_369 = arith.index_cast %swap3A_368 : i32 to index
        %swap3A_370 = arith.constant 0 : index
        %swap3A_371 = tpu.vector_load %arg19[%swap3A_369, %swap3A_370] {strides = array<i32>} : memref<16x16xf32, #tpu.memory_space<vmem>>, vector<16xf32>,
        tpu.vector_store %arg19[%swap3A_369, %swap3A_370], %add3A_367 {strides = array<i32>} : memref<16x16xf32, #tpu.memory_space<vmem>>, vector<16xf32>,
        %mul3A_372 = arith.constant 16 : i32
        %mul3A_373 = arith.muli %scan3A_218, %mul3A_372 : i32
        %add3A_374 = arith.constant 4 : i32
        %add3A_375 = arith.addi %mul3A_373, %add3A_374 : i32
        %get3A_376 = arith.index_cast %rem3A_120 : i32 to index
        %get3A_377 = arith.index_cast %add3A_375 : i32 to index
        %get3A_378 = arith.constant 0 : index
        %get3A_379 = tpu.vector_load %arg18[%get3A_376, %get3A_377, %get3A_378] {strides = array<i32>} : memref<2x256x64xf32, #tpu.memory_space<vmem>>, vector<16xf32>,
        %mul3A_380 = arith.mulf %get3A_202, %get3A_379 : vector<16xf32>
        %sub3A_381 = arith.subf %get3A_190, %mul3A_380 : vector<16xf32>
        %abs3A_382 = math.absf %sub3A_381 : vector<16xf32>
        %get3A_383 = arith.index_cast %rem3A_120 : i32 to index
        %get3A_384 = arith.index_cast %add3A_375 : i32 to index
        %get3A_385 = arith.constant 16 : index
        %get3A_386 = tpu.vector_load %arg18[%get3A_383, %get3A_384, %get3A_385] {strides = array<i32>} : memref<2x256x64xf32, #tpu.memory_space<vmem>>, vector<16xf32>,
        %mul3A_387 = arith.mulf %get3A_205, %get3A_386 : vector<16xf32>
        %sub3A_388 = arith.subf %get3A_193, %mul3A_387 : vector<16xf32>
        %abs3A_389 = math.absf %sub3A_388 : vector<16xf32>
        %add3A_390 = arith.addf %abs3A_382, %abs3A_389 : vector<16xf32>
        %get3A_391 = arith.index_cast %rem3A_120 : i32 to index
        %get3A_392 = arith.index_cast %add3A_375 : i32 to index
        %get3A_393 = arith.constant 32 : index
        %get3A_394 = tpu.vector_load %arg18[%get3A_391, %get3A_392, %get3A_393] {strides = array<i32>} : memref<2x256x64xf32, #tpu.memory_space<vmem>>, vector<16xf32>,
        %mul3A_395 = arith.mulf %get3A_208, %get3A_394 : vector<16xf32>
        %sub3A_396 = arith.subf %get3A_196, %mul3A_395 : vector<16xf32>
        %abs3A_397 = math.absf %sub3A_396 : vector<16xf32>
        %add3A_398 = arith.addf %add3A_390, %abs3A_397 : vector<16xf32>
        %get3A_399 = arith.index_cast %rem3A_120 : i32 to index
        %get3A_400 = arith.index_cast %add3A_375 : i32 to index
        %get3A_401 = arith.constant 48 : index
        %get3A_402 = tpu.vector_load %arg18[%get3A_399, %get3A_400, %get3A_401] {strides = array<i32>} : memref<2x256x64xf32, #tpu.memory_space<vmem>>, vector<16xf32>,
        %mul3A_403 = arith.mulf %get3A_211, %get3A_402 : vector<16xf32>
        %sub3A_404 = arith.subf %get3A_199, %mul3A_403 : vector<16xf32>
        %abs3A_405 = math.absf %sub3A_404 : vector<16xf32>
        %add3A_406 = arith.addf %add3A_398, %abs3A_405 : vector<16xf32>
        %swap3A_407 = arith.constant 4 : i32
        %swap3A_408 = arith.index_cast %swap3A_407 : i32 to index
        %swap3A_409 = arith.constant 0 : index
        %swap3A_410 = tpu.vector_load %arg19[%swap3A_408, %swap3A_409] {strides = array<i32>} : memref<16x16xf32, #tpu.memory_space<vmem>>, vector<16xf32>,
        tpu.vector_store %arg19[%swap3A_408, %swap3A_409], %add3A_406 {strides = array<i32>} : memref<16x16xf32, #tpu.memory_space<vmem>>, vector<16xf32>,
        %mul3A_411 = arith.constant 16 : i32
        %mul3A_412 = arith.muli %scan3A_218, %mul3A_411 : i32
        %add3A_413 = arith.constant 5 : i32
        %add3A_414 = arith.addi %mul3A_412, %add3A_413 : i32
        %get3A_415 = arith.index_cast %rem3A_120 : i32 to index
        %get3A_416 = arith.index_cast %add3A_414 : i32 to index
        %get3A_417 = arith.constant 0 : index
        %get3A_418 = tpu.vector_load %arg18[%get3A_415, %get3A_416, %get3A_417] {strides = array<i32>} : memref<2x256x64xf32, #tpu.memory_space<vmem>>, vector<16xf32>,
        %mul3A_419 = arith.mulf %get3A_202, %get3A_418 : vector<16xf32>
        %sub3A_420 = arith.subf %get3A_190, %mul3A_419 : vector<16xf32>
        %abs3A_421 = math.absf %sub3A_420 : vector<16xf32>
        %get3A_422 = arith.index_cast %rem3A_120 : i32 to index
        %get3A_423 = arith.index_cast %add3A_414 : i32 to index
        %get3A_424 = arith.constant 16 : index
        %get3A_425 = tpu.vector_load %arg18[%get3A_422, %get3A_423, %get3A_424] {strides = array<i32>} : memref<2x256x64xf32, #tpu.memory_space<vmem>>, vector<16xf32>,
        %mul3A_426 = arith.mulf %get3A_205, %get3A_425 : vector<16xf32>
        %sub3A_427 = arith.subf %get3A_193, %mul3A_426 : vector<16xf32>
        %abs3A_428 = math.absf %sub3A_427 : vector<16xf32>
        %add3A_429 = arith.addf %abs3A_421, %abs3A_428 : vector<16xf32>
        %get3A_430 = arith.index_cast %rem3A_120 : i32 to index
        %get3A_431 = arith.index_cast %add3A_414 : i32 to index
        %get3A_432 = arith.constant 32 : index
        %get3A_433 = tpu.vector_load %arg18[%get3A_430, %get3A_431, %get3A_432] {strides = array<i32>} : memref<2x256x64xf32, #tpu.memory_space<vmem>>, vector<16xf32>,
        %mul3A_434 = arith.mulf %get3A_208, %get3A_433 : vector<16xf32>
        %sub3A_435 = arith.subf %get3A_196, %mul3A_434 : vector<16xf32>
        %abs3A_436 = math.absf %sub3A_435 : vector<16xf32>
        %add3A_437 = arith.addf %add3A_429, %abs3A_436 : vector<16xf32>
        %get3A_438 = arith.index_cast %rem3A_120 : i32 to index
        %get3A_439 = arith.index_cast %add3A_414 : i32 to index
        %get3A_440 = arith.constant 48 : index
        %get3A_441 = tpu.vector_load %arg18[%get3A_438, %get3A_439, %get3A_440] {strides = array<i32>} : memref<2x256x64xf32, #tpu.memory_space<vmem>>, vector<16xf32>,
        %mul3A_442 = arith.mulf %get3A_211, %get3A_441 : vector<16xf32>
        %sub3A_443 = arith.subf %get3A_199, %mul3A_442 : vector<16xf32>
        %abs3A_444 = math.absf %sub3A_443 : vector<16xf32>
        %add3A_445 = arith.addf %add3A_437, %abs3A_444 : vector<16xf32>
        %swap3A_446 = arith.constant 5 : i32
        %swap3A_447 = arith.index_cast %swap3A_446 : i32 to index
        %swap3A_448 = arith.constant 0 : index
        %swap3A_449 = tpu.vector_load %arg19[%swap3A_447, %swap3A_448] {strides = array<i32>} : memref<16x16xf32, #tpu.memory_space<vmem>>, vector<16xf32>,
        tpu.vector_store %arg19[%swap3A_447, %swap3A_448], %add3A_445 {strides = array<i32>} : memref<16x16xf32, #tpu.memory_space<vmem>>, vector<16xf32>,
        %mul3A_450 = arith.constant 16 : i32
        %mul3A_451 = arith.muli %scan3A_218, %mul3A_450 : i32
        %add3A_452 = arith.constant 6 : i32
        %add3A_453 = arith.addi %mul3A_451, %add3A_452 : i32
        %get3A_454 = arith.index_cast %rem3A_120 : i32 to index
        %get3A_455 = arith.index_cast %add3A_453 : i32 to index
        %get3A_456 = arith.constant 0 : index
        %get3A_457 = tpu.vector_load %arg18[%get3A_454, %get3A_455, %get3A_456] {strides = array<i32>} : memref<2x256x64xf32, #tpu.memory_space<vmem>>, vector<16xf32>,
        %mul3A_458 = arith.mulf %get3A_202, %get3A_457 : vector<16xf32>
        %sub3A_459 = arith.subf %get3A_190, %mul3A_458 : vector<16xf32>
        %abs3A_460 = math.absf %sub3A_459 : vector<16xf32>
        %get3A_461 = arith.index_cast %rem3A_120 : i32 to index
        %get3A_462 = arith.index_cast %add3A_453 : i32 to index
        %get3A_463 = arith.constant 16 : index
        %get3A_464 = tpu.vector_load %arg18[%get3A_461, %get3A_462, %get3A_463] {strides = array<i32>} : memref<2x256x64xf32, #tpu.memory_space<vmem>>, vector<16xf32>,
        %mul3A_465 = arith.mulf %get3A_205, %get3A_464 : vector<16xf32>
        %sub3A_466 = arith.subf %get3A_193, %mul3A_465 : vector<16xf32>
        %abs3A_467 = math.absf %sub3A_466 : vector<16xf32>
        %add3A_468 = arith.addf %abs3A_460, %abs3A_467 : vector<16xf32>
        %get3A_469 = arith.index_cast %rem3A_120 : i32 to index
        %get3A_470 = arith.index_cast %add3A_453 : i32 to index
        %get3A_471 = arith.constant 32 : index
        %get3A_472 = tpu.vector_load %arg18[%get3A_469, %get3A_470, %get3A_471] {strides = array<i32>} : memref<2x256x64xf32, #tpu.memory_space<vmem>>, vector<16xf32>,
        %mul3A_473 = arith.mulf %get3A_208, %get3A_472 : vector<16xf32>
        %sub3A_474 = arith.subf %get3A_196, %mul3A_473 : vector<16xf32>
        %abs3A_475 = math.absf %sub3A_474 : vector<16xf32>
        %add3A_476 = arith.addf %add3A_468, %abs3A_475 : vector<16xf32>
        %get3A_477 = arith.index_cast %rem3A_120 : i32 to index
        %get3A_478 = arith.index_cast %add3A_453 : i32 to index
        %get3A_479 = arith.constant 48 : index
        %get3A_480 = tpu.vector_load %arg18[%get3A_477, %get3A_478, %get3A_479] {strides = array<i32>} : memref<2x256x64xf32, #tpu.memory_space<vmem>>, vector<16xf32>,
        %mul3A_481 = arith.mulf %get3A_211, %get3A_480 : vector<16xf32>
        %sub3A_482 = arith.subf %get3A_199, %mul3A_481 : vector<16xf32>
        %abs3A_483 = math.absf %sub3A_482 : vector<16xf32>
        %add3A_484 = arith.addf %add3A_476, %abs3A_483 : vector<16xf32>
        %swap3A_485 = arith.constant 6 : i32
        %swap3A_486 = arith.index_cast %swap3A_485 : i32 to index
        %swap3A_487 = arith.constant 0 : index
        %swap3A_488 = tpu.vector_load %arg19[%swap3A_486, %swap3A_487] {strides = array<i32>} : memref<16x16xf32, #tpu.memory_space<vmem>>, vector<16xf32>,
        tpu.vector_store %arg19[%swap3A_486, %swap3A_487], %add3A_484 {strides = array<i32>} : memref<16x16xf32, #tpu.memory_space<vmem>>, vector<16xf32>,
        %mul3A_489 = arith.constant 16 : i32
        %mul3A_490 = arith.muli %scan3A_218, %mul3A_489 : i32
        %add3A_491 = arith.constant 7 : i32
        %add3A_492 = arith.addi %mul3A_490, %add3A_491 : i32
        %get3A_493 = arith.index_cast %rem3A_120 : i32 to index
        %get3A_494 = arith.index_cast %add3A_492 : i32 to index
        %get3A_495 = arith.constant 0 : index
        %get3A_496 = tpu.vector_load %arg18[%get3A_493, %get3A_494, %get3A_495] {strides = array<i32>} : memref<2x256x64xf32, #tpu.memory_space<vmem>>, vector<16xf32>,
        %mul3A_497 = arith.mulf %get3A_202, %get3A_496 : vector<16xf32>
        %sub3A_498 = arith.subf %get3A_190, %mul3A_497 : vector<16xf32>
        %abs3A_499 = math.absf %sub3A_498 : vector<16xf32>
        %get3A_500 = arith.index_cast %rem3A_120 : i32 to index
        %get3A_501 = arith.index_cast %add3A_492 : i32 to index
        %get3A_502 = arith.constant 16 : index
        %get3A_503 = tpu.vector_load %arg18[%get3A_500, %get3A_501, %get3A_502] {strides = array<i32>} : memref<2x256x64xf32, #tpu.memory_space<vmem>>, vector<16xf32>,
        %mul3A_504 = arith.mulf %get3A_205, %get3A_503 : vector<16xf32>
        %sub3A_505 = arith.subf %get3A_193, %mul3A_504 : vector<16xf32>
        %abs3A_506 = math.absf %sub3A_505 : vector<16xf32>
        %add3A_507 = arith.addf %abs3A_499, %abs3A_506 : vector<16xf32>
        %get3A_508 = arith.index_cast %rem3A_120 : i32 to index
        %get3A_509 = arith.index_cast %add3A_492 : i32 to index
        %get3A_510 = arith.constant 32 : index
        %get3A_511 = tpu.vector_load %arg18[%get3A_508, %get3A_509, %get3A_510] {strides = array<i32>} : memref<2x256x64xf32, #tpu.memory_space<vmem>>, vector<16xf32>,
        %mul3A_512 = arith.mulf %get3A_208, %get3A_511 : vector<16xf32>
        %sub3A_513 = arith.subf %get3A_196, %mul3A_512 : vector<16xf32>
        %abs3A_514 = math.absf %sub3A_513 : vector<16xf32>
        %add3A_515 = arith.addf %add3A_507, %abs3A_514 : vector<16xf32>
        %get3A_516 = arith.index_cast %rem3A_120 : i32 to index
        %get3A_517 = arith.index_cast %add3A_492 : i32 to index
        %get3A_518 = arith.constant 48 : index
        %get3A_519 = tpu.vector_load %arg18[%get3A_516, %get3A_517, %get3A_518] {strides = array<i32>} : memref<2x256x64xf32, #tpu.memory_space<vmem>>, vector<16xf32>,
        %mul3A_520 = arith.mulf %get3A_211, %get3A_519 : vector<16xf32>
        %sub3A_521 = arith.subf %get3A_199, %mul3A_520 : vector<16xf32>
        %abs3A_522 = math.absf %sub3A_521 : vector<16xf32>
        %add3A_523 = arith.addf %add3A_515, %abs3A_522 : vector<16xf32>
        %swap3A_524 = arith.constant 7 : i32
        %swap3A_525 = arith.index_cast %swap3A_524 : i32 to index
        %swap3A_526 = arith.constant 0 : index
        %swap3A_527 = tpu.vector_load %arg19[%swap3A_525, %swap3A_526] {strides = array<i32>} : memref<16x16xf32, #tpu.memory_space<vmem>>, vector<16xf32>,
        tpu.vector_store %arg19[%swap3A_525, %swap3A_526], %add3A_523 {strides = array<i32>} : memref<16x16xf32, #tpu.memory_space<vmem>>, vector<16xf32>,
        %mul3A_528 = arith.constant 16 : i32
        %mul3A_529 = arith.muli %scan3A_218, %mul3A_528 : i32
        %add3A_530 = arith.constant 8 : i32
        %add3A_531 = arith.addi %mul3A_529, %add3A_530 : i32
        %get3A_532 = arith.index_cast %rem3A_120 : i32 to index
        %get3A_533 = arith.index_cast %add3A_531 : i32 to index
        %get3A_534 = arith.constant 0 : index
        %get3A_535 = tpu.vector_load %arg18[%get3A_532, %get3A_533, %get3A_534] {strides = array<i32>} : memref<2x256x64xf32, #tpu.memory_space<vmem>>, vector<16xf32>,
        %mul3A_536 = arith.mulf %get3A_202, %get3A_535 : vector<16xf32>
        %sub3A_537 = arith.subf %get3A_190, %mul3A_536 : vector<16xf32>
        %abs3A_538 = math.absf %sub3A_537 : vector<16xf32>
        %get3A_539 = arith.index_cast %rem3A_120 : i32 to index
        %get3A_540 = arith.index_cast %add3A_531 : i32 to index
        %get3A_541 = arith.constant 16 : index
        %get3A_542 = tpu.vector_load %arg18[%get3A_539, %get3A_540, %get3A_541] {strides = array<i32>} : memref<2x256x64xf32, #tpu.memory_space<vmem>>, vector<16xf32>,
        %mul3A_543 = arith.mulf %get3A_205, %get3A_542 : vector<16xf32>
        %sub3A_544 = arith.subf %get3A_193, %mul3A_543 : vector<16xf32>
        %abs3A_545 = math.absf %sub3A_544 : vector<16xf32>
        %add3A_546 = arith.addf %abs3A_538, %abs3A_545 : vector<16xf32>
        %get3A_547 = arith.index_cast %rem3A_120 : i32 to index
        %get3A_548 = arith.index_cast %add3A_531 : i32 to index
        %get3A_549 = arith.constant 32 : index
        %get3A_550 = tpu.vector_load %arg18[%get3A_547, %get3A_548, %get3A_549] {strides = array<i32>} : memref<2x256x64xf32, #tpu.memory_space<vmem>>, vector<16xf32>,
        %mul3A_551 = arith.mulf %get3A_208, %get3A_550 : vector<16xf32>
        %sub3A_552 = arith.subf %get3A_196, %mul3A_551 : vector<16xf32>
        %abs3A_553 = math.absf %sub3A_552 : vector<16xf32>
        %add3A_554 = arith.addf %add3A_546, %abs3A_553 : vector<16xf32>
        %get3A_555 = arith.index_cast %rem3A_120 : i32 to index
        %get3A_556 = arith.index_cast %add3A_531 : i32 to index
        %get3A_557 = arith.constant 48 : index
        %get3A_558 = tpu.vector_load %arg18[%get3A_555, %get3A_556, %get3A_557] {strides = array<i32>} : memref<2x256x64xf32, #tpu.memory_space<vmem>>, vector<16xf32>,
        %mul3A_559 = arith.mulf %get3A_211, %get3A_558 : vector<16xf32>
        %sub3A_560 = arith.subf %get3A_199, %mul3A_559 : vector<16xf32>
        %abs3A_561 = math.absf %sub3A_560 : vector<16xf32>
        %add3A_562 = arith.addf %add3A_554, %abs3A_561 : vector<16xf32>
        %swap3A_563 = arith.constant 8 : i32
        %swap3A_564 = arith.index_cast %swap3A_563 : i32 to index
        %swap3A_565 = arith.constant 0 : index
        %swap3A_566 = tpu.vector_load %arg19[%swap3A_564, %swap3A_565] {strides = array<i32>} : memref<16x16xf32, #tpu.memory_space<vmem>>, vector<16xf32>,
        tpu.vector_store %arg19[%swap3A_564, %swap3A_565], %add3A_562 {strides = array<i32>} : memref<16x16xf32, #tpu.memory_space<vmem>>, vector<16xf32>,
        %mul3A_567 = arith.constant 16 : i32
        %mul3A_568 = arith.muli %scan3A_218, %mul3A_567 : i32
        %add3A_569 = arith.constant 9 : i32
        %add3A_570 = arith.addi %mul3A_568, %add3A_569 : i32
        %get3A_571 = arith.index_cast %rem3A_120 : i32 to index
        %get3A_572 = arith.index_cast %add3A_570 : i32 to index
        %get3A_573 = arith.constant 0 : index
        %get3A_574 = tpu.vector_load %arg18[%get3A_571, %get3A_572, %get3A_573] {strides = array<i32>} : memref<2x256x64xf32, #tpu.memory_space<vmem>>, vector<16xf32>,
        %mul3A_575 = arith.mulf %get3A_202, %get3A_574 : vector<16xf32>
        %sub3A_576 = arith.subf %get3A_190, %mul3A_575 : vector<16xf32>
        %abs3A_577 = math.absf %sub3A_576 : vector<16xf32>
        %get3A_578 = arith.index_cast %rem3A_120 : i32 to index
        %get3A_579 = arith.index_cast %add3A_570 : i32 to index
        %get3A_580 = arith.constant 16 : index
        %get3A_581 = tpu.vector_load %arg18[%get3A_578, %get3A_579, %get3A_580] {strides = array<i32>} : memref<2x256x64xf32, #tpu.memory_space<vmem>>, vector<16xf32>,
        %mul3A_582 = arith.mulf %get3A_205, %get3A_581 : vector<16xf32>
        %sub3A_583 = arith.subf %get3A_193, %mul3A_582 : vector<16xf32>
        %abs3A_584 = math.absf %sub3A_583 : vector<16xf32>
        %add3A_585 = arith.addf %abs3A_577, %abs3A_584 : vector<16xf32>
        %get3A_586 = arith.index_cast %rem3A_120 : i32 to index
        %get3A_587 = arith.index_cast %add3A_570 : i32 to index
        %get3A_588 = arith.constant 32 : index
        %get3A_589 = tpu.vector_load %arg18[%get3A_586, %get3A_587, %get3A_588] {strides = array<i32>} : memref<2x256x64xf32, #tpu.memory_space<vmem>>, vector<16xf32>,
        %mul3A_590 = arith.mulf %get3A_208, %get3A_589 : vector<16xf32>
        %sub3A_591 = arith.subf %get3A_196, %mul3A_590 : vector<16xf32>
        %abs3A_592 = math.absf %sub3A_591 : vector<16xf32>
        %add3A_593 = arith.addf %add3A_585, %abs3A_592 : vector<16xf32>
        %get3A_594 = arith.index_cast %rem3A_120 : i32 to index
        %get3A_595 = arith.index_cast %add3A_570 : i32 to index
        %get3A_596 = arith.constant 48 : index
        %get3A_597 = tpu.vector_load %arg18[%get3A_594, %get3A_595, %get3A_596] {strides = array<i32>} : memref<2x256x64xf32, #tpu.memory_space<vmem>>, vector<16xf32>,
        %mul3A_598 = arith.mulf %get3A_211, %get3A_597 : vector<16xf32>
        %sub3A_599 = arith.subf %get3A_199, %mul3A_598 : vector<16xf32>
        %abs3A_600 = math.absf %sub3A_599 : vector<16xf32>
        %add3A_601 = arith.addf %add3A_593, %abs3A_600 : vector<16xf32>
        %swap3A_602 = arith.constant 9 : i32
        %swap3A_603 = arith.index_cast %swap3A_602 : i32 to index
        %swap3A_604 = arith.constant 0 : index
        %swap3A_605 = tpu.vector_load %arg19[%swap3A_603, %swap3A_604] {strides = array<i32>} : memref<16x16xf32, #tpu.memory_space<vmem>>, vector<16xf32>,
        tpu.vector_store %arg19[%swap3A_603, %swap3A_604], %add3A_601 {strides = array<i32>} : memref<16x16xf32, #tpu.memory_space<vmem>>, vector<16xf32>,
        %mul3A_606 = arith.constant 16 : i32
        %mul3A_607 = arith.muli %scan3A_218, %mul3A_606 : i32
        %add3A_608 = arith.constant 10 : i32
        %add3A_609 = arith.addi %mul3A_607, %add3A_608 : i32
        %get3A_610 = arith.index_cast %rem3A_120 : i32 to index
        %get3A_611 = arith.index_cast %add3A_609 : i32 to index
        %get3A_612 = arith.constant 0 : index
        %get3A_613 = tpu.vector_load %arg18[%get3A_610, %get3A_611, %get3A_612] {strides = array<i32>} : memref<2x256x64xf32, #tpu.memory_space<vmem>>, vector<16xf32>,
        %mul3A_614 = arith.mulf %get3A_202, %get3A_613 : vector<16xf32>
        %sub3A_615 = arith.subf %get3A_190, %mul3A_614 : vector<16xf32>
        %abs3A_616 = math.absf %sub3A_615 : vector<16xf32>
        %get3A_617 = arith.index_cast %rem3A_120 : i32 to index
        %get3A_618 = arith.index_cast %add3A_609 : i32 to index
        %get3A_619 = arith.constant 16 : index
        %get3A_620 = tpu.vector_load %arg18[%get3A_617, %get3A_618, %get3A_619] {strides = array<i32>} : memref<2x256x64xf32, #tpu.memory_space<vmem>>, vector<16xf32>,
        %mul3A_621 = arith.mulf %get3A_205, %get3A_620 : vector<16xf32>
        %sub3A_622 = arith.subf %get3A_193, %mul3A_621 : vector<16xf32>
        %abs3A_623 = math.absf %sub3A_622 : vector<16xf32>
        %add3A_624 = arith.addf %abs3A_616, %abs3A_623 : vector<16xf32>
        %get3A_625 = arith.index_cast %rem3A_120 : i32 to index
        %get3A_626 = arith.index_cast %add3A_609 : i32 to index
        %get3A_627 = arith.constant 32 : index
        %get3A_628 = tpu.vector_load %arg18[%get3A_625, %get3A_626, %get3A_627] {strides = array<i32>} : memref<2x256x64xf32, #tpu.memory_space<vmem>>, vector<16xf32>,
        %mul3A_629 = arith.mulf %get3A_208, %get3A_628 : vector<16xf32>
        %sub3A_630 = arith.subf %get3A_196, %mul3A_629 : vector<16xf32>
        %abs3A_631 = math.absf %sub3A_630 : vector<16xf32>
        %add3A_632 = arith.addf %add3A_624, %abs3A_631 : vector<16xf32>
        %get3A_633 = arith.index_cast %rem3A_120 : i32 to index
        %get3A_634 = arith.index_cast %add3A_609 : i32 to index
        %get3A_635 = arith.constant 48 : index
        %get3A_636 = tpu.vector_load %arg18[%get3A_633, %get3A_634, %get3A_635] {strides = array<i32>} : memref<2x256x64xf32, #tpu.memory_space<vmem>>, vector<16xf32>,
        %mul3A_637 = arith.mulf %get3A_211, %get3A_636 : vector<16xf32>
        %sub3A_638 = arith.subf %get3A_199, %mul3A_637 : vector<16xf32>
        %abs3A_639 = math.absf %sub3A_638 : vector<16xf32>
        %add3A_640 = arith.addf %add3A_632, %abs3A_639 : vector<16xf32>
        %swap3A_641 = arith.constant 10 : i32
        %swap3A_642 = arith.index_cast %swap3A_641 : i32 to index
        %swap3A_643 = arith.constant 0 : index
        %swap3A_644 = tpu.vector_load %arg19[%swap3A_642, %swap3A_643] {strides = array<i32>} : memref<16x16xf32, #tpu.memory_space<vmem>>, vector<16xf32>,
        tpu.vector_store %arg19[%swap3A_642, %swap3A_643], %add3A_640 {strides = array<i32>} : memref<16x16xf32, #tpu.memory_space<vmem>>, vector<16xf32>,
        %mul3A_645 = arith.constant 16 : i32
        %mul3A_646 = arith.muli %scan3A_218, %mul3A_645 : i32
        %add3A_647 = arith.constant 11 : i32
        %add3A_648 = arith.addi %mul3A_646, %add3A_647 : i32
        %get3A_649 = arith.index_cast %rem3A_120 : i32 to index
        %get3A_650 = arith.index_cast %add3A_648 : i32 to index
        %get3A_651 = arith.constant 0 : index
        %get3A_652 = tpu.vector_load %arg18[%get3A_649, %get3A_650, %get3A_651] {strides = array<i32>} : memref<2x256x64xf32, #tpu.memory_space<vmem>>, vector<16xf32>,
        %mul3A_653 = arith.mulf %get3A_202, %get3A_652 : vector<16xf32>
        %sub3A_654 = arith.subf %get3A_190, %mul3A_653 : vector<16xf32>
        %abs3A_655 = math.absf %sub3A_654 : vector<16xf32>
        %get3A_656 = arith.index_cast %rem3A_120 : i32 to index
        %get3A_657 = arith.index_cast %add3A_648 : i32 to index
        %get3A_658 = arith.constant 16 : index
        %get3A_659 = tpu.vector_load %arg18[%get3A_656, %get3A_657, %get3A_658] {strides = array<i32>} : memref<2x256x64xf32, #tpu.memory_space<vmem>>, vector<16xf32>,
        %mul3A_660 = arith.mulf %get3A_205, %get3A_659 : vector<16xf32>
        %sub3A_661 = arith.subf %get3A_193, %mul3A_660 : vector<16xf32>
        %abs3A_662 = math.absf %sub3A_661 : vector<16xf32>
        %add3A_663 = arith.addf %abs3A_655, %abs3A_662 : vector<16xf32>
        %get3A_664 = arith.index_cast %rem3A_120 : i32 to index
        %get3A_665 = arith.index_cast %add3A_648 : i32 to index
        %get3A_666 = arith.constant 32 : index
        %get3A_667 = tpu.vector_load %arg18[%get3A_664, %get3A_665, %get3A_666] {strides = array<i32>} : memref<2x256x64xf32, #tpu.memory_space<vmem>>, vector<16xf32>,
        %mul3A_668 = arith.mulf %get3A_208, %get3A_667 : vector<16xf32>
        %sub3A_669 = arith.subf %get3A_196, %mul3A_668 : vector<16xf32>
        %abs3A_670 = math.absf %sub3A_669 : vector<16xf32>
        %add3A_671 = arith.addf %add3A_663, %abs3A_670 : vector<16xf32>
        %get3A_672 = arith.index_cast %rem3A_120 : i32 to index
        %get3A_673 = arith.index_cast %add3A_648 : i32 to index
        %get3A_674 = arith.constant 48 : index
        %get3A_675 = tpu.vector_load %arg18[%get3A_672, %get3A_673, %get3A_674] {strides = array<i32>} : memref<2x256x64xf32, #tpu.memory_space<vmem>>, vector<16xf32>,
        %mul3A_676 = arith.mulf %get3A_211, %get3A_675 : vector<16xf32>
        %sub3A_677 = arith.subf %get3A_199, %mul3A_676 : vector<16xf32>
        %abs3A_678 = math.absf %sub3A_677 : vector<16xf32>
        %add3A_679 = arith.addf %add3A_671, %abs3A_678 : vector<16xf32>
        %swap3A_680 = arith.constant 11 : i32
        %swap3A_681 = arith.index_cast %swap3A_680 : i32 to index
        %swap3A_682 = arith.constant 0 : index
        %swap3A_683 = tpu.vector_load %arg19[%swap3A_681, %swap3A_682] {strides = array<i32>} : memref<16x16xf32, #tpu.memory_space<vmem>>, vector<16xf32>,
        tpu.vector_store %arg19[%swap3A_681, %swap3A_682], %add3A_679 {strides = array<i32>} : memref<16x16xf32, #tpu.memory_space<vmem>>, vector<16xf32>,
        %mul3A_684 = arith.constant 16 : i32
        %mul3A_685 = arith.muli %scan3A_218, %mul3A_684 : i32
        %add3A_686 = arith.constant 12 : i32
        %add3A_687 = arith.addi %mul3A_685, %add3A_686 : i32
        %get3A_688 = arith.index_cast %rem3A_120 : i32 to index
        %get3A_689 = arith.index_cast %add3A_687 : i32 to index
        %get3A_690 = arith.constant 0 : index
        %get3A_691 = tpu.vector_load %arg18[%get3A_688, %get3A_689, %get3A_690] {strides = array<i32>} : memref<2x256x64xf32, #tpu.memory_space<vmem>>, vector<16xf32>,
        %mul3A_692 = arith.mulf %get3A_202, %get3A_691 : vector<16xf32>
        %sub3A_693 = arith.subf %get3A_190, %mul3A_692 : vector<16xf32>
        %abs3A_694 = math.absf %sub3A_693 : vector<16xf32>
        %get3A_695 = arith.index_cast %rem3A_120 : i32 to index
        %get3A_696 = arith.index_cast %add3A_687 : i32 to index
        %get3A_697 = arith.constant 16 : index
        %get3A_698 = tpu.vector_load %arg18[%get3A_695, %get3A_696, %get3A_697] {strides = array<i32>} : memref<2x256x64xf32, #tpu.memory_space<vmem>>, vector<16xf32>,
        %mul3A_699 = arith.mulf %get3A_205, %get3A_698 : vector<16xf32>
        %sub3A_700 = arith.subf %get3A_193, %mul3A_699 : vector<16xf32>
        %abs3A_701 = math.absf %sub3A_700 : vector<16xf32>
        %add3A_702 = arith.addf %abs3A_694, %abs3A_701 : vector<16xf32>
        %get3A_703 = arith.index_cast %rem3A_120 : i32 to index
        %get3A_704 = arith.index_cast %add3A_687 : i32 to index
        %get3A_705 = arith.constant 32 : index
        %get3A_706 = tpu.vector_load %arg18[%get3A_703, %get3A_704, %get3A_705] {strides = array<i32>} : memref<2x256x64xf32, #tpu.memory_space<vmem>>, vector<16xf32>,
        %mul3A_707 = arith.mulf %get3A_208, %get3A_706 : vector<16xf32>
        %sub3A_708 = arith.subf %get3A_196, %mul3A_707 : vector<16xf32>
        %abs3A_709 = math.absf %sub3A_708 : vector<16xf32>
        %add3A_710 = arith.addf %add3A_702, %abs3A_709 : vector<16xf32>
        %get3A_711 = arith.index_cast %rem3A_120 : i32 to index
        %get3A_712 = arith.index_cast %add3A_687 : i32 to index
        %get3A_713 = arith.constant 48 : index
        %get3A_714 = tpu.vector_load %arg18[%get3A_711, %get3A_712, %get3A_713] {strides = array<i32>} : memref<2x256x64xf32, #tpu.memory_space<vmem>>, vector<16xf32>,
        %mul3A_715 = arith.mulf %get3A_211, %get3A_714 : vector<16xf32>
        %sub3A_716 = arith.subf %get3A_199, %mul3A_715 : vector<16xf32>
        %abs3A_717 = math.absf %sub3A_716 : vector<16xf32>
        %add3A_718 = arith.addf %add3A_710, %abs3A_717 : vector<16xf32>
        %swap3A_719 = arith.constant 12 : i32
        %swap3A_720 = arith.index_cast %swap3A_719 : i32 to index
        %swap3A_721 = arith.constant 0 : index
        %swap3A_722 = tpu.vector_load %arg19[%swap3A_720, %swap3A_721] {strides = array<i32>} : memref<16x16xf32, #tpu.memory_space<vmem>>, vector<16xf32>,
        tpu.vector_store %arg19[%swap3A_720, %swap3A_721], %add3A_718 {strides = array<i32>} : memref<16x16xf32, #tpu.memory_space<vmem>>, vector<16xf32>,
        %mul3A_723 = arith.constant 16 : i32
        %mul3A_724 = arith.muli %scan3A_218, %mul3A_723 : i32
        %add3A_725 = arith.constant 13 : i32
        %add3A_726 = arith.addi %mul3A_724, %add3A_725 : i32
        %get3A_727 = arith.index_cast %rem3A_120 : i32 to index
        %get3A_728 = arith.index_cast %add3A_726 : i32 to index
        %get3A_729 = arith.constant 0 : index
        %get3A_730 = tpu.vector_load %arg18[%get3A_727, %get3A_728, %get3A_729] {strides = array<i32>} : memref<2x256x64xf32, #tpu.memory_space<vmem>>, vector<16xf32>,
        %mul3A_731 = arith.mulf %get3A_202, %get3A_730 : vector<16xf32>
        %sub3A_732 = arith.subf %get3A_190, %mul3A_731 : vector<16xf32>
        %abs3A_733 = math.absf %sub3A_732 : vector<16xf32>
        %get3A_734 = arith.index_cast %rem3A_120 : i32 to index
        %get3A_735 = arith.index_cast %add3A_726 : i32 to index
        %get3A_736 = arith.constant 16 : index
        %get3A_737 = tpu.vector_load %arg18[%get3A_734, %get3A_735, %get3A_736] {strides = array<i32>} : memref<2x256x64xf32, #tpu.memory_space<vmem>>, vector<16xf32>,
        %mul3A_738 = arith.mulf %get3A_205, %get3A_737 : vector<16xf32>
        %sub3A_739 = arith.subf %get3A_193, %mul3A_738 : vector<16xf32>
        %abs3A_740 = math.absf %sub3A_739 : vector<16xf32>
        %add3A_741 = arith.addf %abs3A_733, %abs3A_740 : vector<16xf32>
        %get3A_742 = arith.index_cast %rem3A_120 : i32 to index
        %get3A_743 = arith.index_cast %add3A_726 : i32 to index
        %get3A_744 = arith.constant 32 : index
        %get3A_745 = tpu.vector_load %arg18[%get3A_742, %get3A_743, %get3A_744] {strides = array<i32>} : memref<2x256x64xf32, #tpu.memory_space<vmem>>, vector<16xf32>,
        %mul3A_746 = arith.mulf %get3A_208, %get3A_745 : vector<16xf32>
        %sub3A_747 = arith.subf %get3A_196, %mul3A_746 : vector<16xf32>
        %abs3A_748 = math.absf %sub3A_747 : vector<16xf32>
        %add3A_749 = arith.addf %add3A_741, %abs3A_748 : vector<16xf32>
        %get3A_750 = arith.index_cast %rem3A_120 : i32 to index
        %get3A_751 = arith.index_cast %add3A_726 : i32 to index
        %get3A_752 = arith.constant 48 : index
        %get3A_753 = tpu.vector_load %arg18[%get3A_750, %get3A_751, %get3A_752] {strides = array<i32>} : memref<2x256x64xf32, #tpu.memory_space<vmem>>, vector<16xf32>,
        %mul3A_754 = arith.mulf %get3A_211, %get3A_753 : vector<16xf32>
        %sub3A_755 = arith.subf %get3A_199, %mul3A_754 : vector<16xf32>
        %abs3A_756 = math.absf %sub3A_755 : vector<16xf32>
        %add3A_757 = arith.addf %add3A_749, %abs3A_756 : vector<16xf32>
        %swap3A_758 = arith.constant 13 : i32
        %swap3A_759 = arith.index_cast %swap3A_758 : i32 to index
        %swap3A_760 = arith.constant 0 : index
        %swap3A_761 = tpu.vector_load %arg19[%swap3A_759, %swap3A_760] {strides = array<i32>} : memref<16x16xf32, #tpu.memory_space<vmem>>, vector<16xf32>,
        tpu.vector_store %arg19[%swap3A_759, %swap3A_760], %add3A_757 {strides = array<i32>} : memref<16x16xf32, #tpu.memory_space<vmem>>, vector<16xf32>,
        %mul3A_762 = arith.constant 16 : i32
        %mul3A_763 = arith.muli %scan3A_218, %mul3A_762 : i32
        %add3A_764 = arith.constant 14 : i32
        %add3A_765 = arith.addi %mul3A_763, %add3A_764 : i32
        %get3A_766 = arith.index_cast %rem3A_120 : i32 to index
        %get3A_767 = arith.index_cast %add3A_765 : i32 to index
        %get3A_768 = arith.constant 0 : index
        %get3A_769 = tpu.vector_load %arg18[%get3A_766, %get3A_767, %get3A_768] {strides = array<i32>} : memref<2x256x64xf32, #tpu.memory_space<vmem>>, vector<16xf32>,
        %mul3A_770 = arith.mulf %get3A_202, %get3A_769 : vector<16xf32>
        %sub3A_771 = arith.subf %get3A_190, %mul3A_770 : vector<16xf32>
        %abs3A_772 = math.absf %sub3A_771 : vector<16xf32>
        %get3A_773 = arith.index_cast %rem3A_120 : i32 to index
        %get3A_774 = arith.index_cast %add3A_765 : i32 to index
        %get3A_775 = arith.constant 16 : index
        %get3A_776 = tpu.vector_load %arg18[%get3A_773, %get3A_774, %get3A_775] {strides = array<i32>} : memref<2x256x64xf32, #tpu.memory_space<vmem>>, vector<16xf32>,
        %mul3A_777 = arith.mulf %get3A_205, %get3A_776 : vector<16xf32>
        %sub3A_778 = arith.subf %get3A_193, %mul3A_777 : vector<16xf32>
        %abs3A_779 = math.absf %sub3A_778 : vector<16xf32>
        %add3A_780 = arith.addf %abs3A_772, %abs3A_779 : vector<16xf32>
        %get3A_781 = arith.index_cast %rem3A_120 : i32 to index
        %get3A_782 = arith.index_cast %add3A_765 : i32 to index
        %get3A_783 = arith.constant 32 : index
        %get3A_784 = tpu.vector_load %arg18[%get3A_781, %get3A_782, %get3A_783] {strides = array<i32>} : memref<2x256x64xf32, #tpu.memory_space<vmem>>, vector<16xf32>,
        %mul3A_785 = arith.mulf %get3A_208, %get3A_784 : vector<16xf32>
        %sub3A_786 = arith.subf %get3A_196, %mul3A_785 : vector<16xf32>
        %abs3A_787 = math.absf %sub3A_786 : vector<16xf32>
        %add3A_788 = arith.addf %add3A_780, %abs3A_787 : vector<16xf32>
        %get3A_789 = arith.index_cast %rem3A_120 : i32 to index
        %get3A_790 = arith.index_cast %add3A_765 : i32 to index
        %get3A_791 = arith.constant 48 : index
        %get3A_792 = tpu.vector_load %arg18[%get3A_789, %get3A_790, %get3A_791] {strides = array<i32>} : memref<2x256x64xf32, #tpu.memory_space<vmem>>, vector<16xf32>,
        %mul3A_793 = arith.mulf %get3A_211, %get3A_792 : vector<16xf32>
        %sub3A_794 = arith.subf %get3A_199, %mul3A_793 : vector<16xf32>
        %abs3A_795 = math.absf %sub3A_794 : vector<16xf32>
        %add3A_796 = arith.addf %add3A_788, %abs3A_795 : vector<16xf32>
        %swap3A_797 = arith.constant 14 : i32
        %swap3A_798 = arith.index_cast %swap3A_797 : i32 to index
        %swap3A_799 = arith.constant 0 : index
        %swap3A_800 = tpu.vector_load %arg19[%swap3A_798, %swap3A_799] {strides = array<i32>} : memref<16x16xf32, #tpu.memory_space<vmem>>, vector<16xf32>,
        tpu.vector_store %arg19[%swap3A_798, %swap3A_799], %add3A_796 {strides = array<i32>} : memref<16x16xf32, #tpu.memory_space<vmem>>, vector<16xf32>,
        %mul3A_801 = arith.constant 16 : i32
        %mul3A_802 = arith.muli %scan3A_218, %mul3A_801 : i32
        %add3A_803 = arith.constant 15 : i32
        %add3A_804 = arith.addi %mul3A_802, %add3A_803 : i32
        %get3A_805 = arith.index_cast %rem3A_120 : i32 to index
        %get3A_806 = arith.index_cast %add3A_804 : i32 to index
        %get3A_807 = arith.constant 0 : index
        %get3A_808 = tpu.vector_load %arg18[%get3A_805, %get3A_806, %get3A_807] {strides = array<i32>} : memref<2x256x64xf32, #tpu.memory_space<vmem>>, vector<16xf32>,
        %mul3A_809 = arith.mulf %get3A_202, %get3A_808 : vector<16xf32>
        %sub3A_810 = arith.subf %get3A_190, %mul3A_809 : vector<16xf32>
        %abs3A_811 = math.absf %sub3A_810 : vector<16xf32>
        %get3A_812 = arith.index_cast %rem3A_120 : i32 to index
        %get3A_813 = arith.index_cast %add3A_804 : i32 to index
        %get3A_814 = arith.constant 16 : index
        %get3A_815 = tpu.vector_load %arg18[%get3A_812, %get3A_813, %get3A_814] {strides = array<i32>} : memref<2x256x64xf32, #tpu.memory_space<vmem>>, vector<16xf32>,
        %mul3A_816 = arith.mulf %get3A_205, %get3A_815 : vector<16xf32>
        %sub3A_817 = arith.subf %get3A_193, %mul3A_816 : vector<16xf32>
        %abs3A_818 = math.absf %sub3A_817 : vector<16xf32>
        %add3A_819 = arith.addf %abs3A_811, %abs3A_818 : vector<16xf32>
        %get3A_820 = arith.index_cast %rem3A_120 : i32 to index
        %get3A_821 = arith.index_cast %add3A_804 : i32 to index
        %get3A_822 = arith.constant 32 : index
        %get3A_823 = tpu.vector_load %arg18[%get3A_820, %get3A_821, %get3A_822] {strides = array<i32>} : memref<2x256x64xf32, #tpu.memory_space<vmem>>, vector<16xf32>,
        %mul3A_824 = arith.mulf %get3A_208, %get3A_823 : vector<16xf32>
        %sub3A_825 = arith.subf %get3A_196, %mul3A_824 : vector<16xf32>
        %abs3A_826 = math.absf %sub3A_825 : vector<16xf32>
        %add3A_827 = arith.addf %add3A_819, %abs3A_826 : vector<16xf32>
        %get3A_828 = arith.index_cast %rem3A_120 : i32 to index
        %get3A_829 = arith.index_cast %add3A_804 : i32 to index
        %get3A_830 = arith.constant 48 : index
        %get3A_831 = tpu.vector_load %arg18[%get3A_828, %get3A_829, %get3A_830] {strides = array<i32>} : memref<2x256x64xf32, #tpu.memory_space<vmem>>, vector<16xf32>,
        %mul3A_832 = arith.mulf %get3A_211, %get3A_831 : vector<16xf32>
        %sub3A_833 = arith.subf %get3A_199, %mul3A_832 : vector<16xf32>
        %abs3A_834 = math.absf %sub3A_833 : vector<16xf32>
        %add3A_835 = arith.addf %add3A_827, %abs3A_834 : vector<16xf32>
        %swap3A_836 = arith.constant 15 : i32
        %swap3A_837 = arith.index_cast %swap3A_836 : i32 to index
        %swap3A_838 = arith.constant 0 : index
        %swap3A_839 = tpu.vector_load %arg19[%swap3A_837, %swap3A_838] {strides = array<i32>} : memref<16x16xf32, #tpu.memory_space<vmem>>, vector<16xf32>,
        tpu.vector_store %arg19[%swap3A_837, %swap3A_838], %add3A_835 {strides = array<i32>} : memref<16x16xf32, #tpu.memory_space<vmem>>, vector<16xf32>,
        %iota3A = tpu.iota {dimensions = array<i32: 0>} : vector<16xi32>
        %broadcast_in_dim3A = arith.constant 0 : i32
        %broadcast_in_dim3A_840 = vector.broadcast %broadcast_in_dim3A : i32 to vector<16xi32>
        %gather3A = tpu.vector_load_idx %arg19[%iota3A, %broadcast_in_dim3A_840] : memref<16x16xf32, #tpu.memory_space<vmem>>[vector<16xi32>, vector<16xi32>], vector<16xf32>,
        %broadcast_in_dim3A_841 = arith.constant 1 : i32
        %broadcast_in_dim3A_842 = vector.broadcast %broadcast_in_dim3A_841 : i32 to vector<16xi32>
        %gather3A_843 = tpu.vector_load_idx %arg19[%iota3A, %broadcast_in_dim3A_842] : memref<16x16xf32, #tpu.memory_space<vmem>>[vector<16xi32>, vector<16xi32>], vector<16xf32>,
        %add3A_844 = arith.addf %gather3A, %gather3A_843 : vector<16xf32>
        %broadcast_in_dim3A_845 = arith.constant 2 : i32
        %broadcast_in_dim3A_846 = vector.broadcast %broadcast_in_dim3A_845 : i32 to vector<16xi32>
        %gather3A_847 = tpu.vector_load_idx %arg19[%iota3A, %broadcast_in_dim3A_846] : memref<16x16xf32, #tpu.memory_space<vmem>>[vector<16xi32>, vector<16xi32>], vector<16xf32>,
        %add3A_848 = arith.addf %add3A_844, %gather3A_847 : vector<16xf32>
        %broadcast_in_dim3A_849 = arith.constant 3 : i32
        %broadcast_in_dim3A_850 = vector.broadcast %broadcast_in_dim3A_849 : i32 to vector<16xi32>
        %gather3A_851 = tpu.vector_load_idx %arg19[%iota3A, %broadcast_in_dim3A_850] : memref<16x16xf32, #tpu.memory_space<vmem>>[vector<16xi32>, vector<16xi32>], vector<16xf32>,
        %add3A_852 = arith.addf %add3A_848, %gather3A_851 : vector<16xf32>
        %broadcast_in_dim3A_853 = arith.constant 4 : i32
        %broadcast_in_dim3A_854 = vector.broadcast %broadcast_in_dim3A_853 : i32 to vector<16xi32>
        %gather3A_855 = tpu.vector_load_idx %arg19[%iota3A, %broadcast_in_dim3A_854] : memref<16x16xf32, #tpu.memory_space<vmem>>[vector<16xi32>, vector<16xi32>], vector<16xf32>,
        %add3A_856 = arith.addf %add3A_852, %gather3A_855 : vector<16xf32>
        %broadcast_in_dim3A_857 = arith.constant 5 : i32
        %broadcast_in_dim3A_858 = vector.broadcast %broadcast_in_dim3A_857 : i32 to vector<16xi32>
        %gather3A_859 = tpu.vector_load_idx %arg19[%iota3A, %broadcast_in_dim3A_858] : memref<16x16xf32, #tpu.memory_space<vmem>>[vector<16xi32>, vector<16xi32>], vector<16xf32>,
        %add3A_860 = arith.addf %add3A_856, %gather3A_859 : vector<16xf32>
        %broadcast_in_dim3A_861 = arith.constant 6 : i32
        %broadcast_in_dim3A_862 = vector.broadcast %broadcast_in_dim3A_861 : i32 to vector<16xi32>
        %gather3A_863 = tpu.vector_load_idx %arg19[%iota3A, %broadcast_in_dim3A_862] : memref<16x16xf32, #tpu.memory_space<vmem>>[vector<16xi32>, vector<16xi32>], vector<16xf32>,
        %add3A_864 = arith.addf %add3A_860, %gather3A_863 : vector<16xf32>
        %broadcast_in_dim3A_865 = arith.constant 7 : i32
        %broadcast_in_dim3A_866 = vector.broadcast %broadcast_in_dim3A_865 : i32 to vector<16xi32>
        %gather3A_867 = tpu.vector_load_idx %arg19[%iota3A, %broadcast_in_dim3A_866] : memref<16x16xf32, #tpu.memory_space<vmem>>[vector<16xi32>, vector<16xi32>], vector<16xf32>,
        %add3A_868 = arith.addf %add3A_864, %gather3A_867 : vector<16xf32>
        %broadcast_in_dim3A_869 = arith.constant 8 : i32
        %broadcast_in_dim3A_870 = vector.broadcast %broadcast_in_dim3A_869 : i32 to vector<16xi32>
        %gather3A_871 = tpu.vector_load_idx %arg19[%iota3A, %broadcast_in_dim3A_870] : memref<16x16xf32, #tpu.memory_space<vmem>>[vector<16xi32>, vector<16xi32>], vector<16xf32>,
        %add3A_872 = arith.addf %add3A_868, %gather3A_871 : vector<16xf32>
        %broadcast_in_dim3A_873 = arith.constant 9 : i32
        %broadcast_in_dim3A_874 = vector.broadcast %broadcast_in_dim3A_873 : i32 to vector<16xi32>
        %gather3A_875 = tpu.vector_load_idx %arg19[%iota3A, %broadcast_in_dim3A_874] : memref<16x16xf32, #tpu.memory_space<vmem>>[vector<16xi32>, vector<16xi32>], vector<16xf32>,
        %add3A_876 = arith.addf %add3A_872, %gather3A_875 : vector<16xf32>
        %broadcast_in_dim3A_877 = arith.constant 10 : i32
        %broadcast_in_dim3A_878 = vector.broadcast %broadcast_in_dim3A_877 : i32 to vector<16xi32>
        %gather3A_879 = tpu.vector_load_idx %arg19[%iota3A, %broadcast_in_dim3A_878] : memref<16x16xf32, #tpu.memory_space<vmem>>[vector<16xi32>, vector<16xi32>], vector<16xf32>,
        %add3A_880 = arith.addf %add3A_876, %gather3A_879 : vector<16xf32>
        %broadcast_in_dim3A_881 = arith.constant 11 : i32
        %broadcast_in_dim3A_882 = vector.broadcast %broadcast_in_dim3A_881 : i32 to vector<16xi32>
        %gather3A_883 = tpu.vector_load_idx %arg19[%iota3A, %broadcast_in_dim3A_882] : memref<16x16xf32, #tpu.memory_space<vmem>>[vector<16xi32>, vector<16xi32>], vector<16xf32>,
        %add3A_884 = arith.addf %add3A_880, %gather3A_883 : vector<16xf32>
        %broadcast_in_dim3A_885 = arith.constant 12 : i32
        %broadcast_in_dim3A_886 = vector.broadcast %broadcast_in_dim3A_885 : i32 to vector<16xi32>
        %gather3A_887 = tpu.vector_load_idx %arg19[%iota3A, %broadcast_in_dim3A_886] : memref<16x16xf32, #tpu.memory_space<vmem>>[vector<16xi32>, vector<16xi32>], vector<16xf32>,
        %add3A_888 = arith.addf %add3A_884, %gather3A_887 : vector<16xf32>
        %broadcast_in_dim3A_889 = arith.constant 13 : i32
        %broadcast_in_dim3A_890 = vector.broadcast %broadcast_in_dim3A_889 : i32 to vector<16xi32>
        %gather3A_891 = tpu.vector_load_idx %arg19[%iota3A, %broadcast_in_dim3A_890] : memref<16x16xf32, #tpu.memory_space<vmem>>[vector<16xi32>, vector<16xi32>], vector<16xf32>,
        %add3A_892 = arith.addf %add3A_888, %gather3A_891 : vector<16xf32>
        %broadcast_in_dim3A_893 = arith.constant 14 : i32
        %broadcast_in_dim3A_894 = vector.broadcast %broadcast_in_dim3A_893 : i32 to vector<16xi32>
        %gather3A_895 = tpu.vector_load_idx %arg19[%iota3A, %broadcast_in_dim3A_894] : memref<16x16xf32, #tpu.memory_space<vmem>>[vector<16xi32>, vector<16xi32>], vector<16xf32>,
        %add3A_896 = arith.addf %add3A_892, %gather3A_895 : vector<16xf32>
        %broadcast_in_dim3A_897 = arith.constant 15 : i32
        %broadcast_in_dim3A_898 = vector.broadcast %broadcast_in_dim3A_897 : i32 to vector<16xi32>
        %gather3A_899 = tpu.vector_load_idx %arg19[%iota3A, %broadcast_in_dim3A_898] : memref<16x16xf32, #tpu.memory_space<vmem>>[vector<16xi32>, vector<16xi32>], vector<16xf32>,
        %add3A_900 = arith.addf %add3A_896, %gather3A_899 : vector<16xf32>
        %mul3A_901 = arith.constant 16 : i32
        %mul3A_902 = arith.muli %scan3A_218, %mul3A_901 : i32
        %swap3A_903 = arith.index_cast %mul3A_902 : i32 to index
        %swap3A_904 = tpu.vector_load %arg20[%swap3A_903] {strides = array<i32>} : memref<256xf32, #tpu.memory_space<vmem>>, vector<16xf32>,
        tpu.vector_store %arg20[%swap3A_903], %add3A_900 {strides = array<i32>} : memref<256xf32, #tpu.memory_space<vmem>>, vector<16xf32>,
      }
      %scan3A_217 = arith.constant 16 : i32
      "tpu.region"() ({
        %run_scoped3A = tpu.sem_alloc : memref<!tpu.dma_semaphore, #tpu.memory_space<semaphore_mem>>
        %dma_start3A_218 = arith.constant 0 : i32
        %dma_start3A_219 = tpu.memref_slice %arg11[%add3A_119, %dma_start3A_218] : memref<4096x256xf32, #tpu.memory_space<hbm>> -> memref<1x256xf32, #tpu.memory_space<hbm>>
        %dma_start3A_220 = tpu.memref_squeeze %dma_start3A_219 : memref<1x256xf32, #tpu.memory_space<hbm>> -> memref<256xf32, #tpu.memory_space<hbm>>
        %dma_start3A_221 = arith.constant 0 : i32
        %dma_start3A_222 = tpu.memref_slice %arg11[%add3A_119, %dma_start3A_221] : memref<4096x256xf32, #tpu.memory_space<hbm>> -> memref<1x256xf32, #tpu.memory_space<hbm>>
        %dma_start3A_223 = tpu.memref_squeeze %dma_start3A_222 : memref<1x256xf32, #tpu.memory_space<hbm>> -> memref<256xf32, #tpu.memory_space<hbm>>
        tpu.enqueue_dma source(%arg20 : memref<256xf32, #tpu.memory_space<vmem>>) target(%dma_start3A_223 : memref<256xf32, #tpu.memory_space<hbm>>) target_semaphore(%run_scoped3A : memref<!tpu.dma_semaphore, #tpu.memory_space<semaphore_mem>>)
        %dma_wait3A_224 = arith.constant 0 : i32
        %dma_wait3A_225 = tpu.memref_slice %arg11[%add3A_119, %dma_wait3A_224] : memref<4096x256xf32, #tpu.memory_space<hbm>> -> memref<1x256xf32, #tpu.memory_space<hbm>>
        %dma_wait3A_226 = tpu.memref_squeeze %dma_wait3A_225 : memref<1x256xf32, #tpu.memory_space<hbm>> -> memref<256xf32, #tpu.memory_space<hbm>>
        %dma_wait3A_227 = arith.constant 0 : i32
        %dma_wait3A_228 = tpu.memref_slice %arg11[%add3A_119, %dma_wait3A_227] : memref<4096x256xf32, #tpu.memory_space<hbm>> -> memref<1x256xf32, #tpu.memory_space<hbm>>
        %dma_wait3A_229 = tpu.memref_squeeze %dma_wait3A_228 : memref<1x256xf32, #tpu.memory_space<hbm>> -> memref<256xf32, #tpu.memory_space<hbm>>
        tpu.wait_dma2 semaphore(%run_scoped3A : memref<!tpu.dma_semaphore, #tpu.memory_space<semaphore_mem>>) src(%arg20 : memref<256xf32, #tpu.memory_space<vmem>>) dst(%dma_wait3A_229 : memref<256xf32, #tpu.memory_space<hbm>>)
        tpu.yield
      }) : () -> ()
    }
    %scan3A_117 = arith.constant 128 : i32
    return
  }
}

module attributes {stable_mosaic.version = 14 : i64} {
  func.func @_ent_norm_body(%arg0: i32, %arg1: memref<8192x64xf32, #tpu.memory_space<vmem>>, %arg2: memref<8192xf32, #tpu.memory_space<vmem>>) attributes {dimension_semantics = [#tpu.dimension_semantics<arbitrary>], iteration_bounds = array<i64: 123>, scalar_prefetch = 0 : i64, scratch_operands = 0 : i64, tpu.core_type = #tpu.core_type<tc>, window_params = [{transform_indices = @transform_0, window_bounds = array<i64: 8192, 64>}, {transform_indices = @transform_1, window_bounds = array<i64: 8192>}]} {
    %get3A = arith.constant 0 : index
    %get3A_0 = arith.constant 0 : index
    %get3A_1 = vector.load %arg1[%get3A, %get3A_0] : memref<8192x64xf32, #tpu.memory_space<vmem>>, vector<8192x64xf32>
    %mul3A = arith.mulf %get3A_1, %get3A_1 : vector<8192x64xf32>
    %reduce_sum3A = arith.constant dense<0.000000e+00> : vector<8192xf32>
    %reduce_sum3A_2 = vector.multi_reduction <add>, %mul3A, %reduce_sum3A [1] : vector<8192x64xf32> to vector<8192xf32>
    %sqrt3A = math.sqrt %reduce_sum3A_2 : vector<8192xf32>
    %swap3A = arith.constant 0 : index
    %swap3A_3 = vector.load %arg2[%swap3A] : memref<8192xf32, #tpu.memory_space<vmem>>, vector<8192xf32>
    tpu.vector_store %arg2[%swap3A], %sqrt3A {strides = array<i32>} : memref<8192xf32, #tpu.memory_space<vmem>>, vector<8192xf32>,
    return
  }
  func.func @transform_0(%arg0: i32) -> (i32, i32) {
    %c0_i32 = arith.constant 0 : i32
    %c0_i32_0 = arith.constant 0 : i32
    return %arg0, %c0_i32 : i32, i32
  }
  func.func @transform_1(%arg0: i32) -> i32 {
    %c0_i32 = arith.constant 0 : i32
    return %arg0 : i32
  }
}

module attributes {stable_mosaic.version = 14 : i64} {
  func.func @_rel_norm_body(%arg0: memref<1000x64xf32, #tpu.memory_space<vmem>>, %arg1: memref<1000xf32, #tpu.memory_space<vmem>>) attributes {dimension_semantics = [], scalar_prefetch = 0 : i64, scratch_operands = 0 : i64, tpu.core_type = #tpu.core_type<tc>} {
    %get3A = arith.constant 0 : index
    %get3A_0 = arith.constant 0 : index
    %get3A_1 = vector.load %arg0[%get3A, %get3A_0] : memref<1000x64xf32, #tpu.memory_space<vmem>>, vector<1000x64xf32>
    %mul3A = arith.mulf %get3A_1, %get3A_1 : vector<1000x64xf32>
    %reduce_sum3A = arith.constant dense<0.000000e+00> : vector<1000xf32>
    %reduce_sum3A_2 = vector.multi_reduction <add>, %mul3A, %reduce_sum3A [1] : vector<1000x64xf32> to vector<1000xf32>
    %sqrt3A = math.sqrt %reduce_sum3A_2 : vector<1000xf32>
    %swap3A = arith.constant 0 : index
    %swap3A_3 = vector.load %arg1[%swap3A] : memref<1000xf32, #tpu.memory_space<vmem>>, vector<1000xf32>
    tpu.vector_store %arg1[%swap3A], %sqrt3A {strides = array<i32>} : memref<1000xf32, #tpu.memory_space<vmem>>, vector<1000xf32>,
    return
  }
}

module attributes {stable_mosaic.version = 14 : i64} {
  func.func @_score_body(%arg0: memref<4096x1xf32, #tpu.memory_space<vmem>>, %arg1: memref<4096x256xf32, #tpu.memory_space<vmem>>, %arg2: memref<4096x1xf32, #tpu.memory_space<vmem>>, %arg3: memref<4096x1xf32, #tpu.memory_space<vmem>>, %arg4: memref<4096x1xf32, #tpu.memory_space<vmem>>) attributes {dimension_semantics = [], scalar_prefetch = 0 : i64, scratch_operands = 0 : i64, tpu.core_type = #tpu.core_type<tc>} {
    %get3A = arith.constant 0 : index
    %get3A_0 = arith.constant 0 : index
    %get3A_1 = vector.load %arg2[%get3A, %get3A_0] : memref<4096x1xf32, #tpu.memory_space<vmem>>, vector<4096x1xf32>
    %get3A_2 = arith.constant 0 : index
    %get3A_3 = arith.constant 0 : index
    %get3A_4 = vector.load %arg1[%get3A_2, %get3A_3] : memref<4096x256xf32, #tpu.memory_space<vmem>>, vector<4096x256xf32>
    %sub3A = arith.constant 1.200000e+01 : f32
    %sub3A_5 = vector.broadcast %sub3A : f32 to vector<4096x256xf32>
    %sub3A_6 = arith.subf %sub3A_5, %get3A_4 : vector<4096x256xf32>
    %reduce_max3A = arith.constant dense<0xFF800000> : vector<4096xf32>
    %reduce_max3A_7 = vector.multi_reduction <maximumf>, %sub3A_6, %reduce_max3A [1] : vector<4096x256xf32> to vector<4096xf32>
    %broadcast_in_dim3A = vector.shape_cast %reduce_max3A_7 : vector<4096xf32> to vector<4096x1xf32>
    %sub3A_8 = vector.broadcast %broadcast_in_dim3A : vector<4096x1xf32> to vector<4096x256xf32>
    %sub3A_9 = arith.subf %sub3A_6, %sub3A_8 : vector<4096x256xf32>
    %exp3A = math.exp %sub3A_9 : vector<4096x256xf32>
    %reduce_sum3A = arith.constant dense<0.000000e+00> : vector<4096xf32>
    %reduce_sum3A_10 = vector.multi_reduction <add>, %exp3A, %reduce_sum3A [1] : vector<4096x256xf32> to vector<4096xf32>
    %broadcast_in_dim3A_11 = vector.shape_cast %reduce_sum3A_10 : vector<4096xf32> to vector<4096x1xf32>
    %max3A = arith.constant 0.000000e+00 : f32
    %max3A_12 = vector.broadcast %max3A : f32 to vector<4096x256xf32>
    %max3A_13 = arith.maximumf %sub3A_6, %max3A_12 : vector<4096x256xf32>
    %abs3A = math.absf %sub3A_6 : vector<4096x256xf32>
    %neg3A = arith.constant 0.000000e+00 : f32
    %neg3A_14 = vector.broadcast %neg3A : f32 to vector<4096x256xf32>
    %neg3A_15 = arith.subf %neg3A_14, %abs3A : vector<4096x256xf32>
    %exp3A_16 = math.exp %neg3A_15 : vector<4096x256xf32>
    %log1p3A = math.log1p %exp3A_16 : vector<4096x256xf32>
    %add3A = arith.addf %max3A_13, %log1p3A : vector<4096x256xf32>
    %mul3A = arith.mulf %exp3A, %add3A : vector<4096x256xf32>
    %reduce_sum3A_17 = arith.constant dense<0.000000e+00> : vector<4096xf32>
    %reduce_sum3A_18 = vector.multi_reduction <add>, %mul3A, %reduce_sum3A_17 [1] : vector<4096x256xf32> to vector<4096xf32>
    %broadcast_in_dim3A_19 = vector.shape_cast %reduce_sum3A_18 : vector<4096xf32> to vector<4096x1xf32>
    %div3A = arith.divf %broadcast_in_dim3A_19, %broadcast_in_dim3A_11 : vector<4096x1xf32>
    %mul3A_20 = arith.mulf %get3A_1, %div3A : vector<4096x1xf32>
    %swap3A = arith.constant 0 : index
    %swap3A_21 = arith.constant 0 : index
    %swap3A_22 = vector.load %arg4[%swap3A, %swap3A_21] : memref<4096x1xf32, #tpu.memory_space<vmem>>, vector<4096x1xf32>
    tpu.vector_store %arg4[%swap3A, %swap3A_21], %mul3A_20 {strides = array<i32>} : memref<4096x1xf32, #tpu.memory_space<vmem>>, vector<4096x1xf32>,
    %get3A_23 = arith.constant 0 : index
    %get3A_24 = arith.constant 0 : index
    %get3A_25 = vector.load %arg0[%get3A_23, %get3A_24] : memref<4096x1xf32, #tpu.memory_space<vmem>>, vector<4096x1xf32>
    %sub3A_26 = arith.constant 1.200000e+01 : f32
    %sub3A_27 = vector.broadcast %sub3A_26 : f32 to vector<4096x1xf32>
    %sub3A_28 = arith.subf %get3A_25, %sub3A_27 : vector<4096x1xf32>
    %max3A_29 = arith.constant 0.000000e+00 : f32
    %max3A_30 = vector.broadcast %max3A_29 : f32 to vector<4096x1xf32>
    %max3A_31 = arith.maximumf %sub3A_28, %max3A_30 : vector<4096x1xf32>
    %abs3A_32 = math.absf %sub3A_28 : vector<4096x1xf32>
    %neg3A_33 = arith.constant 0.000000e+00 : f32
    %neg3A_34 = vector.broadcast %neg3A_33 : f32 to vector<4096x1xf32>
    %neg3A_35 = arith.subf %neg3A_34, %abs3A_32 : vector<4096x1xf32>
    %exp3A_36 = math.exp %neg3A_35 : vector<4096x1xf32>
    %log1p3A_37 = math.log1p %exp3A_36 : vector<4096x1xf32>
    %add3A_38 = arith.addf %max3A_31, %log1p3A_37 : vector<4096x1xf32>
    %mul3A_39 = arith.mulf %get3A_1, %add3A_38 : vector<4096x1xf32>
    %swap3A_40 = arith.constant 0 : index
    %swap3A_41 = arith.constant 0 : index
    %swap3A_42 = vector.load %arg3[%swap3A_40, %swap3A_41] : memref<4096x1xf32, #tpu.memory_space<vmem>>, vector<4096x1xf32>
    tpu.vector_store %arg3[%swap3A_40, %swap3A_41], %mul3A_39 {strides = array<i32>} : memref<4096x1xf32, #tpu.memory_space<vmem>>, vector<4096x1xf32>,
    return
  }
}

</mosaic_0001>

<sc_bundles>
// kernel: kernel.6.cloned.1.call-start
scs
__scs_entry_jumppad:
0x0: {  	(pc) =	sbr.rel $0x88, $3  }
0x1: {  	(tag) =	ssettag $0x0;
	lr =	simm.s32 $0x1  }
0x2: {  	[smem:$0x3F9A] =	sst lr;
	_ =	strace $0xD0000000  }
0x3: {  	_ = 	snop  }
0x4: {  	_ = 	snop  }
0x5: {  	_ = 	snop  }
0x6: {  	_ = 	snop  }
0x7: {  	_ = 	snop  }
__scs_overlays_trampoline_lowered:
0x8: {  	[smem:$0x3FA9] =	sst s0  }
0x9: {  	[smem:$0x3FAA] =	sst s1  }
0xa: {  	[smem:$0x3FAB] =	sst s2  }
0xb: {  	[smem:$0x3FAC] =	sst s3  }
0xc: {  	[smem:$0x3FAD] =	sst s4  }
0xd: {  	[smem:$0x3FAE] =	sst s5  }
0xe: {  	[smem:$0x3FAF] =	sst s6  }
0xf: {  	[smem:$0x3FB0] =	sst s7  }
0x10: {  	[smem:$0x3FB1] =	sst s8  }
0x11: {  	[smem:$0x3FB2] =	sst s9;
	s0 =	simm.s32 @!p0 $0x0  }
0x12: {  	s1 =	sld [smem:$0x3F98];
	s0 =	simm.s32 @p0 $0x1  }
0x13: {  	[smem:$0x3FB3] =	sst s0;
	s0 =	simm.s32 @!p1 $0x0  }
0x14: {  	s2 =	sld [smem:$0x3F97];
	s0 =	simm.s32 @p1 $0x1  }
0x15: {  	[smem:$0x3FB4] =	sst s0;
	s0 =	simm.s32 @!p2 $0x0  }
0x16: {  	s3 =	sld [smem:$0x3FDB];
	s0 =	simm.s32 @p2 $0x1  }
0x17: {  	s4 =	simm.s32 $0x1BF5;
	[smem:$0x3FB6] =	sst s0  }
0x18: {  	s0 =	sld [smem:$0x3F99];
	_ =	swait.ge [sflag:s4], $0x0  }
0x19: {  	s7 =	sld [smem:$0x3F9A]  }
0x1a: {  	s8 =	sadd.s32 $0xFFFFE003, lr  }
0x1b: {  	s9 =	sadd.s32 $0xFFFFFEF7, lr;
	s5 =	simm.s32 $0xFFFFFFFF;
	p2 =	slt.u32 s8, $0xFFFFF086  }
0x1c: {  	p1 =	slt.u32 s9, $0xF7A;
	s5 =	simm.s32 @!p2 $0x0  }
0x1d: {  	s5 =	simm.s32 @p1 $0x1;
	p0 =	seq.s32 s7, s2  }
0x1e: {  	s7 =	smul.u32 @!p0 $0xF7A, s2;
	p2 =	seq.s32 @!p0 s5, $0x0  }
0x1f: {  	s9 =	smul.u32 $0xF7A, s1;
	s8 =	simm.s32 @!p0 $0x1BF5;
	p2 =	por !p2, p0  }
0x20: {  	[sflag:s8] =	ssyncset.s32 @!p0 $0xFFFFF086;
	s6 =	sadd.s32 @!p0 s3, s7;
	s7 =	simm.s32 @!p0 $0x108  }
0x21: {  	s3 =	sadd.s32 s3, s9;
	s6 =	sadd.s32 @!p0 $0x88, s6;
	s7 =	simm.s32 @p2 $0x1082  }
0x22: {  	[simem:s7], [sflag:s8] =	dma.local @!p0 [hbm:s6], $0xF7A  }
0x23: {  	s9 =	sor.u32 $0xD0000000, s2;
	s6 =	simm.s32 $0x108;
	_ =	swait.ge @!p0 [sflag:s8], $0x0  }
0x24: {  	s3 =	sadd.s32 $0x88, s3;
	s6 =	simm.s32 @!p1 $0x1082;
	[sflag:s4] =	ssyncset.s32 $0xFFFFF086  }
0x25: {  	[simem:s6], [sflag:s4] =	dma.local [hbm:s3], $0xF7A  }
0x26: {  	[smem:$0x3F9A] =	sst s1;
	(tag) =	ssettag s2;
	_ =	strace s9  }
0x27: {  	s1 =	sld [smem:$0x3FAA]  }
0x28: {  	s2 =	sld [smem:$0x3FAB]  }
0x29: {  	s4 =	sld [smem:$0x3FAD]  }
0x2a: {  	p0 =	seq.s32 s5, $0x0;
	s5 =	sld [smem:$0x3FAE]  }
0x2b: {  	s6 =	sld [smem:$0x3FAF]  }
0x2c: {  	s7 =	sld [smem:$0x3FB0]  }
0x2d: {  	s3 =	simm.s32 $0x108;
	s8 =	sld [smem:$0x3FB1]  }
0x2e: {  	s3 =	simm.s32 @!p0 $0x1082;
	s9 =	sld [smem:$0x3FB2]  }
0x2f: {  	lr =	sadd.s32 s0, s3;
	s0 =	sld [smem:$0x3FA9]  }
0x30: {  	s3 =	sld [smem:$0x3FAC]  }
0x31: {  	[smem:$0x3FB5] =	sst s10  }
0x32: {  	s10 =	sld [smem:$0x3FB3];
	_ =	sdelay $0x3  }
0x33: {  	p0 =	seq.s32 s10, $0x1;
	s10 =	sld [smem:$0x3FB5];
	_ =	sdelay $0x3  }
0x34: {  	[smem:$0x3FB5] =	sst s10  }
0x35: {  	s10 =	sld [smem:$0x3FB4];
	_ =	sdelay $0x3  }
0x36: {  	p1 =	seq.s32 s10, $0x1;
	s10 =	sld [smem:$0x3FB5];
	_ =	sdelay $0x3  }
0x37: {  	[smem:$0x3FB5] =	sst s10  }
0x38: {  	s10 =	sld [smem:$0x3FB6]  }
0x39: {  	_ = 	snop;
	(pc) =	sbr.ind lr, $3  }
0x3a: {  	_ = 	snop  }
0x3b: {  	_ = 	snop  }
0x3c: {  	p2 =	seq.s32 s10, $0x1;
	s10 =	sld [smem:$0x3FB5]  }
0x3d: {  	_ =	shalt  }
0x3e: {  	_ =	shalt  }
0x3f: {  	_ =	shalt  }
0x40: {  	_ =	shalt  }
0x41: {  	_ =	shalt  }
0x42: {  	_ =	shalt  }
0x43: {  	_ =	shalt  }
0x44: {  	_ =	shalt  }
0x45: {  	_ =	shalt  }
0x46: {  	_ =	shalt  }
0x47: {  	_ =	shalt  }
0x48: {  	_ =	shalt  }
0x49: {  	_ =	shalt  }
0x4a: {  	_ =	shalt  }
0x4b: {  	_ =	shalt  }
0x4c: {  	_ =	shalt  }
0x4d: {  	_ =	shalt  }
0x4e: {  	_ =	shalt  }
0x4f: {  	_ =	shalt  }
0x50: {  	_ =	shalt  }
0x51: {  	_ =	shalt  }
0x52: {  	_ =	shalt  }
0x53: {  	_ =	shalt  }
0x54: {  	_ =	shalt  }
0x55: {  	_ =	shalt  }
0x56: {  	_ =	shalt  }
0x57: {  	_ =	shalt  }
0x58: {  	_ =	shalt  }
0x59: {  	_ =	shalt  }
0x5a: {  	_ =	shalt  }
0x5b: {  	_ =	shalt  }
0x5c: {  	_ =	shalt  }
0x5d: {  	_ =	shalt  }
0x5e: {  	_ =	shalt  }
0x5f: {  	_ =	shalt  }
0x60: {  	_ =	shalt  }
0x61: {  	_ =	shalt  }
0x62: {  	_ =	shalt  }
0x63: {  	_ =	shalt  }
0x64: {  	_ =	shalt  }
0x65: {  	_ =	shalt  }
0x66: {  	_ =	shalt  }
0x67: {  	_ =	shalt  }
0x68: {  	_ =	shalt  }
0x69: {  	_ =	shalt  }
0x6a: {  	_ =	shalt  }
0x6b: {  	_ =	shalt  }
0x6c: {  	_ =	shalt  }
0x6d: {  	_ =	shalt  }
0x6e: {  	_ =	shalt  }
0x6f: {  	_ =	shalt  }
0x70: {  	_ =	shalt  }
0x71: {  	_ =	shalt  }
0x72: {  	_ =	shalt  }
0x73: {  	_ =	shalt  }
0x74: {  	_ =	shalt  }
0x75: {  	_ =	shalt  }
0x76: {  	_ =	shalt  }
0x77: {  	_ =	shalt  }
0x78: {  	_ =	shalt  }
0x79: {  	_ =	shalt  }
0x7a: {  	_ =	shalt  }
0x7b: {  	_ =	shalt  }
0x7c: {  	_ =	shalt  }
0x7d: {  	_ =	shalt  }
0x7e: {  	_ =	shalt  }
0x7f: {  	_ =	shalt  }
0x80: {  	_ =	shalt  }
0x81: {  	_ =	shalt  }
0x82: {  	_ =	shalt  }
0x83: {  	_ =	shalt  }
0x84: {  	_ =	shalt  }
0x85: {  	_ =	shalt  }
0x86: {  	_ =	shalt  }
0x87: {  	_ =	shalt  }
.Lfunc_end0:
.L_simem_size_0:
called_computation_lowered:
.L_overlay_start_0:
0x88: {  	s2 =	sld [smem:$0x3FD9]  }
0x89: {  	s3 =	sld [smem:$0x3FFE];
	_ =	sdelay $0x1  }
0x8a: {  	s1 =	srdreg.scid  }
0x8b: {  	s0 =	sand.u32 $0x1, s1  }
0x8c: {  	s14 =	sshll.u32 s0, $0xA;
	s2 =	sadd.s32 s3, s2  }
0x8d: {  	s2 =	sadd.s32 s2, s14  }
0x8e: {  	[smem:$0x3FC1] =	sst s2  }
0x8f: {  	_ = 	snop  }
0x90: {  	s2 =	sld [smem:$0x3FD0];
	_ =	sdelay $0x2  }
0x91: {  	s15 =	simm.s32 $0xA;
	s4 =	simm.s32 $0x10  }
0x92: {  	[smem:s4], [sflag:s15] =	dma.local [hbm:s2], $0x1  }
0x93: {  	_ =	swait.eq [sflag:s15], $0x1  }
0x94: {  	[sflag:s15] =	ssyncset.done $0x0  }
0x95: {  	s16 =	sld [smem:$0x12];
	[sflag:s15] =	ssyncadd.s32 $0xFFFFFFFF  }
0x96: {  	s17 =	sld [smem:$0x13];
	(tm) =	ssettm $0x1  }
0x97: {  	s18 =	sld [smem:$0x3FFB];
	_ =	sdelay $0x3  }
0x98: {  	_ =	strace s18  }
0x99: {  	s4 =	sld [smem:$0x3FFC];
	_ =	sdelay $0x3  }
0x9a: {  	_ =	strace s4  }
0x9b: {  	s4 =	sld [smem:$0x3FFD];
	_ =	sdelay $0x3  }
0x9c: {  	_ =	strace s4  }
0x9d: {  	_ =	strace $0x8FFFFFFF  }
0x9e: {  	s19 =	sld [smem:$0x3FDB];
	_ =	sdelay $0x1  }
0x9f: {  	s5 =	simm.s32 $_scs_section_size  }
0xa0: {  	s6 =	simm.s32 $_size__tile_overlayer_lowered;
	s7 =	simm.s32 $_tile_overlayer_lowered  }
0xa1: {  	s22 =	simm.s32 $0x1BFF;
	s21 =	sshll.u32 s7, $0x1;
	s4 =	sadd.s32 s5, s19  }
0xa2: {  	s8 =	simm.s32 $0x0;
	s20 =	sshll.u32 s6, $0x1;
	s6 =	sadd.s32 s21, s4  }
0xa3: {  	[timem:s8], [sflag:s22] =	dma.local [hbm:s6], s20  }
0xa4: {  	_ =	swait.ge [sflag:s22], s20  }
0xa5: {  	s5 =	ssub.s32 $0x0, s20;
	[sflag:s22] =	ssyncset.done $0x0  }
0xa6: {  	[sflag:s22] =	ssyncadd.s32 s5;
	_ =	sdelay $0x1  }
0xa7: {  	s23 =	simm.s32 $0x1B8B  }
0xa8: {  	_ =	swait.ge [sflag:s23], $0x1  }
0xa9: {  	[sflag:s23] =	ssyncset.done $0x0  }
0xaa: {  	s25 =	simm.s32 $0x1B8E;
	s24 =	sld [smem:$0x3FFE];
	[sflag:s23] =	ssyncadd.s32 $0xFFFFFFFF  }
0xab: {  	s26 =	simm.s32 $execute0_lowered;
	[smem:$0x3FD2] =	sst s25  }
0xac: {  	s6 =	sshll.u32 s26, $0x1;
	_ =	strace $0x80000046;
	[dreg:$0x1] =	wrdreg $0xFFFFFFFF  }
0xad: {  	s28 =	simm.s32 $_size_execute0_lowered;
	s4 =	sadd.s32 s4, s6;
	[dreg:$0x0] =	wrdreg $0x0  }
0xae: {  	s6 =	sshll.u32 s28, $0x1;
	[dreg:$0x2] =	wrdreg s4  }
0xaf: {  	[dreg:$0x3] =	wrdreg s6  }
0xb0: {  	[dreg:$0x4] =	wrdreg $0xC0  }
0xb1: {  	_ =	task [dreg:s8], $0x5FFFF  }
0xb2: {  	[dreg:$0x1] =	wrdreg $0xFFFFFFFF  }
0xb3: {  	[dreg:$0x0] =	wrdreg $0x60  }
0xb4: {  	[dreg:$0x2] =	wrdreg s24  }
0xb5: {  	[dreg:$0x3] =	wrdreg s16  }
0xb6: {  	[dreg:$0x4] =	wrdreg s17  }
0xb7: {  	[dreg:$0x5] =	wrdreg $0x9  }
0xb8: {  	_ =	task.clear_ibuf [dreg:s8], $0x6FFFF;
	_ =	strace $0x90000046  }
0xb9: {  	s29 =	simm.s32 $0x9;
	_ =	strace $0x80000048  }
0xba: {  	_ =	swait.ge [sflag:s29], $0x1  }
0xbb: {  	[sflag:s29] =	ssyncadd.s32 $0xFFFFFFFF  }
0xbc: {  	_ =	strace $0x90000048  }
0xbd: {  	_ =	sfence  }
0xbe: {  	s30 =	sld [smem:$0x0];
	_ =	sdelay $0x2  }
0xbf: {  	s31 =	sshll.u32 s1, $0xD;
	s1 =	sshrl.u32 s1, $0x2  }
0xc0: {  	s3 =	sand.u32 $0x4000, s31;
	s1 =	sadd.s32 s1, s30  }
0xc1: {  	s0 =	sor.u32 s3, s0;
	s1 =	sshll.u32 s1, $0x11  }
0xc2: {  	s0 =	sor.u32 s1, s0  }
0xc3: {  	s0 =	sadd.s32 $0x8F2B, s0  }
0xc4: {  	[sflag:s0] =	ssyncadd.remote.s32 $0x1  }
0xc5: {  	_ =	sfence.sel $0xFFFF  }
0xc6: {  	[dreg:$0x0] =	wrdreg $0xFFFFFFFF;
	(pc) =	sbr.abs _section_cstart, $3  }
0xc7: {  	[dreg:$0x1] =	wrdreg $0xFFFFFFFF  }
0xc8: {  	_ =	task.clear_ibuf [dreg:s8], $0x2FFFF;
	_ =	strace $0x9FFFFFFF  }
0xc9: {  	(tm) =	ssettm $0x7FFFFFFF  }
tec
execute0_lowered:
.L_overlay_start_1:
0x0: {  	(tag) =	ssettag $0x1  }
0x1: {  	s0 =	rddreg [dreg:$0x0]  }
0x2: {  	s2 =	rddreg [dreg:$0x1]  }
0x3: {  	s10 =	rddreg [dreg:$0x2];
	s1 =	simm.s32 $0x0  }
0x4: {  	s6 =	srdreg.scid;
	s8 =	stileid.u32;
	s14 =	simm.s32 $0x80  }
0x5: {  	s15 =	simm.s32 $0x5;
	s19 =	simm.s32 $0x1;
	s20 =	simm.s32 $0xA080  }
0x6: {  	s21 =	simm.s32 $0x18080;
	s23 =	simm.s32 $0x4;
	s24 =	simm.s32 $0x40  }
0x7: {  	s31 =	simm.s32 $0x140;
	[smem:$0x7FF] =	sst s1;
	s3 =	sadd.s32 $0xF47400, s0  }
0x8: {  	v0 =	vlaneseq.u32;
	s16 =	simm.s32 $0x0;
	s4 =	sadd.s32 $0x16E8600, s0;
	s5 =	sadd.s32 $0x16EA600, s0  }
0x9: {  	s7 =	sand.u32 $0x1, s6;
	s8 =	sshll.u32 s8, $0x1;
	s6 =	sadd.s32 $0x16EC600, s0;
	v0 =	vmul.u32 $0x10, v0  }
0xa: {  	_ =	strace $0x80000047;
	s8 =	sor.u32 s7, s8;
	s7 =	ssub.s32 $0x2, s7  }
0xb: {  	s11 =	sshll.u32 s8, $0x4;
	s8 =	sshll.u32 s8, $0xC;
	s9 =	sshrl.u32 s7, $0x1;
	v1 =	vor.u32 $0x1, v0;
	v2 =	vor.u32 $0x2, v0;
	v3 =	vor.u32 $0x3, v0  }
0xc: {  	v4 =	vor.u32 $0x4, v0;
	v5 =	vor.u32 $0x5, v0;
	v6 =	vor.u32 $0x6, v0;
	s12 =	sadd.s32 s11, s0;
	s0 =	sadd.s32 s8, s0;
	s13 =	ssub.s32 s7, s9  }
0xd: {  	v7 =	vor.u32 $0x7, v0;
	v9 =	vor.u32 $0x9, v0;
	v10 =	vor.u32 $0xA, v0;
	s8 =	sadd.s32 s2, s11;
	s2 =	simm.s32 $0x18180;
	s7 =	sadd.s32 $0x16EE800, s0  }
0xe: {  	v8 =	vor.u32 $0x8, v0;
	v11 =	vor.u32 $0xB, v0;
	v12 =	vor.u32 $0xC, v0;
	s10 =	sadd.s32 s10, s11;
	s9 =	sadd.s32 $0x16EE600, s12;
	s11 =	sadd.s32 $0x170E800, s12  }
0xf: {  	v13 =	vor.u32 $0xD, v0;
	v14 =	vor.u32 $0xE, v0;
	v15 =	vor.u32 $0xF, v0;
	s12 =	sadd.s32 $0x170EA00, s0;
	s13 =	smax.u32 s13, $0x1;
	s0 =	simm.s32 $0x13080  }
.LBB2_1:
0x10: {  	[tilespmem:s14], [sflag:$0x4] =	stream.linear.gather [hbm4b:s7+s1], $0x8000, $0x38;
	[tilespmem:$0x18300] =	vst v63  }
0x11: {  	_ = 	snop  }
0x12: {  	[tilespmem:s1], [sflag:$0x5] =	stream.linear.gather [hbm4b:s8+s1], $0x80, $0x38;
	[tilespmem:$0x18300] =	vst v63  }
0x13: {  	_ =	swait.ge [sflag:s15], $0x80  }
0x14: {  	[sflag:s15] =	ssyncset.done $0x0  }
0x15: {  	s17 =	simm.s32 $0x8080;
	[sflag:s15] =	ssyncadd.s32 $0xFFFFFF80  }
0x16: {  	[tilespmem:s17], [sflag:$0x1] =	stream.indirect.gather [hbm4b:s4+s14], $0x40, s1, s14, $0xb8;
	[tilespmem:$0x18300] =	vst v63  }
0x17: {  	s29 =	simm.s32 $0xC080  }
0x18: {  	[tilespmem:s29], [sflag:$0x1] =	stream.indirect.gather [hbm4b:s5+s14], $0x40, s1, s14, $0xb8;
	[tilespmem:$0x18300] =	vst v63  }
0x19: {  	s30 =	simm.s32 $0xE080  }
0x1a: {  	[tilespmem:s30], [sflag:$0x1] =	stream.indirect.gather [hbm4b:s6+s14], $0x40, s1, s14, $0xb8;
	[tilespmem:$0x18300] =	vst v63  }
0x1b: {  	_ =	swait.ge [sflag:s19], $0x2000  }
0x1c: {  	[sflag:s19] =	ssyncset.done $0x0  }
0x1d: {  	[sflag:s19] =	ssyncadd.s32 $0xFFFFE000  }
0x1e: {  	_ =	swait.ge [sflag:s19], $0x2000  }
0x1f: {  	[sflag:s19] =	ssyncset.done $0x0  }
0x20: {  	[sflag:s19] =	ssyncadd.s32 $0xFFFFE000  }
0x21: {  	_ =	swait.ge [sflag:s19], $0x2000  }
0x22: {  	[sflag:s19] =	ssyncset.done $0x0  }
0x23: {  	[sflag:s19] =	ssyncadd.s32 $0xFFFFE000  }
0x24: {  	[tilespmem:s1], [sflag:$0x5] =	stream.linear.gather [hbm4b:s9+s1], $0x80, $0x38;
	[tilespmem:$0x18300] =	vst v63  }
0x25: {  	_ =	swait.ge [sflag:s15], $0x80  }
0x26: {  	[sflag:s15] =	ssyncset.done $0x0  }
0x27: {  	[sflag:s15] =	ssyncadd.s32 $0xFFFFFF80  }
0x28: {  	[tilespmem:s20], [sflag:$0x1] =	stream.indirect.gather [hbm4b:s3+s14], $0x40, s1, s14, $0xb8;
	[tilespmem:$0x18300] =	vst v63  }
0x29: {  	_ =	swait.ge [sflag:s19], $0x2000  }
0x2a: {  	[sflag:s19] =	ssyncset.done $0x0  }
0x2b: {  	s17 =	simm.s32 $0x0;
	[sflag:s19] =	ssyncadd.s32 $0xFFFFE000  }
0x2c: {  	v16 =	vld [tilespmem:s17+$0xC080]  }
0x2d: {  	v18 =	vld [tilespmem:s17+$0xA080]  }
0x2e: {  	v17 =	vld [tilespmem:s17+$0xC090]  }
0x2f: {  	v20 =	vld [tilespmem:s17+$0xA090]  }
0x30: {  	v19 =	vld [tilespmem:s17+$0xC0A0]  }
0x31: {  	v22 =	vld [tilespmem:s17+$0xA0A0]  }
0x32: {  	v21 =	vld [tilespmem:s17+$0xC0B0]  }
0x33: {  	v23 =	vld [tilespmem:s17+$0xA0B0]  }
0x34: {  	s18 =	simm.s32 $0x100;
	v24 =	vld [tilespmem:s17+$0x8080]  }
.LBB2_2:
0x35: {  	p0 =	sne.s32 s18, $0x7F00;
	v25 =	vld [tilespmem:s17+$0x8090]  }
0x36: {  	v26 =	vld [tilespmem:s17+$0x80A0]  }
0x37: {  	s22 =	sshra.s32 s18, $0x2;
	v27 =	vmul.f32 v18, v16;
	v28 =	vld [tilespmem:s17+$0x80B0]  }
0x38: {  	v20 =	vmul.f32 v20, v17;
	v16 =	vld [tilespmem:s22+$0xC080]  }
0x39: {  	v19 =	vmul.f32 v22, v19;
	v18 =	vld [tilespmem:s22+$0xA080];
	v24 =	vadd.f32 v24, v27  }
0x3a: {  	v21 =	vmul.f32 v23, v21;
	v17 =	vld [tilespmem:s22+$0xC090];
	v22 =	vadd.f32 v25, v20  }
0x3b: {  	v20 =	vld [tilespmem:s22+$0xA090];
	[tilespmem:s17+$0x8080] =	vst v24;
	v23 =	vadd.f32 v26, v19  }
.Ltmp0:
0x3c: {  	v19 =	vld [tilespmem:s22+$0xC0A0];
	[tilespmem:s17+$0x8090] =	vst v22;
	v24 =	vadd.f32 v28, v21;
	(pc) =	sbr.rel @p0 .LBB2_2-.Ltmp0, $4  }
0x3d: {  	v22 =	vld [tilespmem:s22+$0xA0A0];
	[tilespmem:s17+$0x80A0] =	vst v23  }
0x3e: {  	v21 =	vld [tilespmem:s22+$0xC0B0];
	[tilespmem:s17+$0x80B0] =	vst v24;
	s17 =	smov.u32 s22  }
0x3f: {  	v23 =	vld [tilespmem:s17+$0xA0B0]  }
0x40: {  	s18 =	sadd.s32 $0x100, s18;
	v24 =	vld [tilespmem:s17+$0x8080]  }
0x41: {  	v25 =	vld [tilespmem:s17+$0x8090]  }
0x42: {  	v26 =	vld [tilespmem:s17+$0x80A0]  }
0x43: {  	v16 =	vmul.f32 v18, v16;
	v62 =	vld [tilespmem:s17+$0x80B0]  }
0x44: {  	v17 =	vmul.f32 v20, v17  }
0x45: {  	v19 =	vmul.f32 v22, v19;
	v16 =	vadd.f32 v24, v16  }
0x46: {  	v63 =	vmul.f32 v23, v21;
	v17 =	vadd.f32 v25, v17  }
0x47: {  	[tilespmem:s17+$0x8080] =	vst v16;
	v16 =	vadd.f32 v26, v19  }
0x48: {  	[tilespmem:s17+$0x8090] =	vst v17;
	v17 =	vadd.f32 v62, v63  }
0x49: {  	[tilespmem:s17+$0x80A0] =	vst v16  }
0x4a: {  	[tilespmem:s17+$0x80B0] =	vst v17;
	s17 =	simm.s32 $0x0  }
0x4b: {  	[tilespmem:s17], [sflag:$0x5] =	stream.linear.gather [hbm4b:s10+s17], $0x80, $0x38;
	[tilespmem:$0x18300] =	vst v63  }
0x4c: {  	_ =	swait.ge [sflag:s15], $0x80  }
0x4d: {  	[sflag:s15] =	ssyncset.done $0x0  }
0x4e: {  	[sflag:s15] =	ssyncadd.s32 $0xFFFFFF80  }
0x4f: {  	[tilespmem:s20], [sflag:$0x1] =	stream.indirect.gather [hbm4b:s3+s14], $0x40, s17, s14, $0xb8;
	[tilespmem:$0x18300] =	vst v63  }
0x50: {  	_ =	swait.ge [sflag:s19], $0x2000  }
0x51: {  	[sflag:s19] =	ssyncset.done $0x0  }
0x52: {  	s18 =	simm.s32 $0x18280;
	[sflag:s19] =	ssyncadd.s32 $0xFFFFE000  }
.LBB2_4:
0x53: {  	s22 =	sshra.s32 s17, $0x2  }
0x54: {  	v16 =	vld [tilespmem:s22+$0x8080]  }
0x55: {  	v17 =	vld [tilespmem:s22+$0xE080]  }
0x56: {  	v18 =	vld [tilespmem:s22+$0xA080]  }
0x57: {  	v19 =	vld [tilespmem:s22+$0x8090]  }
0x58: {  	v20 =	vld [tilespmem:s22+$0xE090]  }
0x59: {  	v21 =	vld [tilespmem:s22+$0xA090]  }
0x5a: {  	v23 =	vld [tilespmem:s22+$0xE0A0]  }
0x5b: {  	v24 =	vld [tilespmem:s22+$0xA0A0]  }
0x5c: {  	v25 =	vld [tilespmem:s22+$0xE0B0]  }
0x5d: {  	v31 =	vld [tilespmem:s22+$0xA0B0]  }
0x5e: {  	v22 =	vld [tilespmem:s22+$0x80A0];
	v17 =	vmul.f32 v18, v17  }
0x5f: {  	v20 =	vmul.f32 v21, v20  }
0x60: {  	v16 =	vsub.f32 v16, v17;
	v17 =	vld [tilespmem:s22+$0x80B0]  }
0x61: {  	v32 =	vmul.f32 v24, v23;
	v19 =	vsub.f32 v19, v20  }
0x62: {  	v18 =	vmul.f32 v31, v25  }
0x63: {  	v20 =	vsub.f32 v22, v32;
	v16 =	vand.u32 $0x7FFFFFFF, v16;
	v19 =	vand.u32 $0x7FFFFFFF, v19  }
0x64: {  	v16 =	vadd.f32 v19, v16  }
0x65: {  	v33 =	vand.u32 $0x7FFFFFFF, v20;
	v17 =	vsub.f32 v17, v18  }
0x66: {  	v16 =	vadd.f32 v33, v16  }
0x67: {  	v17 =	vand.u32 $0x7FFFFFFF, v17  }
0x68: {  	v16 =	vadd.f32 v17, v16;
	_ =	sdelay $0x1  }
0x69: {  	[tilespmem:$0x18080] =	vst v16  }
0x6a: {  	v16 =	vld [tilespmem:s22+$0x80C0]  }
0x6b: {  	v17 =	vld [tilespmem:s22+$0xE0C0]  }
0x6c: {  	v34 =	vld [tilespmem:s22+$0xA0C0]  }
0x6d: {  	v35 =	vld [tilespmem:s22+$0x80D0]  }
0x6e: {  	v36 =	vld [tilespmem:s22+$0xE0D0]  }
0x6f: {  	v37 =	vld [tilespmem:s22+$0xA0D0]  }
0x70: {  	v39 =	vld [tilespmem:s22+$0xE0E0]  }
0x71: {  	v40 =	vld [tilespmem:s22+$0xA0E0]  }
0x72: {  	v41 =	vld [tilespmem:s22+$0xE0F0]  }
0x73: {  	v42 =	vld [tilespmem:s22+$0xA0F0]  }
0x74: {  	v38 =	vld [tilespmem:s22+$0x80E0];
	v17 =	vmul.f32 v34, v17  }
0x75: {  	v20 =	vmul.f32 v37, v36  }
0x76: {  	v16 =	vsub.f32 v16, v17;
	v17 =	vld [tilespmem:s22+$0x80F0]  }
0x77: {  	v43 =	vmul.f32 v40, v39;
	v19 =	vsub.f32 v35, v20  }
0x78: {  	v18 =	vmul.f32 v42, v41  }
0x79: {  	v20 =	vsub.f32 v38, v43;
	v16 =	vand.u32 $0x7FFFFFFF, v16;
	v19 =	vand.u32 $0x7FFFFFFF, v19  }
0x7a: {  	v16 =	vadd.f32 v19, v16  }
0x7b: {  	v44 =	vand.u32 $0x7FFFFFFF, v20;
	v17 =	vsub.f32 v17, v18  }
0x7c: {  	v16 =	vadd.f32 v44, v16  }
0x7d: {  	v17 =	vand.u32 $0x7FFFFFFF, v17  }
0x7e: {  	v16 =	vadd.f32 v17, v16;
	_ =	sdelay $0x1  }
0x7f: {  	[tilespmem:$0x18090] =	vst v16  }
0x80: {  	v16 =	vld [tilespmem:s22+$0x8100]  }
0x81: {  	v17 =	vld [tilespmem:s22+$0xE100]  }
0x82: {  	v45 =	vld [tilespmem:s22+$0xA100]  }
0x83: {  	v46 =	vld [tilespmem:s22+$0x8110]  }
0x84: {  	v47 =	vld [tilespmem:s22+$0xE110]  }
0x85: {  	v48 =	vld [tilespmem:s22+$0xA110]  }
0x86: {  	v50 =	vld [tilespmem:s22+$0xE120]  }
0x87: {  	v51 =	vld [tilespmem:s22+$0xA120]  }
0x88: {  	v52 =	vld [tilespmem:s22+$0xE130]  }
0x89: {  	v53 =	vld [tilespmem:s22+$0xA130]  }
0x8a: {  	v49 =	vld [tilespmem:s22+$0x8120];
	v17 =	vmul.f32 v45, v17  }
0x8b: {  	v20 =	vmul.f32 v48, v47  }
0x8c: {  	v16 =	vsub.f32 v16, v17;
	v17 =	vld [tilespmem:s22+$0x8130]  }
0x8d: {  	v54 =	vmul.f32 v51, v50;
	v19 =	vsub.f32 v46, v20  }
0x8e: {  	v18 =	vmul.f32 v53, v52  }
0x8f: {  	v20 =	vsub.f32 v49, v54;
	v16 =	vand.u32 $0x7FFFFFFF, v16;
	v19 =	vand.u32 $0x7FFFFFFF, v19  }
0x90: {  	v16 =	vadd.f32 v19, v16  }
0x91: {  	v55 =	vand.u32 $0x7FFFFFFF, v20;
	v17 =	vsub.f32 v17, v18  }
0x92: {  	v16 =	vadd.f32 v55, v16  }
0x93: {  	v17 =	vand.u32 $0x7FFFFFFF, v17  }
0x94: {  	v16 =	vadd.f32 v17, v16;
	_ =	sdelay $0x1  }
0x95: {  	[tilespmem:$0x180A0] =	vst v16  }
0x96: {  	v16 =	vld [tilespmem:s22+$0x8140]  }
0x97: {  	v17 =	vld [tilespmem:s22+$0xE140]  }
0x98: {  	v56 =	vld [tilespmem:s22+$0xA140]  }
0x99: {  	v57 =	vld [tilespmem:s22+$0x8150]  }
0x9a: {  	v58 =	vld [tilespmem:s22+$0xE150]  }
0x9b: {  	v59 =	vld [tilespmem:s22+$0xA150]  }
0x9c: {  	v61 =	vld [tilespmem:s22+$0xE160]  }
0x9d: {  	v62 =	vld [tilespmem:s22+$0xA160]  }
0x9e: {  	v63 =	vld [tilespmem:s22+$0xE170]  }
0x9f: {  	v26 =	vld [tilespmem:s22+$0xA170]  }
0xa0: {  	v60 =	vld [tilespmem:s22+$0x8160];
	v17 =	vmul.f32 v56, v17  }
0xa1: {  	v20 =	vmul.f32 v59, v58  }
0xa2: {  	v16 =	vsub.f32 v16, v17;
	v17 =	vld [tilespmem:s22+$0x8170]  }
0xa3: {  	v27 =	vmul.f32 v62, v61;
	v19 =	vsub.f32 v57, v20  }
0xa4: {  	v18 =	vmul.f32 v26, v63  }
0xa5: {  	v20 =	vsub.f32 v60, v27;
	v16 =	vand.u32 $0x7FFFFFFF, v16;
	v19 =	vand.u32 $0x7FFFFFFF, v19  }
0xa6: {  	v16 =	vadd.f32 v19, v16  }
0xa7: {  	v28 =	vand.u32 $0x7FFFFFFF, v20;
	v17 =	vsub.f32 v17, v18  }
0xa8: {  	v16 =	vadd.f32 v28, v16  }
0xa9: {  	v17 =	vand.u32 $0x7FFFFFFF, v17  }
0xaa: {  	v16 =	vadd.f32 v17, v16;
	_ =	sdelay $0x1  }
0xab: {  	[tilespmem:$0x180B0] =	vst v16  }
0xac: {  	v16 =	vld [tilespmem:s22+$0x8180]  }
0xad: {  	v17 =	vld [tilespmem:s22+$0xE180]  }
0xae: {  	v29 =	vld [tilespmem:s22+$0xA180]  }
0xaf: {  	v30 =	vld [tilespmem:s22+$0x8190]  }
0xb0: {  	v31 =	vld [tilespmem:s22+$0xE190]  }
0xb1: {  	v32 =	vld [tilespmem:s22+$0xA190]  }
0xb2: {  	v34 =	vld [tilespmem:s22+$0xE1A0]  }
0xb3: {  	v35 =	vld [tilespmem:s22+$0xA1A0]  }
0xb4: {  	v36 =	vld [tilespmem:s22+$0xE1B0]  }
0xb5: {  	v37 =	vld [tilespmem:s22+$0xA1B0]  }
0xb6: {  	v33 =	vld [tilespmem:s22+$0x81A0];
	v17 =	vmul.f32 v29, v17  }
0xb7: {  	v20 =	vmul.f32 v32, v31  }
0xb8: {  	v16 =	vsub.f32 v16, v17;
	v17 =	vld [tilespmem:s22+$0x81B0]  }
0xb9: {  	v38 =	vmul.f32 v35, v34;
	v19 =	vsub.f32 v30, v20  }
0xba: {  	v18 =	vmul.f32 v37, v36  }
0xbb: {  	v20 =	vsub.f32 v33, v38;
	v16 =	vand.u32 $0x7FFFFFFF, v16;
	v19 =	vand.u32 $0x7FFFFFFF, v19  }
0xbc: {  	v16 =	vadd.f32 v19, v16  }
0xbd: {  	v39 =	vand.u32 $0x7FFFFFFF, v20;
	v17 =	vsub.f32 v17, v18  }
0xbe: {  	v16 =	vadd.f32 v39, v16  }
0xbf: {  	v17 =	vand.u32 $0x7FFFFFFF, v17  }
0xc0: {  	v16 =	vadd.f32 v17, v16;
	_ =	sdelay $0x1  }
0xc1: {  	[tilespmem:$0x180C0] =	vst v16  }
0xc2: {  	v16 =	vld [tilespmem:s22+$0x81C0]  }
0xc3: {  	v17 =	vld [tilespmem:s22+$0xE1C0]  }
0xc4: {  	v40 =	vld [tilespmem:s22+$0xA1C0]  }
0xc5: {  	v41 =	vld [tilespmem:s22+$0x81D0]  }
0xc6: {  	v42 =	vld [tilespmem:s22+$0xE1D0]  }
0xc7: {  	v43 =	vld [tilespmem:s22+$0xA1D0]  }
0xc8: {  	v45 =	vld [tilespmem:s22+$0xE1E0]  }
0xc9: {  	v46 =	vld [tilespmem:s22+$0xA1E0]  }
0xca: {  	v47 =	vld [tilespmem:s22+$0xE1F0]  }
0xcb: {  	v48 =	vld [tilespmem:s22+$0xA1F0]  }
0xcc: {  	v44 =	vld [tilespmem:s22+$0x81E0];
	v17 =	vmul.f32 v40, v17  }
0xcd: {  	v20 =	vmul.f32 v43, v42  }
0xce: {  	v16 =	vsub.f32 v16, v17;
	v17 =	vld [tilespmem:s22+$0x81F0]  }
0xcf: {  	v49 =	vmul.f32 v46, v45;
	v19 =	vsub.f32 v41, v20  }
0xd0: {  	v18 =	vmul.f32 v48, v47  }
0xd1: {  	v20 =	vsub.f32 v44, v49;
	v16 =	vand.u32 $0x7FFFFFFF, v16;
	v19 =	vand.u32 $0x7FFFFFFF, v19  }
0xd2: {  	v16 =	vadd.f32 v19, v16  }
0xd3: {  	v50 =	vand.u32 $0x7FFFFFFF, v20;
	v17 =	vsub.f32 v17, v18  }
0xd4: {  	v16 =	vadd.f32 v50, v16  }
0xd5: {  	v17 =	vand.u32 $0x7FFFFFFF, v17  }
0xd6: {  	v16 =	vadd.f32 v17, v16;
	_ =	sdelay $0x1  }
0xd7: {  	[tilespmem:$0x180D0] =	vst v16  }
0xd8: {  	v16 =	vld [tilespmem:s22+$0x8200]  }
0xd9: {  	v17 =	vld [tilespmem:s22+$0xE200]  }
0xda: {  	v51 =	vld [tilespmem:s22+$0xA200]  }
0xdb: {  	v52 =	vld [tilespmem:s22+$0x8210]  }
0xdc: {  	v53 =	vld [tilespmem:s22+$0xE210]  }
0xdd: {  	v54 =	vld [tilespmem:s22+$0xA210]  }
0xde: {  	v56 =	vld [tilespmem:s22+$0xE220]  }
0xdf: {  	v57 =	vld [tilespmem:s22+$0xA220]  }
0xe0: {  	v58 =	vld [tilespmem:s22+$0xE230]  }
0xe1: {  	v59 =	vld [tilespmem:s22+$0xA230]  }
0xe2: {  	v55 =	vld [tilespmem:s22+$0x8220];
	v17 =	vmul.f32 v51, v17  }
0xe3: {  	v20 =	vmul.f32 v54, v53  }
0xe4: {  	v16 =	vsub.f32 v16, v17;
	v17 =	vld [tilespmem:s22+$0x8230]  }
0xe5: {  	v60 =	vmul.f32 v57, v56;
	v19 =	vsub.f32 v52, v20  }
0xe6: {  	v18 =	vmul.f32 v59, v58  }
0xe7: {  	v20 =	vsub.f32 v55, v60;
	v16 =	vand.u32 $0x7FFFFFFF, v16;
	v19 =	vand.u32 $0x7FFFFFFF, v19  }
0xe8: {  	v16 =	vadd.f32 v19, v16  }
0xe9: {  	v61 =	vand.u32 $0x7FFFFFFF, v20;
	v17 =	vsub.f32 v17, v18  }
0xea: {  	v16 =	vadd.f32 v61, v16  }
0xeb: {  	v17 =	vand.u32 $0x7FFFFFFF, v17  }
0xec: {  	v16 =	vadd.f32 v17, v16;
	_ =	sdelay $0x1  }
0xed: {  	[tilespmem:$0x180E0] =	vst v16  }
0xee: {  	v16 =	vld [tilespmem:s22+$0x8240]  }
0xef: {  	v17 =	vld [tilespmem:s22+$0xE240]  }
0xf0: {  	v62 =	vld [tilespmem:s22+$0xA240]  }
0xf1: {  	v63 =	vld [tilespmem:s22+$0x8250]  }
0xf2: {  	v28 =	vld [tilespmem:s22+$0xE250]  }
0xf3: {  	v29 =	vld [tilespmem:s22+$0xA250]  }
0xf4: {  	v31 =	vld [tilespmem:s22+$0xE260]  }
0xf5: {  	v32 =	vld [tilespmem:s22+$0xA260]  }
0xf6: {  	v33 =	vld [tilespmem:s22+$0xE270]  }
0xf7: {  	v34 =	vld [tilespmem:s22+$0xA270]  }
0xf8: {  	v30 =	vld [tilespmem:s22+$0x8260];
	v17 =	vmul.f32 v62, v17  }
0xf9: {  	v20 =	vmul.f32 v29, v28  }
0xfa: {  	v16 =	vsub.f32 v16, v17;
	v17 =	vld [tilespmem:s22+$0x8270]  }
0xfb: {  	v35 =	vmul.f32 v32, v31;
	v19 =	vsub.f32 v63, v20  }
0xfc: {  	v18 =	vmul.f32 v34, v33  }
0xfd: {  	v20 =	vsub.f32 v30, v35;
	v16 =	vand.u32 $0x7FFFFFFF, v16;
	v19 =	vand.u32 $0x7FFFFFFF, v19  }
0xfe: {  	v16 =	vadd.f32 v19, v16  }
0xff: {  	v36 =	vand.u32 $0x7FFFFFFF, v20;
	v17 =	vsub.f32 v17, v18  }
0x100: {  	v16 =	vadd.f32 v36, v16  }
0x101: {  	v17 =	vand.u32 $0x7FFFFFFF, v17  }
0x102: {  	v16 =	vadd.f32 v17, v16;
	_ =	sdelay $0x1  }
0x103: {  	[tilespmem:$0x180F0] =	vst v16  }
0x104: {  	v16 =	vld [tilespmem:s22+$0x8280]  }
0x105: {  	v17 =	vld [tilespmem:s22+$0xE280]  }
0x106: {  	v37 =	vld [tilespmem:s22+$0xA280]  }
0x107: {  	v38 =	vld [tilespmem:s22+$0x8290]  }
0x108: {  	v39 =	vld [tilespmem:s22+$0xE290]  }
0x109: {  	v40 =	vld [tilespmem:s22+$0xA290]  }
0x10a: {  	v42 =	vld [tilespmem:s22+$0xE2A0]  }
0x10b: {  	v43 =	vld [tilespmem:s22+$0xA2A0]  }
0x10c: {  	v44 =	vld [tilespmem:s22+$0xE2B0]  }
0x10d: {  	v45 =	vld [tilespmem:s22+$0xA2B0]  }
0x10e: {  	v41 =	vld [tilespmem:s22+$0x82A0];
	v17 =	vmul.f32 v37, v17  }
0x10f: {  	v20 =	vmul.f32 v40, v39  }
0x110: {  	v16 =	vsub.f32 v16, v17;
	v17 =	vld [tilespmem:s22+$0x82B0]  }
0x111: {  	v46 =	vmul.f32 v43, v42;
	v19 =	vsub.f32 v38, v20  }
0x112: {  	v18 =	vmul.f32 v45, v44  }
0x113: {  	v20 =	vsub.f32 v41, v46;
	v16 =	vand.u32 $0x7FFFFFFF, v16;
	v19 =	vand.u32 $0x7FFFFFFF, v19  }
0x114: {  	v16 =	vadd.f32 v19, v16  }
0x115: {  	v47 =	vand.u32 $0x7FFFFFFF, v20;
	v17 =	vsub.f32 v17, v18  }
0x116: {  	v16 =	vadd.f32 v47, v16  }
0x117: {  	v17 =	vand.u32 $0x7FFFFFFF, v17  }
0x118: {  	v16 =	vadd.f32 v17, v16;
	_ =	sdelay $0x1  }
0x119: {  	[tilespmem:$0x18100] =	vst v16  }
0x11a: {  	v16 =	vld [tilespmem:s22+$0x82C0]  }
0x11b: {  	v17 =	vld [tilespmem:s22+$0xE2C0]  }
0x11c: {  	v48 =	vld [tilespmem:s22+$0xA2C0]  }
0x11d: {  	v49 =	vld [tilespmem:s22+$0x82D0]  }
0x11e: {  	v50 =	vld [tilespmem:s22+$0xE2D0]  }
0x11f: {  	v51 =	vld [tilespmem:s22+$0xA2D0]  }
0x120: {  	v53 =	vld [tilespmem:s22+$0xE2E0]  }
0x121: {  	v54 =	vld [tilespmem:s22+$0xA2E0]  }
0x122: {  	v55 =	vld [tilespmem:s22+$0xE2F0]  }
0x123: {  	v56 =	vld [tilespmem:s22+$0xA2F0]  }
0x124: {  	v52 =	vld [tilespmem:s22+$0x82E0];
	v17 =	vmul.f32 v48, v17  }
0x125: {  	v20 =	vmul.f32 v51, v50  }
0x126: {  	v16 =	vsub.f32 v16, v17;
	v17 =	vld [tilespmem:s22+$0x82F0]  }
0x127: {  	v57 =	vmul.f32 v54, v53;
	v19 =	vsub.f32 v49, v20  }
0x128: {  	v18 =	vmul.f32 v56, v55  }
0x129: {  	v20 =	vsub.f32 v52, v57;
	v16 =	vand.u32 $0x7FFFFFFF, v16;
	v19 =	vand.u32 $0x7FFFFFFF, v19  }
0x12a: {  	v16 =	vadd.f32 v19, v16  }
0x12b: {  	v58 =	vand.u32 $0x7FFFFFFF, v20;
	v17 =	vsub.f32 v17, v18  }
0x12c: {  	v16 =	vadd.f32 v58, v16  }
0x12d: {  	v17 =	vand.u32 $0x7FFFFFFF, v17  }
0x12e: {  	v16 =	vadd.f32 v17, v16;
	_ =	sdelay $0x1  }
0x12f: {  	[tilespmem:$0x18110] =	vst v16  }
0x130: {  	v16 =	vld [tilespmem:s22+$0x8300]  }
0x131: {  	v17 =	vld [tilespmem:s22+$0xE300]  }
0x132: {  	v59 =	vld [tilespmem:s22+$0xA300]  }
0x133: {  	v60 =	vld [tilespmem:s22+$0x8310]  }
0x134: {  	v61 =	vld [tilespmem:s22+$0xE310]  }
0x135: {  	v62 =	vld [tilespmem:s22+$0xA310]  }
0x136: {  	v28 =	vld [tilespmem:s22+$0xE320]  }
0x137: {  	v29 =	vld [tilespmem:s22+$0xA320]  }
0x138: {  	v30 =	vld [tilespmem:s22+$0xE330]  }
0x139: {  	v31 =	vld [tilespmem:s22+$0xA330]  }
0x13a: {  	v63 =	vld [tilespmem:s22+$0x8320];
	v17 =	vmul.f32 v59, v17  }
0x13b: {  	v20 =	vmul.f32 v62, v61  }
0x13c: {  	v16 =	vsub.f32 v16, v17;
	v17 =	vld [tilespmem:s22+$0x8330]  }
0x13d: {  	v32 =	vmul.f32 v29, v28;
	v19 =	vsub.f32 v60, v20  }
0x13e: {  	v18 =	vmul.f32 v31, v30  }
0x13f: {  	v20 =	vsub.f32 v63, v32;
	v16 =	vand.u32 $0x7FFFFFFF, v16;
	v19 =	vand.u32 $0x7FFFFFFF, v19  }
0x140: {  	v16 =	vadd.f32 v19, v16  }
0x141: {  	v33 =	vand.u32 $0x7FFFFFFF, v20;
	v17 =	vsub.f32 v17, v18  }
0x142: {  	v16 =	vadd.f32 v33, v16  }
0x143: {  	v17 =	vand.u32 $0x7FFFFFFF, v17  }
0x144: {  	v16 =	vadd.f32 v17, v16;
	_ =	sdelay $0x1  }
0x145: {  	[tilespmem:$0x18120] =	vst v16  }
0x146: {  	v16 =	vld [tilespmem:s22+$0x8340]  }
0x147: {  	v17 =	vld [tilespmem:s22+$0xE340]  }
0x148: {  	v34 =	vld [tilespmem:s22+$0xA340]  }
0x149: {  	v35 =	vld [tilespmem:s22+$0x8350]  }
0x14a: {  	v36 =	vld [tilespmem:s22+$0xE350]  }
0x14b: {  	v37 =	vld [tilespmem:s22+$0xA350]  }
0x14c: {  	v39 =	vld [tilespmem:s22+$0xE360]  }
0x14d: {  	v40 =	vld [tilespmem:s22+$0xA360]  }
0x14e: {  	v41 =	vld [tilespmem:s22+$0xE370]  }
0x14f: {  	v42 =	vld [tilespmem:s22+$0xA370]  }
0x150: {  	v38 =	vld [tilespmem:s22+$0x8360];
	v17 =	vmul.f32 v34, v17  }
0x151: {  	v20 =	vmul.f32 v37, v36  }
0x152: {  	v16 =	vsub.f32 v16, v17;
	v17 =	vld [tilespmem:s22+$0x8370]  }
0x153: {  	v43 =	vmul.f32 v40, v39;
	v19 =	vsub.f32 v35, v20  }
0x154: {  	v18 =	vmul.f32 v42, v41  }
0x155: {  	v20 =	vsub.f32 v38, v43;
	v16 =	vand.u32 $0x7FFFFFFF, v16;
	v19 =	vand.u32 $0x7FFFFFFF, v19  }
0x156: {  	v16 =	vadd.f32 v19, v16  }
0x157: {  	v44 =	vand.u32 $0x7FFFFFFF, v20;
	v17 =	vsub.f32 v17, v18  }
0x158: {  	v16 =	vadd.f32 v44, v16  }
0x159: {  	v17 =	vand.u32 $0x7FFFFFFF, v17  }
0x15a: {  	v16 =	vadd.f32 v17, v16;
	_ =	sdelay $0x1  }
0x15b: {  	[tilespmem:$0x18130] =	vst v16  }
0x15c: {  	v16 =	vld [tilespmem:s22+$0x8380]  }
0x15d: {  	v17 =	vld [tilespmem:s22+$0xE380]  }
0x15e: {  	v45 =	vld [tilespmem:s22+$0xA380]  }
0x15f: {  	v46 =	vld [tilespmem:s22+$0x8390]  }
0x160: {  	v47 =	vld [tilespmem:s22+$0xE390]  }
0x161: {  	v48 =	vld [tilespmem:s22+$0xA390]  }
0x162: {  	v50 =	vld [tilespmem:s22+$0xE3A0]  }
0x163: {  	v51 =	vld [tilespmem:s22+$0xA3A0]  }
0x164: {  	v52 =	vld [tilespmem:s22+$0xE3B0]  }
0x165: {  	v53 =	vld [tilespmem:s22+$0xA3B0]  }
0x166: {  	v49 =	vld [tilespmem:s22+$0x83A0];
	v17 =	vmul.f32 v45, v17  }
0x167: {  	v20 =	vmul.f32 v48, v47  }
0x168: {  	v16 =	vsub.f32 v16, v17;
	v17 =	vld [tilespmem:s22+$0x83B0]  }
0x169: {  	v54 =	vmul.f32 v51, v50;
	v19 =	vsub.f32 v46, v20  }
0x16a: {  	v18 =	vmul.f32 v53, v52  }
0x16b: {  	v20 =	vsub.f32 v49, v54;
	v16 =	vand.u32 $0x7FFFFFFF, v16;
	v19 =	vand.u32 $0x7FFFFFFF, v19  }
0x16c: {  	v16 =	vadd.f32 v19, v16  }
0x16d: {  	v55 =	vand.u32 $0x7FFFFFFF, v20;
	v17 =	vsub.f32 v17, v18  }
0x16e: {  	v16 =	vadd.f32 v55, v16  }
0x16f: {  	v17 =	vand.u32 $0x7FFFFFFF, v17  }
0x170: {  	v16 =	vadd.f32 v17, v16;
	_ =	sdelay $0x1  }
0x171: {  	[tilespmem:$0x18140] =	vst v16  }
0x172: {  	v16 =	vld [tilespmem:s22+$0x83C0]  }
0x173: {  	v17 =	vld [tilespmem:s22+$0xE3C0]  }
0x174: {  	v56 =	vld [tilespmem:s22+$0xA3C0]  }
0x175: {  	v57 =	vld [tilespmem:s22+$0x83D0]  }
0x176: {  	v58 =	vld [tilespmem:s22+$0xE3D0]  }
0x177: {  	v59 =	vld [tilespmem:s22+$0xA3D0]  }
0x178: {  	v61 =	vld [tilespmem:s22+$0xE3E0]  }
0x179: {  	v62 =	vld [tilespmem:s22+$0xA3E0]  }
0x17a: {  	v63 =	vld [tilespmem:s22+$0xE3F0]  }
0x17b: {  	v26 =	vld [tilespmem:s22+$0xA3F0]  }
0x17c: {  	v60 =	vld [tilespmem:s22+$0x83E0];
	v17 =	vmul.f32 v56, v17  }
0x17d: {  	v20 =	vmul.f32 v59, v58  }
0x17e: {  	v16 =	vsub.f32 v16, v17;
	v17 =	vld [tilespmem:s22+$0x83F0]  }
0x17f: {  	v27 =	vmul.f32 v62, v61;
	v19 =	vsub.f32 v57, v20  }
0x180: {  	v18 =	vmul.f32 v26, v63  }
0x181: {  	v20 =	vsub.f32 v60, v27;
	v16 =	vand.u32 $0x7FFFFFFF, v16;
	v19 =	vand.u32 $0x7FFFFFFF, v19  }
0x182: {  	v16 =	vadd.f32 v19, v16  }
0x183: {  	v28 =	vand.u32 $0x7FFFFFFF, v20;
	v17 =	vsub.f32 v17, v18  }
0x184: {  	v16 =	vadd.f32 v28, v16  }
0x185: {  	v17 =	vand.u32 $0x7FFFFFFF, v17  }
0x186: {  	v16 =	vadd.f32 v17, v16;
	_ =	sdelay $0x1  }
0x187: {  	[tilespmem:$0x18150] =	vst v16  }
0x188: {  	v16 =	vld [tilespmem:s22+$0x8400]  }
0x189: {  	v17 =	vld [tilespmem:s22+$0xE400]  }
0x18a: {  	v29 =	vld [tilespmem:s22+$0xA400]  }
0x18b: {  	v30 =	vld [tilespmem:s22+$0x8410]  }
0x18c: {  	v31 =	vld [tilespmem:s22+$0xE410]  }
0x18d: {  	v32 =	vld [tilespmem:s22+$0xA410]  }
0x18e: {  	v34 =	vld [tilespmem:s22+$0xE420]  }
0x18f: {  	v35 =	vld [tilespmem:s22+$0xA420]  }
0x190: {  	v36 =	vld [tilespmem:s22+$0xE430]  }
0x191: {  	v37 =	vld [tilespmem:s22+$0xA430]  }
0x192: {  	v33 =	vld [tilespmem:s22+$0x8420];
	v17 =	vmul.f32 v29, v17  }
0x193: {  	v20 =	vmul.f32 v32, v31  }
0x194: {  	v16 =	vsub.f32 v16, v17;
	v17 =	vld [tilespmem:s22+$0x8430]  }
0x195: {  	v38 =	vmul.f32 v35, v34;
	v19 =	vsub.f32 v30, v20  }
0x196: {  	v18 =	vmul.f32 v37, v36  }
0x197: {  	v20 =	vsub.f32 v33, v38;
	v16 =	vand.u32 $0x7FFFFFFF, v16;
	v19 =	vand.u32 $0x7FFFFFFF, v19  }
0x198: {  	v16 =	vadd.f32 v19, v16  }
0x199: {  	v39 =	vand.u32 $0x7FFFFFFF, v20;
	v17 =	vsub.f32 v17, v18  }
0x19a: {  	v16 =	vadd.f32 v39, v16  }
0x19b: {  	v17 =	vand.u32 $0x7FFFFFFF, v17  }
0x19c: {  	v16 =	vadd.f32 v17, v16;
	_ =	sdelay $0x1  }
0x19d: {  	[tilespmem:$0x18160] =	vst v16  }
0x19e: {  	v16 =	vld [tilespmem:s22+$0x8440]  }
0x19f: {  	v17 =	vld [tilespmem:s22+$0xE440]  }
0x1a0: {  	v40 =	vld [tilespmem:s22+$0xA440]  }
0x1a1: {  	v41 =	vld [tilespmem:s22+$0x8450]  }
0x1a2: {  	v42 =	vld [tilespmem:s22+$0xE450]  }
0x1a3: {  	v43 =	vld [tilespmem:s22+$0xA450]  }
0x1a4: {  	v44 =	vld [tilespmem:s22+$0xE460]  }
0x1a5: {  	v45 =	vld [tilespmem:s22+$0xA460]  }
0x1a6: {  	v47 =	vld [tilespmem:s22+$0xE470]  }
0x1a7: {  	v26 =	vld [tilespmem:s22+$0xA470]  }
0x1a8: {  	v46 =	vld [tilespmem:s22+$0x8460]  }
0x1a9: {  	v17 =	vmul.f32 v40, v17;
	v48 =	vmul.f32 v43, v42  }
0x1aa: {  	v50 =	vld [tilespmem:s22+$0x8470]  }
0x1ab: {  	v49 =	vmul.f32 v45, v44;
	v16 =	vsub.f32 v16, v17;
	v17 =	vsub.f32 v41, v48  }
0x1ac: {  	v52 =	vmul.f32 v26, v47  }
0x1ad: {  	v51 =	vsub.f32 v46, v49;
	v16 =	vand.u32 $0x7FFFFFFF, v16;
	v17 =	vand.u32 $0x7FFFFFFF, v17  }
0x1ae: {  	v16 =	vadd.f32 v17, v16  }
0x1af: {  	v53 =	vsub.f32 v50, v52;
	v17 =	vand.u32 $0x7FFFFFFF, v51  }
0x1b0: {  	v16 =	vadd.f32 v17, v16  }
0x1b1: {  	v17 =	vand.u32 $0x7FFFFFFF, v53  }
0x1b2: {  	v16 =	vadd.f32 v17, v16;
	_ =	sdelay $0x1  }
0x1b3: {  	[tilespmem:$0x18170] =	vst v16  }
0x1b4: {  	v16 =	vld.idx.msk [tilespmem:v0+s21+$0x0], $0xffff  }
0x1b5: {  	v17 =	vld.idx.msk [tilespmem:v1+s21+$0x0], $0xffff;
	_ =	sdelay $0x1  }
0x1b6: {  	v54 =	vld.idx.msk [tilespmem:v2+s21+$0x0], $0xffff;
	_ =	sdelay $0x1  }
0x1b7: {  	v55 =	vld.idx.msk [tilespmem:v3+s21+$0x0], $0xffff  }
0x1b8: {  	v16 =	vadd.f32 v17, v16  }
0x1b9: {  	v17 =	vld.idx.msk [tilespmem:v4+s21+$0x0], $0xffff  }
0x1ba: {  	v16 =	vadd.f32 v54, v16  }
0x1bb: {  	v56 =	vld.idx.msk [tilespmem:v5+s21+$0x0], $0xffff  }
0x1bc: {  	v16 =	vadd.f32 v55, v16  }
0x1bd: {  	v57 =	vld.idx.msk [tilespmem:v6+s21+$0x0], $0xffff  }
0x1be: {  	v16 =	vadd.f32 v17, v16  }
0x1bf: {  	v17 =	vld.idx.msk [tilespmem:v7+s21+$0x0], $0xffff  }
0x1c0: {  	v16 =	vadd.f32 v56, v16  }
0x1c1: {  	v58 =	vld.idx.msk [tilespmem:v8+s21+$0x0], $0xffff  }
0x1c2: {  	v16 =	vadd.f32 v57, v16  }
0x1c3: {  	v59 =	vld.idx.msk [tilespmem:v9+s21+$0x0], $0xffff  }
0x1c4: {  	v16 =	vadd.f32 v17, v16  }
0x1c5: {  	v17 =	vld.idx.msk [tilespmem:v10+s21+$0x0], $0xffff  }
0x1c6: {  	v16 =	vadd.f32 v58, v16  }
0x1c7: {  	v60 =	vld.idx.msk [tilespmem:v11+s21+$0x0], $0xffff  }
0x1c8: {  	v16 =	vadd.f32 v59, v16  }
0x1c9: {  	v61 =	vld.idx.msk [tilespmem:v12+s21+$0x0], $0xffff  }
0x1ca: {  	v16 =	vadd.f32 v17, v16  }
0x1cb: {  	v17 =	vld.idx.msk [tilespmem:v13+s21+$0x0], $0xffff  }
0x1cc: {  	v16 =	vadd.f32 v60, v16  }
0x1cd: {  	v62 =	vld.idx.msk [tilespmem:v14+s21+$0x0], $0xffff  }
0x1ce: {  	v16 =	vadd.f32 v61, v16  }
0x1cf: {  	v63 =	vld.idx.msk [tilespmem:v15+s21+$0x0], $0xffff  }
0x1d0: {  	v16 =	vadd.f32 v17, v16  }
0x1d1: {  	p0 =	sne.s32 s17, $0x7000  }
.Ltmp1:
0x1d2: {  	v16 =	vadd.f32 v62, v16;
	(pc) =	sbr.rel @p0 .LBB2_4-.Ltmp1, $3  }
0x1d3: {  	_ = 	snop  }
0x1d4: {  	v16 =	vadd.f32 v63, v16;
	_ =	sdelay $0x1  }
0x1d5: {  	s17 =	sadd.s32 $0x1000, s17;
	[tilespmem:s18+$0x0] =	vst v16;
	s18 =	sadd.s32 $0x10, s18  }
0x1d6: {  	s17 =	simm.s32 $0x0;
	s18 =	simm.s32 $0x18280  }
0x1d7: {  	[hbm4b:s11+s17] =	stream.linear.scatter [tilespmem:s18], [sflag:$0x5], $0x80, $0x38;
	[tilespmem:$0x18300] =	vst v63  }
0x1d8: {  	_ =	swait.ge [sflag:s15], $0x80  }
0x1d9: {  	[sflag:s15] =	ssyncset.done $0x0  }
0x1da: {  	[sflag:s15] =	ssyncadd.s32 $0xFFFFFF80  }
0x1db: {  	_ =	swait.ge [sflag:s23], $0x8000  }
0x1dc: {  	[sflag:s23] =	ssyncset.done $0x0  }
0x1dd: {  	s26 =	simm.s32 $0x10080;
	[sflag:s23] =	ssyncadd.s32 $0xFFFF8000  }
0x1de: {  	[tilespmem:s26], [sflag:$0x2] =	stream.indirect.gather [hbm4b:s3+s24], $0x40, s14, s24, $0xb8;
	[tilespmem:$0x18300] =	vst v63  }
0x1df: {  	s28 =	simm.s32 $0xC0;
	s22 =	simm.s32 $0x11080  }
0x1e0: {  	[tilespmem:s22], [sflag:$0x2] =	stream.indirect.gather [hbm4b:s3+s24], $0x40, s28, s24, $0xb8;
	[tilespmem:$0x18300] =	vst v63  }
0x1e1: {  	s29 =	simm.s32 $0x100;
	s30 =	simm.s32 $0x12080  }
0x1e2: {  	[tilespmem:s30], [sflag:$0x2] =	stream.indirect.gather [hbm4b:s3+s24], $0x40, s29, s24, $0xb8;
	[tilespmem:$0x18300] =	vst v63  }
0x1e3: {  	p0 =	por $0x0, $0x0  }
0x1e4: {  	[tilespmem:s0], [sflag:$0x2] =	stream.indirect.gather [hbm4b:s3+s24], $0x40, s31, s24, $0xb8;
	[tilespmem:$0x18300] =	vst v63  }
.LBB2_6:
0x1e5: {  	s18 =	sadd.s32 $0x1, s17;
	p1 =	seq.s32 s17, $0x7F  }
0x1e6: {  	s22 =	sand.u32 @!p1 $0x1, s18;
	s26 =	sshll.u32 @!p1 s18, $0x8  }
0x1e7: {  	s30 =	simm.s32 @!p1 $0x40;
	s25 =	sshll.u32 @!p1 s22, $0xE;
	s26 =	sand.u32 @!p1 $0x3FFFFF00, s26  }
0x1e8: {  	s22 =	sor.u32 @!p1 $0x2, s22;
	s28 =	sor.u32 @!p1 $0x10080, s25;
	s29 =	sor.u32 @!p1 $0x80, s26  }
0x1e9: {  	[tilespmem:s28], [sflag:s22] =	stream.indirect.gather @!p1 [hbm4b:s3+s30], $0x40, s29, s30, $0xb8;
	[tilespmem:$0x18300] =	vst v63  }
0x1ea: {  	s28 =	sor.u32 @!p1 $0x11080, s25;
	s29 =	sor.u32 @!p1 $0xC0, s26  }
0x1eb: {  	[tilespmem:s28], [sflag:s22] =	stream.indirect.gather @!p1 [hbm4b:s3+s30], $0x40, s29, s30, $0xb8;
	[tilespmem:$0x18300] =	vst v63  }
0x1ec: {  	s28 =	sor.u32 @!p1 $0x12080, s25;
	s29 =	sadd.s32 @!p1 $0x100, s26  }
0x1ed: {  	[tilespmem:s28], [sflag:s22] =	stream.indirect.gather @!p1 [hbm4b:s3+s30], $0x40, s29, s30, $0xb8;
	[tilespmem:$0x18300] =	vst v63  }
0x1ee: {  	s29 =	sand.u32 $0x1, s17  }
0x1ef: {  	s25 =	sor.u32 @!p1 $0x13080, s25;
	s26 =	sadd.s32 @!p1 $0x140, s26;
	s29 =	sor.u32 $0x2, s29  }
0x1f0: {  	[tilespmem:s25], [sflag:s22] =	stream.indirect.gather @!p1 [hbm4b:s3+s30], $0x40, s26, s30, $0xb8;
	[tilespmem:$0x18300] =	vst v63  }
0x1f1: {  	_ =	swait.ge [sflag:s29], $0x1000  }
0x1f2: {  	[sflag:s29] =	ssyncset.done $0x0  }
0x1f3: {  	[sflag:s29] =	ssyncadd.s32 $0xFFFFF000  }
0x1f4: {  	_ =	swait.ge [sflag:s29], $0x1000  }
0x1f5: {  	[sflag:s29] =	ssyncset.done $0x0  }
0x1f6: {  	[sflag:s29] =	ssyncadd.s32 $0xFFFFF000  }
0x1f7: {  	_ =	swait.ge [sflag:s29], $0x1000  }
0x1f8: {  	[sflag:s29] =	ssyncset.done $0x0  }
0x1f9: {  	[sflag:s29] =	ssyncadd.s32 $0xFFFFF000  }
0x1fa: {  	_ =	swait.ge [sflag:s29], $0x1000  }
0x1fb: {  	[sflag:s29] =	ssyncset.done $0x0  }
0x1fc: {  	s30 =	sshll.u32 s17, $0x6;
	[sflag:s29] =	ssyncadd.s32 $0xFFFFF000  }
0x1fd: {  	v16 =	vld [tilespmem:s30+$0x8080]  }
0x1fe: {  	v17 =	vld [tilespmem:s30+$0x8090]  }
0x1ff: {  	v18 =	vld [tilespmem:s30+$0x80A0]  }
0x200: {  	v19 =	vld [tilespmem:s30+$0x80B0]  }
0x201: {  	s22 =	simm.s32 $0x1;
	v20 =	vld [tilespmem:s30+$0xE080]  }
0x202: {  	s22 =	simm.s32 @!p0 $0x0;
	v21 =	vld [tilespmem:s30+$0xE090]  }
0x203: {  	s22 =	sshll.u32 s22, $0xE;
	v22 =	vld [tilespmem:s30+$0xE0A0]  }
0x204: {  	s25 =	simm.s32 $0x0;
	s22 =	sor.u32 $0x10280, s22;
	v23 =	vld [tilespmem:s30+$0xE0B0]  }
.LBB2_7:
0x205: {  	v24 =	vld [tilespmem:s22+$0xFFFFFE00]  }
0x206: {  	v25 =	vld [tilespmem:s22+$0xFFFFFE10];
	_ =	sdelay $0x1  }
0x207: {  	v26 =	vld [tilespmem:s22+$0xFFFFFE20]  }
0x208: {  	v27 =	vld [tilespmem:s22+$0xFFFFFE30];
	_ =	sdelay $0x1  }
0x209: {  	v24 =	vmul.f32 v24, v20;
	v25 =	vmul.f32 v25, v21;
	_ =	sdelay $0x1  }
0x20a: {  	v26 =	vmul.f32 v26, v22;
	v24 =	vsub.f32 v16, v24;
	v25 =	vsub.f32 v17, v25  }
0x20b: {  	v27 =	vmul.f32 v27, v23  }
0x20c: {  	v26 =	vsub.f32 v18, v26;
	v24 =	vand.u32 $0x7FFFFFFF, v24;
	v25 =	vand.u32 $0x7FFFFFFF, v25  }
0x20d: {  	v24 =	vadd.f32 v25, v24  }
0x20e: {  	v29 =	vsub.f32 v19, v27;
	v28 =	vand.u32 $0x7FFFFFFF, v26  }
0x20f: {  	v24 =	vadd.f32 v28, v24  }
0x210: {  	v30 =	vand.u32 $0x7FFFFFFF, v29  }
0x211: {  	v24 =	vadd.f32 v30, v24;
	_ =	sdelay $0x1  }
0x212: {  	[tilespmem:$0x18080] =	vst v24  }
0x213: {  	v24 =	vld [tilespmem:s22+$0xFFFFFE40]  }
0x214: {  	v31 =	vld [tilespmem:s22+$0xFFFFFE50];
	_ =	sdelay $0x1  }
0x215: {  	v32 =	vld [tilespmem:s22+$0xFFFFFE60]  }
0x216: {  	v33 =	vld [tilespmem:s22+$0xFFFFFE70];
	_ =	sdelay $0x1  }
0x217: {  	v24 =	vmul.f32 v24, v20;
	v25 =	vmul.f32 v31, v21;
	_ =	sdelay $0x1  }
0x218: {  	v26 =	vmul.f32 v32, v22;
	v24 =	vsub.f32 v16, v24;
	v25 =	vsub.f32 v17, v25  }
0x219: {  	v27 =	vmul.f32 v33, v23  }
0x21a: {  	v26 =	vsub.f32 v18, v26;
	v24 =	vand.u32 $0x7FFFFFFF, v24;
	v25 =	vand.u32 $0x7FFFFFFF, v25  }
0x21b: {  	v24 =	vadd.f32 v25, v24  }
0x21c: {  	v35 =	vsub.f32 v19, v27;
	v34 =	vand.u32 $0x7FFFFFFF, v26  }
0x21d: {  	v24 =	vadd.f32 v34, v24  }
0x21e: {  	v36 =	vand.u32 $0x7FFFFFFF, v35  }
0x21f: {  	v24 =	vadd.f32 v36, v24;
	_ =	sdelay $0x1  }
0x220: {  	[tilespmem:$0x18090] =	vst v24  }
0x221: {  	v24 =	vld [tilespmem:s22+$0xFFFFFE80]  }
0x222: {  	v37 =	vld [tilespmem:s22+$0xFFFFFE90];
	_ =	sdelay $0x1  }
0x223: {  	v38 =	vld [tilespmem:s22+$0xFFFFFEA0]  }
0x224: {  	v39 =	vld [tilespmem:s22+$0xFFFFFEB0];
	_ =	sdelay $0x1  }
0x225: {  	v24 =	vmul.f32 v24, v20;
	v25 =	vmul.f32 v37, v21;
	_ =	sdelay $0x1  }
0x226: {  	v26 =	vmul.f32 v38, v22;
	v24 =	vsub.f32 v16, v24;
	v25 =	vsub.f32 v17, v25  }
0x227: {  	v27 =	vmul.f32 v39, v23  }
0x228: {  	v26 =	vsub.f32 v18, v26;
	v24 =	vand.u32 $0x7FFFFFFF, v24;
	v25 =	vand.u32 $0x7FFFFFFF, v25  }
0x229: {  	v24 =	vadd.f32 v25, v24  }
0x22a: {  	v41 =	vsub.f32 v19, v27;
	v40 =	vand.u32 $0x7FFFFFFF, v26  }
0x22b: {  	v24 =	vadd.f32 v40, v24  }
0x22c: {  	v42 =	vand.u32 $0x7FFFFFFF, v41  }
0x22d: {  	v24 =	vadd.f32 v42, v24;
	_ =	sdelay $0x1  }
0x22e: {  	[tilespmem:$0x180A0] =	vst v24  }
0x22f: {  	v24 =	vld [tilespmem:s22+$0xFFFFFEC0]  }
0x230: {  	v43 =	vld [tilespmem:s22+$0xFFFFFED0];
	_ =	sdelay $0x1  }
0x231: {  	v44 =	vld [tilespmem:s22+$0xFFFFFEE0]  }
0x232: {  	v45 =	vld [tilespmem:s22+$0xFFFFFEF0];
	_ =	sdelay $0x1  }
0x233: {  	v24 =	vmul.f32 v24, v20;
	v25 =	vmul.f32 v43, v21;
	_ =	sdelay $0x1  }
0x234: {  	v26 =	vmul.f32 v44, v22;
	v24 =	vsub.f32 v16, v24;
	v25 =	vsub.f32 v17, v25  }
0x235: {  	v27 =	vmul.f32 v45, v23  }
0x236: {  	v26 =	vsub.f32 v18, v26;
	v24 =	vand.u32 $0x7FFFFFFF, v24;
	v25 =	vand.u32 $0x7FFFFFFF, v25  }
0x237: {  	v24 =	vadd.f32 v25, v24  }
0x238: {  	v47 =	vsub.f32 v19, v27;
	v46 =	vand.u32 $0x7FFFFFFF, v26  }
0x239: {  	v24 =	vadd.f32 v46, v24  }
0x23a: {  	v48 =	vand.u32 $0x7FFFFFFF, v47  }
0x23b: {  	v24 =	vadd.f32 v48, v24;
	_ =	sdelay $0x1  }
0x23c: {  	[tilespmem:$0x180B0] =	vst v24  }
0x23d: {  	v24 =	vld [tilespmem:s22+$0xFFFFFF00]  }
0x23e: {  	v49 =	vld [tilespmem:s22+$0xFFFFFF10];
	_ =	sdelay $0x1  }
0x23f: {  	v50 =	vld [tilespmem:s22+$0xFFFFFF20]  }
0x240: {  	v51 =	vld [tilespmem:s22+$0xFFFFFF30];
	_ =	sdelay $0x1  }
0x241: {  	v24 =	vmul.f32 v24, v20;
	v25 =	vmul.f32 v49, v21;
	_ =	sdelay $0x1  }
0x242: {  	v26 =	vmul.f32 v50, v22;
	v24 =	vsub.f32 v16, v24;
	v25 =	vsub.f32 v17, v25  }
0x243: {  	v27 =	vmul.f32 v51, v23  }
0x244: {  	v26 =	vsub.f32 v18, v26;
	v24 =	vand.u32 $0x7FFFFFFF, v24;
	v25 =	vand.u32 $0x7FFFFFFF, v25  }
0x245: {  	v24 =	vadd.f32 v25, v24  }
0x246: {  	v53 =	vsub.f32 v19, v27;
	v52 =	vand.u32 $0x7FFFFFFF, v26  }
0x247: {  	v24 =	vadd.f32 v52, v24  }
0x248: {  	v54 =	vand.u32 $0x7FFFFFFF, v53  }
0x249: {  	v24 =	vadd.f32 v54, v24;
	_ =	sdelay $0x1  }
0x24a: {  	[tilespmem:$0x180C0] =	vst v24  }
0x24b: {  	v24 =	vld [tilespmem:s22+$0xFFFFFF40]  }
0x24c: {  	v55 =	vld [tilespmem:s22+$0xFFFFFF50];
	_ =	sdelay $0x1  }
0x24d: {  	v56 =	vld [tilespmem:s22+$0xFFFFFF60]  }
0x24e: {  	v57 =	vld [tilespmem:s22+$0xFFFFFF70];
	_ =	sdelay $0x1  }
0x24f: {  	v24 =	vmul.f32 v24, v20;
	v25 =	vmul.f32 v55, v21;
	_ =	sdelay $0x1  }
0x250: {  	v26 =	vmul.f32 v56, v22;
	v24 =	vsub.f32 v16, v24;
	v25 =	vsub.f32 v17, v25  }
0x251: {  	v27 =	vmul.f32 v57, v23  }
0x252: {  	v26 =	vsub.f32 v18, v26;
	v24 =	vand.u32 $0x7FFFFFFF, v24;
	v25 =	vand.u32 $0x7FFFFFFF, v25  }
0x253: {  	v24 =	vadd.f32 v25, v24  }
0x254: {  	v59 =	vsub.f32 v19, v27;
	v58 =	vand.u32 $0x7FFFFFFF, v26  }
0x255: {  	v24 =	vadd.f32 v58, v24  }
0x256: {  	v60 =	vand.u32 $0x7FFFFFFF, v59  }
0x257: {  	v24 =	vadd.f32 v60, v24;
	_ =	sdelay $0x1  }
0x258: {  	[tilespmem:$0x180D0] =	vst v24  }
0x259: {  	v24 =	vld [tilespmem:s22+$0xFFFFFF80]  }
0x25a: {  	v61 =	vld [tilespmem:s22+$0xFFFFFF90];
	_ =	sdelay $0x1  }
0x25b: {  	v62 =	vld [tilespmem:s22+$0xFFFFFFA0]  }
0x25c: {  	v63 =	vld [tilespmem:s22+$0xFFFFFFB0];
	_ =	sdelay $0x1  }
0x25d: {  	v24 =	vmul.f32 v24, v20;
	v25 =	vmul.f32 v61, v21;
	_ =	sdelay $0x1  }
0x25e: {  	v26 =	vmul.f32 v62, v22;
	v24 =	vsub.f32 v16, v24;
	v25 =	vsub.f32 v17, v25  }
0x25f: {  	v27 =	vmul.f32 v63, v23  }
0x260: {  	v26 =	vsub.f32 v18, v26;
	v24 =	vand.u32 $0x7FFFFFFF, v24;
	v25 =	vand.u32 $0x7FFFFFFF, v25  }
0x261: {  	v24 =	vadd.f32 v25, v24  }
0x262: {  	v29 =	vsub.f32 v19, v27;
	v28 =	vand.u32 $0x7FFFFFFF, v26  }
0x263: {  	v24 =	vadd.f32 v28, v24  }
0x264: {  	v30 =	vand.u32 $0x7FFFFFFF, v29  }
0x265: {  	v24 =	vadd.f32 v30, v24;
	_ =	sdelay $0x1  }
0x266: {  	[tilespmem:$0x180E0] =	vst v24  }
0x267: {  	v24 =	vld [tilespmem:s22+$0xFFFFFFC0]  }
0x268: {  	v31 =	vld [tilespmem:s22+$0xFFFFFFD0];
	_ =	sdelay $0x1  }
0x269: {  	v32 =	vld [tilespmem:s22+$0xFFFFFFE0]  }
0x26a: {  	v33 =	vld [tilespmem:s22+$0xFFFFFFF0];
	_ =	sdelay $0x1  }
0x26b: {  	v24 =	vmul.f32 v24, v20;
	v25 =	vmul.f32 v31, v21;
	_ =	sdelay $0x1  }
0x26c: {  	v26 =	vmul.f32 v32, v22;
	v24 =	vsub.f32 v16, v24;
	v25 =	vsub.f32 v17, v25  }
0x26d: {  	v27 =	vmul.f32 v33, v23  }
0x26e: {  	v26 =	vsub.f32 v18, v26;
	v24 =	vand.u32 $0x7FFFFFFF, v24;
	v25 =	vand.u32 $0x7FFFFFFF, v25  }
0x26f: {  	v24 =	vadd.f32 v25, v24  }
0x270: {  	v35 =	vsub.f32 v19, v27;
	v34 =	vand.u32 $0x7FFFFFFF, v26  }
0x271: {  	v24 =	vadd.f32 v34, v24  }
0x272: {  	v36 =	vand.u32 $0x7FFFFFFF, v35  }
0x273: {  	v24 =	vadd.f32 v36, v24;
	_ =	sdelay $0x1  }
0x274: {  	[tilespmem:$0x180F0] =	vst v24  }
0x275: {  	v24 =	vld [tilespmem:s22+$0x0]  }
0x276: {  	v37 =	vld [tilespmem:s22+$0x10];
	_ =	sdelay $0x1  }
0x277: {  	v38 =	vld [tilespmem:s22+$0x20]  }
0x278: {  	v39 =	vld [tilespmem:s22+$0x30];
	_ =	sdelay $0x1  }
0x279: {  	v24 =	vmul.f32 v24, v20;
	v25 =	vmul.f32 v37, v21;
	_ =	sdelay $0x1  }
0x27a: {  	v26 =	vmul.f32 v38, v22;
	v24 =	vsub.f32 v16, v24;
	v25 =	vsub.f32 v17, v25  }
0x27b: {  	v27 =	vmul.f32 v39, v23  }
0x27c: {  	v26 =	vsub.f32 v18, v26;
	v24 =	vand.u32 $0x7FFFFFFF, v24;
	v25 =	vand.u32 $0x7FFFFFFF, v25  }
0x27d: {  	v24 =	vadd.f32 v25, v24  }
0x27e: {  	v41 =	vsub.f32 v19, v27;
	v40 =	vand.u32 $0x7FFFFFFF, v26  }
0x27f: {  	v24 =	vadd.f32 v40, v24  }
0x280: {  	v42 =	vand.u32 $0x7FFFFFFF, v41  }
0x281: {  	v24 =	vadd.f32 v42, v24;
	_ =	sdelay $0x1  }
0x282: {  	[tilespmem:$0x18100] =	vst v24  }
0x283: {  	v24 =	vld [tilespmem:s22+$0x40]  }
0x284: {  	v43 =	vld [tilespmem:s22+$0x50];
	_ =	sdelay $0x1  }
0x285: {  	v44 =	vld [tilespmem:s22+$0x60]  }
0x286: {  	v45 =	vld [tilespmem:s22+$0x70];
	_ =	sdelay $0x1  }
0x287: {  	v24 =	vmul.f32 v24, v20;
	v25 =	vmul.f32 v43, v21;
	_ =	sdelay $0x1  }
0x288: {  	v26 =	vmul.f32 v44, v22;
	v24 =	vsub.f32 v16, v24;
	v25 =	vsub.f32 v17, v25  }
0x289: {  	v27 =	vmul.f32 v45, v23  }
0x28a: {  	v26 =	vsub.f32 v18, v26;
	v24 =	vand.u32 $0x7FFFFFFF, v24;
	v25 =	vand.u32 $0x7FFFFFFF, v25  }
0x28b: {  	v24 =	vadd.f32 v25, v24  }
0x28c: {  	v47 =	vsub.f32 v19, v27;
	v46 =	vand.u32 $0x7FFFFFFF, v26  }
0x28d: {  	v24 =	vadd.f32 v46, v24  }
0x28e: {  	v48 =	vand.u32 $0x7FFFFFFF, v47  }
0x28f: {  	v24 =	vadd.f32 v48, v24;
	_ =	sdelay $0x1  }
0x290: {  	[tilespmem:$0x18110] =	vst v24  }
0x291: {  	v24 =	vld [tilespmem:s22+$0x80]  }
0x292: {  	v49 =	vld [tilespmem:s22+$0x90];
	_ =	sdelay $0x1  }
0x293: {  	v50 =	vld [tilespmem:s22+$0xA0]  }
0x294: {  	v51 =	vld [tilespmem:s22+$0xB0];
	_ =	sdelay $0x1  }
0x295: {  	v24 =	vmul.f32 v24, v20;
	v25 =	vmul.f32 v49, v21;
	_ =	sdelay $0x1  }
0x296: {  	v26 =	vmul.f32 v50, v22;
	v24 =	vsub.f32 v16, v24;
	v25 =	vsub.f32 v17, v25  }
0x297: {  	v27 =	vmul.f32 v51, v23  }
0x298: {  	v26 =	vsub.f32 v18, v26;
	v24 =	vand.u32 $0x7FFFFFFF, v24;
	v25 =	vand.u32 $0x7FFFFFFF, v25  }
0x299: {  	v24 =	vadd.f32 v25, v24  }
0x29a: {  	v53 =	vsub.f32 v19, v27;
	v52 =	vand.u32 $0x7FFFFFFF, v26  }
0x29b: {  	v24 =	vadd.f32 v52, v24  }
0x29c: {  	v54 =	vand.u32 $0x7FFFFFFF, v53  }
0x29d: {  	v24 =	vadd.f32 v54, v24;
	_ =	sdelay $0x1  }
0x29e: {  	[tilespmem:$0x18120] =	vst v24  }
0x29f: {  	v24 =	vld [tilespmem:s22+$0xC0]  }
0x2a0: {  	v55 =	vld [tilespmem:s22+$0xD0];
	_ =	sdelay $0x1  }
0x2a1: {  	v56 =	vld [tilespmem:s22+$0xE0]  }
0x2a2: {  	v57 =	vld [tilespmem:s22+$0xF0];
	_ =	sdelay $0x1  }
0x2a3: {  	v24 =	vmul.f32 v24, v20;
	v25 =	vmul.f32 v55, v21;
	_ =	sdelay $0x1  }
0x2a4: {  	v26 =	vmul.f32 v56, v22;
	v24 =	vsub.f32 v16, v24;
	v25 =	vsub.f32 v17, v25  }
0x2a5: {  	v27 =	vmul.f32 v57, v23  }
0x2a6: {  	v26 =	vsub.f32 v18, v26;
	v24 =	vand.u32 $0x7FFFFFFF, v24;
	v25 =	vand.u32 $0x7FFFFFFF, v25  }
0x2a7: {  	v24 =	vadd.f32 v25, v24  }
0x2a8: {  	v59 =	vsub.f32 v19, v27;
	v58 =	vand.u32 $0x7FFFFFFF, v26  }
0x2a9: {  	v24 =	vadd.f32 v58, v24  }
0x2aa: {  	v60 =	vand.u32 $0x7FFFFFFF, v59  }
0x2ab: {  	v24 =	vadd.f32 v60, v24;
	_ =	sdelay $0x1  }
0x2ac: {  	[tilespmem:$0x18130] =	vst v24  }
0x2ad: {  	v24 =	vld [tilespmem:s22+$0x100]  }
0x2ae: {  	v61 =	vld [tilespmem:s22+$0x110];
	_ =	sdelay $0x1  }
0x2af: {  	v62 =	vld [tilespmem:s22+$0x120]  }
0x2b0: {  	v63 =	vld [tilespmem:s22+$0x130];
	_ =	sdelay $0x1  }
0x2b1: {  	v24 =	vmul.f32 v24, v20;
	v25 =	vmul.f32 v61, v21;
	_ =	sdelay $0x1  }
0x2b2: {  	v26 =	vmul.f32 v62, v22;
	v24 =	vsub.f32 v16, v24;
	v25 =	vsub.f32 v17, v25  }
0x2b3: {  	v27 =	vmul.f32 v63, v23  }
0x2b4: {  	v26 =	vsub.f32 v18, v26;
	v24 =	vand.u32 $0x7FFFFFFF, v24;
	v25 =	vand.u32 $0x7FFFFFFF, v25  }
0x2b5: {  	v24 =	vadd.f32 v25, v24  }
0x2b6: {  	v29 =	vsub.f32 v19, v27;
	v28 =	vand.u32 $0x7FFFFFFF, v26  }
0x2b7: {  	v24 =	vadd.f32 v28, v24  }
0x2b8: {  	v30 =	vand.u32 $0x7FFFFFFF, v29  }
0x2b9: {  	v24 =	vadd.f32 v30, v24;
	_ =	sdelay $0x1  }
0x2ba: {  	[tilespmem:$0x18140] =	vst v24  }
0x2bb: {  	v24 =	vld [tilespmem:s22+$0x140]  }
0x2bc: {  	v31 =	vld [tilespmem:s22+$0x150];
	_ =	sdelay $0x1  }
0x2bd: {  	v32 =	vld [tilespmem:s22+$0x160]  }
0x2be: {  	v33 =	vld [tilespmem:s22+$0x170];
	_ =	sdelay $0x1  }
0x2bf: {  	v24 =	vmul.f32 v24, v20;
	v25 =	vmul.f32 v31, v21;
	_ =	sdelay $0x1  }
0x2c0: {  	v26 =	vmul.f32 v32, v22;
	v24 =	vsub.f32 v16, v24;
	v25 =	vsub.f32 v17, v25  }
0x2c1: {  	v27 =	vmul.f32 v33, v23  }
0x2c2: {  	v26 =	vsub.f32 v18, v26;
	v24 =	vand.u32 $0x7FFFFFFF, v24;
	v25 =	vand.u32 $0x7FFFFFFF, v25  }
0x2c3: {  	v24 =	vadd.f32 v25, v24  }
0x2c4: {  	v35 =	vsub.f32 v19, v27;
	v34 =	vand.u32 $0x7FFFFFFF, v26  }
0x2c5: {  	v24 =	vadd.f32 v34, v24  }
0x2c6: {  	v36 =	vand.u32 $0x7FFFFFFF, v35  }
0x2c7: {  	v24 =	vadd.f32 v36, v24;
	_ =	sdelay $0x1  }
0x2c8: {  	[tilespmem:$0x18150] =	vst v24  }
0x2c9: {  	v24 =	vld [tilespmem:s22+$0x180]  }
0x2ca: {  	v37 =	vld [tilespmem:s22+$0x190];
	_ =	sdelay $0x1  }
0x2cb: {  	v38 =	vld [tilespmem:s22+$0x1A0]  }
0x2cc: {  	v39 =	vld [tilespmem:s22+$0x1B0];
	_ =	sdelay $0x1  }
0x2cd: {  	v24 =	vmul.f32 v24, v20;
	v25 =	vmul.f32 v37, v21;
	_ =	sdelay $0x1  }
0x2ce: {  	v26 =	vmul.f32 v38, v22;
	v24 =	vsub.f32 v16, v24;
	v25 =	vsub.f32 v17, v25  }
0x2cf: {  	v27 =	vmul.f32 v39, v23  }
0x2d0: {  	v26 =	vsub.f32 v18, v26;
	v24 =	vand.u32 $0x7FFFFFFF, v24;
	v25 =	vand.u32 $0x7FFFFFFF, v25  }
0x2d1: {  	v24 =	vadd.f32 v25, v24  }
0x2d2: {  	v41 =	vsub.f32 v19, v27;
	v40 =	vand.u32 $0x7FFFFFFF, v26  }
0x2d3: {  	v24 =	vadd.f32 v40, v24  }
0x2d4: {  	v42 =	vand.u32 $0x7FFFFFFF, v41  }
0x2d5: {  	v24 =	vadd.f32 v42, v24;
	_ =	sdelay $0x1  }
0x2d6: {  	[tilespmem:$0x18160] =	vst v24  }
0x2d7: {  	v24 =	vld [tilespmem:s22+$0x1C0]  }
0x2d8: {  	v43 =	vld [tilespmem:s22+$0x1D0];
	_ =	sdelay $0x1  }
0x2d9: {  	v44 =	vld [tilespmem:s22+$0x1E0]  }
0x2da: {  	v45 =	vld [tilespmem:s22+$0x1F0];
	_ =	sdelay $0x1  }
0x2db: {  	v24 =	vmul.f32 v24, v20;
	v25 =	vmul.f32 v43, v21;
	_ =	sdelay $0x1  }
0x2dc: {  	v26 =	vmul.f32 v44, v22;
	v24 =	vsub.f32 v16, v24;
	v25 =	vsub.f32 v17, v25  }
0x2dd: {  	v27 =	vmul.f32 v45, v23  }
0x2de: {  	v26 =	vsub.f32 v18, v26;
	v24 =	vand.u32 $0x7FFFFFFF, v24;
	v25 =	vand.u32 $0x7FFFFFFF, v25  }
0x2df: {  	v24 =	vadd.f32 v25, v24  }
0x2e0: {  	v47 =	vsub.f32 v19, v27;
	v46 =	vand.u32 $0x7FFFFFFF, v26  }
0x2e1: {  	v24 =	vadd.f32 v46, v24  }
0x2e2: {  	v48 =	vand.u32 $0x7FFFFFFF, v47  }
0x2e3: {  	v24 =	vadd.f32 v48, v24;
	_ =	sdelay $0x1  }
0x2e4: {  	[tilespmem:$0x18170] =	vst v24  }
0x2e5: {  	v24 =	vld.idx.msk [tilespmem:v0+s21+$0x0], $0xffff  }
0x2e6: {  	v49 =	vld.idx.msk [tilespmem:v1+s21+$0x0], $0xffff;
	_ =	sdelay $0x1  }
0x2e7: {  	v50 =	vld.idx.msk [tilespmem:v2+s21+$0x0], $0xffff;
	_ =	sdelay $0x1  }
0x2e8: {  	v51 =	vld.idx.msk [tilespmem:v3+s21+$0x0], $0xffff  }
0x2e9: {  	v24 =	vadd.f32 v49, v24  }
0x2ea: {  	v52 =	vld.idx.msk [tilespmem:v4+s21+$0x0], $0xffff  }
0x2eb: {  	v24 =	vadd.f32 v50, v24  }
0x2ec: {  	v53 =	vld.idx.msk [tilespmem:v5+s21+$0x0], $0xffff  }
0x2ed: {  	v24 =	vadd.f32 v51, v24  }
0x2ee: {  	v54 =	vld.idx.msk [tilespmem:v6+s21+$0x0], $0xffff  }
0x2ef: {  	v24 =	vadd.f32 v52, v24  }
0x2f0: {  	v55 =	vld.idx.msk [tilespmem:v7+s21+$0x0], $0xffff  }
0x2f1: {  	v24 =	vadd.f32 v53, v24  }
0x2f2: {  	v56 =	vld.idx.msk [tilespmem:v8+s21+$0x0], $0xffff  }
0x2f3: {  	v24 =	vadd.f32 v54, v24  }
0x2f4: {  	v57 =	vld.idx.msk [tilespmem:v9+s21+$0x0], $0xffff  }
0x2f5: {  	v24 =	vadd.f32 v55, v24  }
0x2f6: {  	v58 =	vld.idx.msk [tilespmem:v10+s21+$0x0], $0xffff  }
0x2f7: {  	v24 =	vadd.f32 v56, v24  }
0x2f8: {  	v59 =	vld.idx.msk [tilespmem:v11+s21+$0x0], $0xffff  }
0x2f9: {  	v24 =	vadd.f32 v57, v24  }
0x2fa: {  	v60 =	vld.idx.msk [tilespmem:v12+s21+$0x0], $0xffff  }
0x2fb: {  	v24 =	vadd.f32 v58, v24  }
0x2fc: {  	v61 =	vld.idx.msk [tilespmem:v13+s21+$0x0], $0xffff  }
0x2fd: {  	v24 =	vadd.f32 v59, v24  }
0x2fe: {  	v62 =	vld.idx.msk [tilespmem:v14+s21+$0x0], $0xffff  }
0x2ff: {  	v24 =	vadd.f32 v60, v24  }
0x300: {  	v63 =	vld.idx.msk [tilespmem:v15+s21+$0x0], $0xffff  }
0x301: {  	v24 =	vadd.f32 v61, v24  }
0x302: {  	p1 =	sne.s32 s25, $0x3C0  }
.Ltmp2:
0x303: {  	v24 =	vadd.f32 v62, v24;
	(pc) =	sbr.rel @p1 .LBB2_7-.Ltmp2, $4  }
0x304: {  	_ = 	snop  }
0x305: {  	v24 =	vadd.f32 v63, v24  }
0x306: {  	s26 =	sshra.s32 s25, $0x2  }
0x307: {  	s25 =	sadd.s32 $0x40, s25;
	s22 =	sadd.s32 $0x400, s22;
	[tilespmem:s26+$0x18180] =	vst v24  }
0x308: {  	s17 =	sshll.u32 s17, $0x5;
	p1 =	sne.s32 s18, $0x80  }
.Ltmp3:
0x309: {  	s17 =	sadd.s32 s17, s12;
	(pc) =	sbr.rel @p1 .LBB2_6-.Ltmp3, $4  }
0x30a: {  	[hbm4b:s17+s1] =	stream.linear.scatter [tilespmem:s2], [sflag:$0x5], $0x100, $0x38;
	[tilespmem:$0x18300] =	vst v63  }
0x30b: {  	_ =	swait.ge [sflag:s15], $0x100  }
0x30c: {  	[sflag:s15] =	ssyncset.done $0x0  }
0x30d: {  	p0 =	por !p0, !p0;
	s17 =	smov.u32 s18;
	[sflag:s15] =	ssyncadd.s32 $0xFFFFFF00  }
0x30e: {  	s16 =	sadd.s32 $0x1, s16  }
0x30f: {  	p0 =	sne.s32 s16, s13  }
.Ltmp4:
0x310: {  	_ = 	snop;
	(pc) =	sbr.rel @p0 .LBB2_1-.Ltmp4, $1  }
0x311: {  	_ =	sdelay $0x3  }
0x312: {  	_ =	sfence.sel $0x180000  }
0x313: {  	[bflag:$0x0] =	sbarrier.arrive $0xFFFF  }
0x314: {  	_ =	strace $0x90000047  }
0x315: {  	s0 =	stileid.u32;
	[bflag:$0x2] =	sbarrier.arrive $0xFFFF  }
0x316: {  	p0 =	sne.s32 s0, $0x0;
	s0 =	rddreg [dreg:$0x3]  }
0x317: {  	s0 =	sadd.s32 @!p0 $0x100000, s0  }
0x318: {  	[sflag:s0] =	ssyncadd.tile.s32 @!p0 $0x1;
	_ =	shalt  }
.Lfunc_end2:
_tile_overlayer_lowered:
.L_overlay_start_2:
0x319: {  	(tag) =	ssettag $0x2  }
0x31a: {  	s0 =	rddreg [dreg:$0x0];
	s2 =	stileid.u32  }
0x31b: {  	s1 =	rddreg [dreg:$0x1];
	p0 =	sne.s32 s2, $0x0  }
0x31c: {  	s3 =	rddreg [dreg:$0x2];
	[bflag:$0x3] =	sbarrier.arrive $0xFFFF;
	s2 =	simm.s32 @!p0 $0x1C05  }
0x31d: {  	[timem:s3], [sflag:s2] =	dma.local @!p0 [hbm:s0], s1  }
0x31e: {  	s0 =	simm.s32 @!p0 $0x5  }
0x31f: {  	_ =	swait.ge @!p0 [sflag:s0], s1  }
0x320: {  	s1 =	ssub.s32 @!p0 $0x0, s1;
	[sflag:s0] =	ssyncset.done @!p0 $0x0  }
0x321: {  	[sflag:s0] =	ssyncadd.s32 @!p0 s1  }
0x322: {  	[bflag:$0x3] =	sbarrier.arrive $0xFFFF  }
0x323: {  	_ =	shalt  }

</sc_bundles>
